<compile_context>
chip_gen: v7x
topology: tpu7x:2x2x1
jax: 0.10.2.dev20260603
libtpu: 0.0.44.dev20260713+nightly
codegen_flags: <defaults>
</compile_context>

<pallas_src>
import functools

import jax
import jax.numpy as jnp
from jax import lax
from jax.experimental import pallas as pl
from jax.experimental.pallas import tpu as pltpu
from jax.experimental.pallas import tpu_sc as plsc

N = 50000
E = 800000
IN_DIM = 32
HIDDEN = 64
HALF = HIDDEN // 2
NUM_GRAPHS = 256

CHUNK = 128
NCHUNK = E // CHUNK
NSC = 2
NTILE = 16
NW = NSC * NTILE
RING = 6
ZROWS = 80
NZUNIT = N // ZROWS
FROWS = 1000
NFUNIT = N // FROWS

NP4 = N // 4
PB = 512
NBLK = -(-NP4 // PB)

MAXC0 = NCHUNK // NW + 1
REM0 = NCHUNK - NW * (MAXC0 - 1)
MAXC1 = NCHUNK // NTILE + 1
REM1 = NCHUNK - NTILE * (MAXC1 - 1)


def _zero_fill(zbuf):
    @pl.loop(0, ZROWS)
    def _(r):
        zbuf[r, pl.ds(0, 16)] = jnp.zeros((16,), jnp.float32)
        zbuf[r, pl.ds(16, 16)] = jnp.zeros((16,), jnp.float32)


def _zero_acc(acc_sh, zbuf, sid):
    @pl.loop(0, (NZUNIT + NTILE - 1) // NTILE)
    def _(j):
        t = sid + j * NTILE
        @pl.when(t < NZUNIT)
        def _():
            pltpu.sync_copy(zbuf, acc_sh.at[pl.ds(t * ZROWS, ZROWS)])


def _flush_acc(acc_sh, out_slice, sid):
    @pl.loop(0, (NFUNIT + NTILE - 1) // NTILE)
    def _(j):
        t = sid + j * NTILE
        @pl.when(t < NFUNIT)
        def _():
            pltpu.sync_copy(acc_sh.at[pl.ds(t * FROWS, FROWS)],
                            out_slice.at[pl.ds(t * FROWS, FROWS)])


def _edge_pass(table_hbm, ei_hbm, acc_sh, ibufs, rowbufs, isems, gsems, ssems,
               base, cnt, maxc, idx_xform=None):
    def start_idx(j, b):
        pltpu.async_copy(ei_hbm.at[base + j], ibufs[b], isems[b])

    for b in range(RING):
        @pl.when(b < cnt)
        def _():
            start_idx(b, b)

    @pl.loop(0, (maxc + 4 + RING - 1) // RING)
    def _(s):
        for b in range(RING):
            j = s * RING + b
            bg = (b + RING - 2) % RING
            bs = (b + RING - 4) % RING

            @pl.when(j < cnt)
            def _():
                pltpu.make_async_copy(ei_hbm.at[0], ibufs[b], isems[b]).wait()
                if idx_xform is not None:
                    @pl.loop(0, CHUNK // 16)
                    def _(r):
                        ibufs[b][0, pl.ds(r * 16, 16)] = idx_xform(
                            ibufs[b][0, pl.ds(r * 16, 16)])
                pltpu.async_copy(table_hbm.at[ibufs[b].at[0]], rowbufs[b],
                                 gsems[b])

            @pl.when((j >= 2) & (j < cnt + 2))
            def _():
                pltpu.make_async_copy(table_hbm.at[pl.ds(0, CHUNK)],
                                      rowbufs[bg], gsems[bg]).wait()
                pltpu.async_copy(rowbufs[bg], acc_sh.at[ibufs[bg].at[1]],
                                 ssems[bg], add=True)

            @pl.when((j >= 4) & (j < cnt + 4))
            def _():
                pltpu.make_async_copy(table_hbm.at[pl.ds(0, CHUNK)],
                                      rowbufs[bs], ssems[bs]).wait()
                @pl.when(j + 2 < cnt)
                def _():
                    start_idx(j + 2, bs)


def _sc_scratch(d):
    return ([pltpu.VMEM((2, CHUNK), jnp.int32) for _ in range(RING)]
            + [pltpu.VMEM((CHUNK, d), jnp.float32) for _ in range(RING)]
            + [pltpu.VMEM((ZROWS, d), jnp.float32),
               pltpu.VMEM_SHARED((N, d), jnp.float32)]
            + [pltpu.SemaphoreType.DMA for _ in range(3 * RING)])


def _sc_agg_layer0(x, ei3):
    mesh = plsc.VectorSubcoreMesh(core_axis_name="c", subcore_axis_name="s")

    @functools.partial(
        pl.kernel, mesh=mesh,
        compiler_params=pltpu.CompilerParams(use_tc_tiling_on_sc=False),
        out_type=jax.ShapeDtypeStruct((NSC, N, IN_DIM), jnp.float32),
        scratch_types=_sc_scratch(IN_DIM))
    def k(x_hbm, ei_hbm, out_hbm, *scr):
        ibufs = scr[0:RING]
        rowbufs = scr[RING:2 * RING]
        zbuf = scr[2 * RING]
        acc_sh = scr[2 * RING + 1]
        isems = scr[2 * RING + 2:2 * RING + 2 + RING]
        gsems = scr[2 * RING + 2 + RING:2 * RING + 2 + 2 * RING]
        ssems = scr[2 * RING + 2 + 2 * RING:]
        cid = lax.axis_index("c")
        sid = lax.axis_index("s")
        wid = cid * NTILE + sid
        _zero_fill(zbuf)
        _zero_acc(acc_sh, zbuf, sid)
        plsc.subcore_barrier()
        base = wid * (MAXC0 - 1) + jnp.minimum(wid, REM0)
        cnt = jnp.where(wid < REM0, MAXC0, MAXC0 - 1)
        _edge_pass(x_hbm, ei_hbm, acc_sh, ibufs, rowbufs, isems, gsems, ssems,
                   base, cnt, MAXC0)
        plsc.subcore_barrier()
        _flush_acc(acc_sh, out_hbm.at[cid], sid)

    return k(x, ei3)


def _sc_agg_layer1(h_lin, ei3):
    mesh = plsc.VectorSubcoreMesh(core_axis_name="c", subcore_axis_name="s")

    @functools.partial(
        pl.kernel, mesh=mesh,
        compiler_params=pltpu.CompilerParams(use_tc_tiling_on_sc=False),
        out_type=jax.ShapeDtypeStruct((NSC, N, HALF), jnp.float32),
        scratch_types=_sc_scratch(HALF))
    def k(h_hbm, ei_hbm, out_hbm, *scr):
        ibufs = scr[0:RING]
        rowbufs = scr[RING:2 * RING]
        zbuf = scr[2 * RING]
        acc_sh = scr[2 * RING + 1]
        isems = scr[2 * RING + 2:2 * RING + 2 + RING]
        gsems = scr[2 * RING + 2 + RING:2 * RING + 2 + 2 * RING]
        ssems = scr[2 * RING + 2 + 2 * RING:]
        cid = lax.axis_index("c")
        sid = lax.axis_index("s")
        _zero_fill(zbuf)
        _zero_acc(acc_sh, zbuf, sid)
        plsc.subcore_barrier()
        base = sid * (MAXC1 - 1) + jnp.minimum(sid, REM1)
        cnt = jnp.where(sid < REM1, MAXC1, MAXC1 - 1)

        def xform(v):
            kk = v & 3
            return ((kk >> 1) * N + (v - kk) + ((kk & 1) << 1) + cid)

        _edge_pass(h_hbm, ei_hbm, acc_sh, ibufs, rowbufs, isems, gsems,
                   ssems, base, cnt, MAXC1, idx_xform=xform)
        plsc.subcore_barrier()
        _flush_acc(acc_sh, out_hbm.at[cid], sid)

    return k(h_lin, ei3)


def _tc_layer0(agg_packed, x_packed, W_rel, b_rel, W_root):
    def body(agg_ref, x_ref, wr_ref, br_ref, wo_ref, h_ref):
        pa = agg_ref[0] + agg_ref[1]
        px = x_ref[...]
        hs = []
        for k in range(4):
            z = jnp.dot(pa[:, 32 * k:32 * k + 32], wr_ref[...],
                        preferred_element_type=jnp.float32)
            z += jnp.dot(px[:, 32 * k:32 * k + 32], wo_ref[...],
                         preferred_element_type=jnp.float32)
            hs.append(jnp.maximum(z + br_ref[...], 0.0))
        h_ref[0] = jnp.concatenate([hs[0], hs[1]], axis=1)
        h_ref[1] = jnp.concatenate([hs[2], hs[3]], axis=1)

    return pl.pallas_call(
        body,
        grid=(NBLK,),
        in_specs=[
            pl.BlockSpec((NSC, PB, 128), lambda i: (0, i, 0)),
            pl.BlockSpec((PB, 128), lambda i: (i, 0)),
            pl.BlockSpec((IN_DIM, HIDDEN), lambda i: (0, 0)),
            pl.BlockSpec((1, HIDDEN), lambda i: (0, 0)),
            pl.BlockSpec((IN_DIM, HIDDEN), lambda i: (0, 0)),
        ],
        out_specs=pl.BlockSpec((2, PB, 128), lambda i: (0, i, 0)),
        out_shape=jax.ShapeDtypeStruct((2, NP4, 128), jnp.float32),
    )(agg_packed, x_packed, W_rel, b_rel, W_root)


def _tc_hproj(h_banked, W_root, b_rel):
    def body(h_ref, wo_ref, br_ref, hr_ref):
        for q in range(2):
            parts = []
            for s in range(2):
                z = jnp.dot(h_ref[q][:, s * HIDDEN:s * HIDDEN + HIDDEN],
                            wo_ref[...], preferred_element_type=jnp.float32)
                parts.append(z + br_ref[...])
            hr_ref[q] = jnp.concatenate(parts, axis=1)

    return pl.pallas_call(
        body,
        grid=(NBLK,),
        in_specs=[
            pl.BlockSpec((2, PB, 128), lambda i: (0, i, 0)),
            pl.BlockSpec((HIDDEN, HIDDEN), lambda i: (0, 0)),
            pl.BlockSpec((1, HIDDEN), lambda i: (0, 0)),
        ],
        out_specs=pl.BlockSpec((2, PB, 128), lambda i: (0, i, 0)),
        out_shape=jax.ShapeDtypeStruct((2, NP4, 128), jnp.float32),
    )(h_banked, W_root, b_rel)


def _tc_layer1_pool(agg_packed, hr_banked, batch4, W_rel):
    def body(agg_ref, h_ref, b4_ref, wr_ref,
             pool_ref, cnt_ref):
        i = pl.program_id(0)
        valid = (lax.broadcasted_iota(jnp.int32, (PB, 1), 0) + i * PB) < NP4
        psum = jnp.zeros((NUM_GRAPHS, HIDDEN), jnp.float32)
        csum = jnp.zeros((NUM_GRAPHS, 8), jnp.float32)
        ones8 = jnp.ones((PB, 8), jnp.bfloat16)
        for k in range(4):
            agg = jnp.concatenate([agg_ref[0][:, 32 * k:32 * k + 32],
                                   agg_ref[1][:, 32 * k:32 * k + 32]], axis=1)
            hrk = h_ref[k >> 1][:, (k & 1) * HIDDEN:(k & 1) * HIDDEN + HIDDEN]
            h2 = jnp.dot(agg, wr_ref[...], preferred_element_type=jnp.float32)
            h2 = jnp.maximum(h2 + hrk, 0.0)
            h2 = jnp.where(valid, h2, 0.0)
            bids = b4_ref[k, :]
            onehot = ((bids[:, None]
                       == lax.broadcasted_iota(jnp.int32, (PB, NUM_GRAPHS), 1))
                      & valid).astype(jnp.bfloat16)
            psum += lax.dot_general(onehot, h2.astype(jnp.bfloat16),
                                    (((0,), (0,)), ((), ())),
                                    preferred_element_type=jnp.float32)
            csum += lax.dot_general(onehot, ones8, (((0,), (0,)), ((), ())),
                                    preferred_element_type=jnp.float32)

        @pl.when(i == 0)
        def _():
            pool_ref[...] = jnp.zeros_like(pool_ref)
            cnt_ref[...] = jnp.zeros_like(cnt_ref)

        pool_ref[...] += psum
        cnt_ref[...] += csum

    return pl.pallas_call(
        body,
        grid=(NBLK,),
        in_specs=[
            pl.BlockSpec((NSC, PB, 128), lambda i: (0, i, 0)),
            pl.BlockSpec((2, PB, 128), lambda i: (0, i, 0)),
            pl.BlockSpec((4, PB), lambda i: (0, i)),
            pl.BlockSpec((HIDDEN, HIDDEN), lambda i: (0, 0)),
        ],
        out_specs=[
            pl.BlockSpec((NUM_GRAPHS, HIDDEN), lambda i: (0, 0)),
            pl.BlockSpec((NUM_GRAPHS, 8), lambda i: (0, 0)),
        ],
        out_shape=[
            jax.ShapeDtypeStruct((NUM_GRAPHS, HIDDEN), jnp.float32),
            jax.ShapeDtypeStruct((NUM_GRAPHS, 8), jnp.float32),
        ],
    )(agg_packed, hr_banked, batch4, W_rel)


def _tc_head(pool, cnt, Wh1, bh1, Wh2, bh2):
    def body(pool_ref, cnt_ref, w1_ref, b1_ref, w2_ref, b2_ref, out_ref):
        s = pool_ref[...]
        counts = jnp.maximum(cnt_ref[:, 0:1], 1.0)
        g = jnp.concatenate([s / counts, s], axis=1)
        hid = jnp.dot(g, w1_ref[...], preferred_element_type=jnp.float32)
        hid = jnp.maximum(hid + b1_ref[...], 0.0)
        out = jnp.dot(hid, w2_ref[...], preferred_element_type=jnp.float32)
        out_ref[...] = out + b2_ref[...]

    return pl.pallas_call(
        body,
        out_shape=jax.ShapeDtypeStruct((NUM_GRAPHS, 1), jnp.float32),
    )(pool, cnt, Wh1, bh1, Wh2, bh2)


def kernel(x, edge_index, batch,
           W_rel0, b_rel0, W_root0,
           W_rel1, b_rel1, W_root1,
           Wh1, bh1, Wh2, bh2):
    ei3 = edge_index.reshape(2, NCHUNK, CHUNK).transpose(1, 0, 2)
    batch4 = batch.reshape(NP4, 4).T
    x_packed = lax.optimization_barrier(x.reshape(NP4, 128))

    agg0 = _sc_agg_layer0(x_packed.reshape(N, IN_DIM), ei3)
    h_banked = _tc_layer0(agg0.reshape(NSC, NP4, 128), x_packed,
                          W_rel0, b_rel0.reshape(1, HIDDEN), W_root0)
    agg1 = _sc_agg_layer1(h_banked.reshape(4 * NP4 * 2, HALF), ei3)
    hr = _tc_hproj(h_banked, W_root1, b_rel1.reshape(1, HIDDEN))
    pool, cnt = _tc_layer1_pool(agg1.reshape(NSC, NP4, 128), hr, batch4,
                                W_rel1)
    out = _tc_head(pool, cnt, Wh1, bh1.reshape(1, HIDDEN), Wh2,
                   bh2.reshape(1, 1))
    return out.reshape(NUM_GRAPHS)

# --- scband reference (transcript-rebuilt; emitter-appended) ---
"""Pipeline reference for scband-graph-conv-decoder-45320494907734 (READ-ONLY COPY).

The authoritative reference and input builder live on the scoring server;
editing this copy changes nothing except your own understanding.
"""

import jax, jax.numpy as jnp
import numpy as np

N = 50000
E = 800000
IN_DIM = 32
HIDDEN = 64
NUM_GRAPHS = 256


def setup_inputs(seed: int = 0) -> dict:
    key = jax.random.key(seed)
    ks = jax.random.split(key, 14)
    x = jax.random.normal(ks[0], (N, IN_DIM), dtype=jnp.float32)
    edge_index = jax.random.randint(ks[1], (2, E), 0, N, dtype=jnp.int32)
    batch = jnp.sort(jax.random.randint(ks[2], (N,), 0, NUM_GRAPHS, dtype=jnp.int32))
    # GraphConv layer 0: in_dim -> hidden  (lin_rel has bias, lin_root has no bias, PyG convention)
    W_rel0 = jax.random.normal(ks[3], (IN_DIM, HIDDEN), dtype=jnp.float32) / np.sqrt(IN_DIM)
    b_rel0 = jnp.zeros((HIDDEN,), dtype=jnp.float32)
    W_root0 = jax.random.normal(ks[4], (IN_DIM, HIDDEN), dtype=jnp.float32) / np.sqrt(IN_DIM)
    # GraphConv layer 1: hidden -> hidden
    W_rel1 = jax.random.normal(ks[5], (HIDDEN, HIDDEN), dtype=jnp.float32) / np.sqrt(HIDDEN)
    b_rel1 = jnp.zeros((HIDDEN,), dtype=jnp.float32)
    W_root1 = jax.random.normal(ks[6], (HIDDEN, HIDDEN), dtype=jnp.float32) / np.sqrt(HIDDEN)
    # Head: Linear(2*hidden, hidden) -> ReLU -> Linear(hidden, 1)
    Wh1 = jax.random.normal(ks[7], (2 * HIDDEN, HIDDEN), dtype=jnp.float32) / np.sqrt(2 * HIDDEN)
    bh1 = jnp.zeros((HIDDEN,), dtype=jnp.float32)
    Wh2 = jax.random.normal(ks[8], (HIDDEN, 1), dtype=jnp.float32) / np.sqrt(HIDDEN)
    bh2 = jnp.zeros((1,), dtype=jnp.float32)
    return {
        'x': x, 'edge_index': edge_index, 'batch': batch,
        'W_rel0': W_rel0, 'b_rel0': b_rel0, 'W_root0': W_root0,
        'W_rel1': W_rel1, 'b_rel1': b_rel1, 'W_root1': W_root1,
        'Wh1': Wh1, 'bh1': bh1, 'Wh2': Wh2, 'bh2': bh2,
    }


def _graph_conv(x, src, dst, W_rel, b_rel, W_root):
    # PyG GraphConv: out = lin_rel(sum_{j in N(i)} x_j) + lin_root(x_i)
    msgs = jnp.take(x, src, axis=0)                      # gather  [E, d]
    agg = jax.ops.segment_sum(msgs, dst, num_segments=N)  # scatter-add [N, d]
    return agg @ W_rel + b_rel + x @ W_root


def reference(x, edge_index, batch,
              W_rel0, b_rel0, W_root0,
              W_rel1, b_rel1, W_root1,
              Wh1, bh1, Wh2, bh2):
    src = edge_index[0]
    dst = edge_index[1]
    h = jax.nn.relu(_graph_conv(x, src, dst, W_rel0, b_rel0, W_root0))
    h = jax.nn.relu(_graph_conv(h, src, dst, W_rel1, b_rel1, W_root1))
    # global_mean_pool and global_add_pool over batch ids
    sum_pool = jax.ops.segment_sum(h, batch, num_segments=NUM_GRAPHS)
    counts = jax.ops.segment_sum(jnp.ones((N,), dtype=jnp.float32), batch, num_segments=NUM_GRAPHS)
    mean_pool = sum_pool / jnp.clip(counts, 1.0)[:, None]
    g = jnp.concatenate([mean_pool, sum_pool], axis=1)   # [NUM_GRAPHS, 2*hidden]
    hid = jax.nn.relu(g @ Wh1 + bh1)
    out = (hid @ Wh2 + bh2).squeeze(-1)                  # [NUM_GRAPHS]
    return out

if __name__ == "__main__":
    import jax
    _d = setup_inputs()
    print(jax.jit(kernel)(*tuple(_d.values())))

</pallas_src>

<mosaic_0001>
#map = affine_map<(d0, d1) -> (0, 0)>
#map1 = affine_map<(d0, d1) -> (0, 0, 0)>
module attributes {stable_mosaic.version = 14 : i64} {
  func.func @k(%arg0: i32, %arg1: i32, %arg2: memref<50000x32xf32, #tpu.memory_space<hbm>>, %arg3: memref<6250x2x128xi32, #tpu.memory_space<hbm>>, %arg4: memref<2x50000x32xf32, #tpu.memory_space<hbm>>, %arg5: memref<2x128xi32, #tpu.memory_space<vmem>>, %arg6: memref<2x128xi32, #tpu.memory_space<vmem>>, %arg7: memref<2x128xi32, #tpu.memory_space<vmem>>, %arg8: memref<2x128xi32, #tpu.memory_space<vmem>>, %arg9: memref<2x128xi32, #tpu.memory_space<vmem>>, %arg10: memref<2x128xi32, #tpu.memory_space<vmem>>, %arg11: memref<128x32xf32, #tpu.memory_space<vmem>>, %arg12: memref<128x32xf32, #tpu.memory_space<vmem>>, %arg13: memref<128x32xf32, #tpu.memory_space<vmem>>, %arg14: memref<128x32xf32, #tpu.memory_space<vmem>>, %arg15: memref<128x32xf32, #tpu.memory_space<vmem>>, %arg16: memref<128x32xf32, #tpu.memory_space<vmem>>, %arg17: memref<80x32xf32, #tpu.memory_space<vmem>>, %arg18: memref<50000x32xf32, #tpu.memory_space<vmem_shared>>, %arg19: memref<!tpu.dma_semaphore, #tpu.memory_space<semaphore_mem>>, %arg20: memref<!tpu.dma_semaphore, #tpu.memory_space<semaphore_mem>>, %arg21: memref<!tpu.dma_semaphore, #tpu.memory_space<semaphore_mem>>, %arg22: memref<!tpu.dma_semaphore, #tpu.memory_space<semaphore_mem>>, %arg23: memref<!tpu.dma_semaphore, #tpu.memory_space<semaphore_mem>>, %arg24: memref<!tpu.dma_semaphore, #tpu.memory_space<semaphore_mem>>, %arg25: memref<!tpu.dma_semaphore, #tpu.memory_space<semaphore_mem>>, %arg26: memref<!tpu.dma_semaphore, #tpu.memory_space<semaphore_mem>>, %arg27: memref<!tpu.dma_semaphore, #tpu.memory_space<semaphore_mem>>, %arg28: memref<!tpu.dma_semaphore, #tpu.memory_space<semaphore_mem>>, %arg29: memref<!tpu.dma_semaphore, #tpu.memory_space<semaphore_mem>>, %arg30: memref<!tpu.dma_semaphore, #tpu.memory_space<semaphore_mem>>, %arg31: memref<!tpu.dma_semaphore, #tpu.memory_space<semaphore_mem>>, %arg32: memref<!tpu.dma_semaphore, #tpu.memory_space<semaphore_mem>>, %arg33: memref<!tpu.dma_semaphore, #tpu.memory_space<semaphore_mem>>, %arg34: memref<!tpu.dma_semaphore, #tpu.memory_space<semaphore_mem>>, %arg35: memref<!tpu.dma_semaphore, #tpu.memory_space<semaphore_mem>>, %arg36: memref<!tpu.dma_semaphore, #tpu.memory_space<semaphore_mem>>) attributes {dimension_semantics = [#tpu.dimension_semantics<core_parallel>, #tpu.dimension_semantics<subcore_parallel>], iteration_bounds = array<i64: 2, 16>, scalar_prefetch = 0 : i64, scratch_operands = 32 : i64, tpu.core_type = #tpu.core_type<sc_vector_subcore>, window_params = [{transform_indices = #map}, {transform_indices = #map1}, {transform_indices = #map1}]} {
    %mul3A = arith.constant 16 : i32
    %mul3A_0 = arith.muli %arg0, %mul3A : i32
    %add3A = arith.addi %mul3A_0, %arg1 : i32
    %scan3A = arith.constant 0 : i32
    %scan3A_1 = arith.constant 80 : i32
    %scan3A_2 = arith.addi %scan3A, %scan3A_1 : i32
    %scan3A_3 = arith.constant 1 : i32
    scf.for %scan3A_54 = %scan3A to %scan3A_2 step %scan3A_3  : i32 {
      %mul3A_55 = arith.constant 1 : i32
      %mul3A_56 = arith.muli %scan3A_54, %mul3A_55 : i32
      %add3A_57 = arith.constant 0 : i32
      %add3A_58 = arith.addi %add3A_57, %mul3A_56 : i32
      %broadcast_in_dim3A = arith.constant 0.000000e+00 : f32
      %broadcast_in_dim3A_59 = vector.broadcast %broadcast_in_dim3A : f32 to vector<16xf32>
      %swap3A = arith.index_cast %add3A_58 : i32 to index
      %swap3A_60 = arith.constant 0 : index
      %swap3A_61 = tpu.vector_load %arg17[%swap3A, %swap3A_60] {strides = array<i32>} : memref<80x32xf32, #tpu.memory_space<vmem>>, vector<1x16xf32>,
      %swap3A_62 = vector.shape_cast %swap3A_61 : vector<1x16xf32> to vector<16xf32>
      %swap3A_63 = vector.shape_cast %broadcast_in_dim3A_59 : vector<16xf32> to vector<1x16xf32>
      tpu.vector_store %arg17[%swap3A, %swap3A_60], %swap3A_63 {strides = array<i32>} : memref<80x32xf32, #tpu.memory_space<vmem>>, vector<1x16xf32>,
      %broadcast_in_dim3A_64 = arith.constant 0.000000e+00 : f32
      %broadcast_in_dim3A_65 = vector.broadcast %broadcast_in_dim3A_64 : f32 to vector<16xf32>
      %swap3A_66 = arith.index_cast %add3A_58 : i32 to index
      %swap3A_67 = arith.constant 16 : index
      %swap3A_68 = tpu.vector_load %arg17[%swap3A_66, %swap3A_67] {strides = array<i32>} : memref<80x32xf32, #tpu.memory_space<vmem>>, vector<1x16xf32>,
      %swap3A_69 = vector.shape_cast %swap3A_68 : vector<1x16xf32> to vector<16xf32>
      %swap3A_70 = vector.shape_cast %broadcast_in_dim3A_65 : vector<16xf32> to vector<1x16xf32>
      tpu.vector_store %arg17[%swap3A_66, %swap3A_67], %swap3A_70 {strides = array<i32>} : memref<80x32xf32, #tpu.memory_space<vmem>>, vector<1x16xf32>,
    }
    %scan3A_4 = arith.constant 80 : i32
    %scan3A_5 = arith.constant 0 : i32
    %scan3A_6 = arith.constant 40 : i32
    %scan3A_7 = arith.addi %scan3A_5, %scan3A_6 : i32
    %scan3A_8 = arith.constant 1 : i32
    scf.for %scan3A_54 = %scan3A_5 to %scan3A_7 step %scan3A_8  : i32 {
      %mul3A_55 = arith.constant 1 : i32
      %mul3A_56 = arith.muli %scan3A_54, %mul3A_55 : i32
      %add3A_57 = arith.constant 0 : i32
      %add3A_58 = arith.addi %add3A_57, %mul3A_56 : i32
      %mul3A_59 = arith.constant 16 : i32
      %mul3A_60 = arith.muli %add3A_58, %mul3A_59 : i32
      %add3A_61 = arith.addi %arg1, %mul3A_60 : i32
      %lt3A_62 = arith.constant 625 : i32
      %lt3A_63 = arith.cmpi slt, %add3A_61, %lt3A_62 : i32
      %convert_element_type3A_64 = arith.extui %lt3A_63 : i1 to i32
      %cond3A_65 = arith.constant 0 : i32
      %cond3A_66 = arith.cmpi ne, %convert_element_type3A_64, %cond3A_65 : i32
      scf.if %cond3A_66 {
        %mul3A_67 = arith.constant 80 : i32
        %mul3A_68 = arith.muli %add3A_61, %mul3A_67 : i32
        "tpu.region"() ({
          %run_scoped3A = tpu.sem_alloc : memref<!tpu.dma_semaphore, #tpu.memory_space<semaphore_mem>>
          %dma_start3A = arith.constant 0 : i32
          %dma_start3A_69 = tpu.memref_slice %arg18[%mul3A_68, %dma_start3A] : memref<50000x32xf32, #tpu.memory_space<vmem_shared>> -> memref<80x32xf32, #tpu.memory_space<vmem_shared>>
          %dma_start3A_70 = arith.constant 0 : i32
          %dma_start3A_71 = tpu.memref_slice %arg18[%mul3A_68, %dma_start3A_70] : memref<50000x32xf32, #tpu.memory_space<vmem_shared>> -> memref<80x32xf32, #tpu.memory_space<vmem_shared>>
          tpu.enqueue_dma source(%arg17 : memref<80x32xf32, #tpu.memory_space<vmem>>) target(%dma_start3A_71 : memref<80x32xf32, #tpu.memory_space<vmem_shared>>) target_semaphore(%run_scoped3A : memref<!tpu.dma_semaphore, #tpu.memory_space<semaphore_mem>>)
          %dma_wait3A = arith.constant 0 : i32
          %dma_wait3A_72 = tpu.memref_slice %arg18[%mul3A_68, %dma_wait3A] : memref<50000x32xf32, #tpu.memory_space<vmem_shared>> -> memref<80x32xf32, #tpu.memory_space<vmem_shared>>
          %dma_wait3A_73 = arith.constant 0 : i32
          %dma_wait3A_74 = tpu.memref_slice %arg18[%mul3A_68, %dma_wait3A_73] : memref<50000x32xf32, #tpu.memory_space<vmem_shared>> -> memref<80x32xf32, #tpu.memory_space<vmem_shared>>
          tpu.wait_dma2 semaphore(%run_scoped3A : memref<!tpu.dma_semaphore, #tpu.memory_space<semaphore_mem>>) src(%arg17 : memref<80x32xf32, #tpu.memory_space<vmem>>) dst(%dma_wait3A_74 : memref<80x32xf32, #tpu.memory_space<vmem_shared>>)
          tpu.yield
        }) : () -> ()
      } else {
      }
    }
    %scan3A_9 = arith.constant 40 : i32
    %barrier3A = arith.constant 0 : index
    tpu.barrier barrier_id(%barrier3A)
    %mul3A_10 = arith.constant 195 : i32
    %mul3A_11 = arith.muli %add3A, %mul3A_10 : i32
    %min3A = arith.constant 10 : i32
    %min3A_12 = arith.minsi %add3A, %min3A : i32
    %add3A_13 = arith.addi %mul3A_11, %min3A_12 : i32
    %lt3A = arith.constant 10 : i32
    %lt3A_14 = arith.cmpi slt, %add3A, %lt3A : i32
    %jit3A = arith.constant 196 : i32
    %jit3A_15 = arith.constant 195 : i32
    %select_n3A = arith.select %lt3A_14, %jit3A, %jit3A_15 : i32
    %gt3A = arith.constant 0 : i32
    %gt3A_16 = arith.cmpi sgt, %select_n3A, %gt3A : i32
    %convert_element_type3A = arith.extui %gt3A_16 : i1 to i32
    %cond3A = arith.constant 0 : i32
    %cond3A_17 = arith.cmpi ne, %convert_element_type3A, %cond3A : i32
    scf.if %cond3A_17 {
      %add3A_54 = arith.constant 0 : i32
      %add3A_55 = arith.addi %add3A_13, %add3A_54 : i32
      %dma_start3A = arith.constant 0 : i32
      %dma_start3A_56 = arith.constant 0 : i32
      %dma_start3A_57 = tpu.memref_slice %arg3[%add3A_55, %dma_start3A, %dma_start3A_56] : memref<6250x2x128xi32, #tpu.memory_space<hbm>> -> memref<1x2x128xi32, #tpu.memory_space<hbm>>
      %dma_start3A_58 = tpu.memref_squeeze %dma_start3A_57 : memref<1x2x128xi32, #tpu.memory_space<hbm>> -> memref<2x128xi32, #tpu.memory_space<hbm>>
      %dma_start3A_59 = arith.constant 0 : i32
      %dma_start3A_60 = arith.constant 0 : i32
      %dma_start3A_61 = tpu.memref_slice %arg3[%add3A_55, %dma_start3A_59, %dma_start3A_60] : memref<6250x2x128xi32, #tpu.memory_space<hbm>> -> memref<1x2x128xi32, #tpu.memory_space<hbm>>
      %dma_start3A_62 = tpu.memref_squeeze %dma_start3A_61 : memref<1x2x128xi32, #tpu.memory_space<hbm>> -> memref<2x128xi32, #tpu.memory_space<hbm>>
      tpu.enqueue_dma source(%dma_start3A_62 : memref<2x128xi32, #tpu.memory_space<hbm>>) target(%arg5 : memref<2x128xi32, #tpu.memory_space<vmem>>) target_semaphore(%arg19 : memref<!tpu.dma_semaphore, #tpu.memory_space<semaphore_mem>>)
    } else {
    }
    %gt3A_18 = arith.constant 1 : i32
    %gt3A_19 = arith.cmpi sgt, %select_n3A, %gt3A_18 : i32
    %convert_element_type3A_20 = arith.extui %gt3A_19 : i1 to i32
    %cond3A_21 = arith.constant 0 : i32
    %cond3A_22 = arith.cmpi ne, %convert_element_type3A_20, %cond3A_21 : i32
    scf.if %cond3A_22 {
      %add3A_54 = arith.constant 1 : i32
      %add3A_55 = arith.addi %add3A_13, %add3A_54 : i32
      %dma_start3A = arith.constant 0 : i32
      %dma_start3A_56 = arith.constant 0 : i32
      %dma_start3A_57 = tpu.memref_slice %arg3[%add3A_55, %dma_start3A, %dma_start3A_56] : memref<6250x2x128xi32, #tpu.memory_space<hbm>> -> memref<1x2x128xi32, #tpu.memory_space<hbm>>
      %dma_start3A_58 = tpu.memref_squeeze %dma_start3A_57 : memref<1x2x128xi32, #tpu.memory_space<hbm>> -> memref<2x128xi32, #tpu.memory_space<hbm>>
      %dma_start3A_59 = arith.constant 0 : i32
      %dma_start3A_60 = arith.constant 0 : i32
      %dma_start3A_61 = tpu.memref_slice %arg3[%add3A_55, %dma_start3A_59, %dma_start3A_60] : memref<6250x2x128xi32, #tpu.memory_space<hbm>> -> memref<1x2x128xi32, #tpu.memory_space<hbm>>
      %dma_start3A_62 = tpu.memref_squeeze %dma_start3A_61 : memref<1x2x128xi32, #tpu.memory_space<hbm>> -> memref<2x128xi32, #tpu.memory_space<hbm>>
      tpu.enqueue_dma source(%dma_start3A_62 : memref<2x128xi32, #tpu.memory_space<hbm>>) target(%arg6 : memref<2x128xi32, #tpu.memory_space<vmem>>) target_semaphore(%arg20 : memref<!tpu.dma_semaphore, #tpu.memory_space<semaphore_mem>>)
    } else {
    }
    %gt3A_23 = arith.constant 2 : i32
    %gt3A_24 = arith.cmpi sgt, %select_n3A, %gt3A_23 : i32
    %convert_element_type3A_25 = arith.extui %gt3A_24 : i1 to i32
    %cond3A_26 = arith.constant 0 : i32
    %cond3A_27 = arith.cmpi ne, %convert_element_type3A_25, %cond3A_26 : i32
    scf.if %cond3A_27 {
      %add3A_54 = arith.constant 2 : i32
      %add3A_55 = arith.addi %add3A_13, %add3A_54 : i32
      %dma_start3A = arith.constant 0 : i32
      %dma_start3A_56 = arith.constant 0 : i32
      %dma_start3A_57 = tpu.memref_slice %arg3[%add3A_55, %dma_start3A, %dma_start3A_56] : memref<6250x2x128xi32, #tpu.memory_space<hbm>> -> memref<1x2x128xi32, #tpu.memory_space<hbm>>
      %dma_start3A_58 = tpu.memref_squeeze %dma_start3A_57 : memref<1x2x128xi32, #tpu.memory_space<hbm>> -> memref<2x128xi32, #tpu.memory_space<hbm>>
      %dma_start3A_59 = arith.constant 0 : i32
      %dma_start3A_60 = arith.constant 0 : i32
      %dma_start3A_61 = tpu.memref_slice %arg3[%add3A_55, %dma_start3A_59, %dma_start3A_60] : memref<6250x2x128xi32, #tpu.memory_space<hbm>> -> memref<1x2x128xi32, #tpu.memory_space<hbm>>
      %dma_start3A_62 = tpu.memref_squeeze %dma_start3A_61 : memref<1x2x128xi32, #tpu.memory_space<hbm>> -> memref<2x128xi32, #tpu.memory_space<hbm>>
      tpu.enqueue_dma source(%dma_start3A_62 : memref<2x128xi32, #tpu.memory_space<hbm>>) target(%arg7 : memref<2x128xi32, #tpu.memory_space<vmem>>) target_semaphore(%arg21 : memref<!tpu.dma_semaphore, #tpu.memory_space<semaphore_mem>>)
    } else {
    }
    %gt3A_28 = arith.constant 3 : i32
    %gt3A_29 = arith.cmpi sgt, %select_n3A, %gt3A_28 : i32
    %convert_element_type3A_30 = arith.extui %gt3A_29 : i1 to i32
    %cond3A_31 = arith.constant 0 : i32
    %cond3A_32 = arith.cmpi ne, %convert_element_type3A_30, %cond3A_31 : i32
    scf.if %cond3A_32 {
      %add3A_54 = arith.constant 3 : i32
      %add3A_55 = arith.addi %add3A_13, %add3A_54 : i32
      %dma_start3A = arith.constant 0 : i32
      %dma_start3A_56 = arith.constant 0 : i32
      %dma_start3A_57 = tpu.memref_slice %arg3[%add3A_55, %dma_start3A, %dma_start3A_56] : memref<6250x2x128xi32, #tpu.memory_space<hbm>> -> memref<1x2x128xi32, #tpu.memory_space<hbm>>
      %dma_start3A_58 = tpu.memref_squeeze %dma_start3A_57 : memref<1x2x128xi32, #tpu.memory_space<hbm>> -> memref<2x128xi32, #tpu.memory_space<hbm>>
      %dma_start3A_59 = arith.constant 0 : i32
      %dma_start3A_60 = arith.constant 0 : i32
      %dma_start3A_61 = tpu.memref_slice %arg3[%add3A_55, %dma_start3A_59, %dma_start3A_60] : memref<6250x2x128xi32, #tpu.memory_space<hbm>> -> memref<1x2x128xi32, #tpu.memory_space<hbm>>
      %dma_start3A_62 = tpu.memref_squeeze %dma_start3A_61 : memref<1x2x128xi32, #tpu.memory_space<hbm>> -> memref<2x128xi32, #tpu.memory_space<hbm>>
      tpu.enqueue_dma source(%dma_start3A_62 : memref<2x128xi32, #tpu.memory_space<hbm>>) target(%arg8 : memref<2x128xi32, #tpu.memory_space<vmem>>) target_semaphore(%arg22 : memref<!tpu.dma_semaphore, #tpu.memory_space<semaphore_mem>>)
    } else {
    }
    %gt3A_33 = arith.constant 4 : i32
    %gt3A_34 = arith.cmpi sgt, %select_n3A, %gt3A_33 : i32
    %convert_element_type3A_35 = arith.extui %gt3A_34 : i1 to i32
    %cond3A_36 = arith.constant 0 : i32
    %cond3A_37 = arith.cmpi ne, %convert_element_type3A_35, %cond3A_36 : i32
    scf.if %cond3A_37 {
      %add3A_54 = arith.constant 4 : i32
      %add3A_55 = arith.addi %add3A_13, %add3A_54 : i32
      %dma_start3A = arith.constant 0 : i32
      %dma_start3A_56 = arith.constant 0 : i32
      %dma_start3A_57 = tpu.memref_slice %arg3[%add3A_55, %dma_start3A, %dma_start3A_56] : memref<6250x2x128xi32, #tpu.memory_space<hbm>> -> memref<1x2x128xi32, #tpu.memory_space<hbm>>
      %dma_start3A_58 = tpu.memref_squeeze %dma_start3A_57 : memref<1x2x128xi32, #tpu.memory_space<hbm>> -> memref<2x128xi32, #tpu.memory_space<hbm>>
      %dma_start3A_59 = arith.constant 0 : i32
      %dma_start3A_60 = arith.constant 0 : i32
      %dma_start3A_61 = tpu.memref_slice %arg3[%add3A_55, %dma_start3A_59, %dma_start3A_60] : memref<6250x2x128xi32, #tpu.memory_space<hbm>> -> memref<1x2x128xi32, #tpu.memory_space<hbm>>
      %dma_start3A_62 = tpu.memref_squeeze %dma_start3A_61 : memref<1x2x128xi32, #tpu.memory_space<hbm>> -> memref<2x128xi32, #tpu.memory_space<hbm>>
      tpu.enqueue_dma source(%dma_start3A_62 : memref<2x128xi32, #tpu.memory_space<hbm>>) target(%arg9 : memref<2x128xi32, #tpu.memory_space<vmem>>) target_semaphore(%arg23 : memref<!tpu.dma_semaphore, #tpu.memory_space<semaphore_mem>>)
    } else {
    }
    %gt3A_38 = arith.constant 5 : i32
    %gt3A_39 = arith.cmpi sgt, %select_n3A, %gt3A_38 : i32
    %convert_element_type3A_40 = arith.extui %gt3A_39 : i1 to i32
    %cond3A_41 = arith.constant 0 : i32
    %cond3A_42 = arith.cmpi ne, %convert_element_type3A_40, %cond3A_41 : i32
    scf.if %cond3A_42 {
      %add3A_54 = arith.constant 5 : i32
      %add3A_55 = arith.addi %add3A_13, %add3A_54 : i32
      %dma_start3A = arith.constant 0 : i32
      %dma_start3A_56 = arith.constant 0 : i32
      %dma_start3A_57 = tpu.memref_slice %arg3[%add3A_55, %dma_start3A, %dma_start3A_56] : memref<6250x2x128xi32, #tpu.memory_space<hbm>> -> memref<1x2x128xi32, #tpu.memory_space<hbm>>
      %dma_start3A_58 = tpu.memref_squeeze %dma_start3A_57 : memref<1x2x128xi32, #tpu.memory_space<hbm>> -> memref<2x128xi32, #tpu.memory_space<hbm>>
      %dma_start3A_59 = arith.constant 0 : i32
      %dma_start3A_60 = arith.constant 0 : i32
      %dma_start3A_61 = tpu.memref_slice %arg3[%add3A_55, %dma_start3A_59, %dma_start3A_60] : memref<6250x2x128xi32, #tpu.memory_space<hbm>> -> memref<1x2x128xi32, #tpu.memory_space<hbm>>
      %dma_start3A_62 = tpu.memref_squeeze %dma_start3A_61 : memref<1x2x128xi32, #tpu.memory_space<hbm>> -> memref<2x128xi32, #tpu.memory_space<hbm>>
      tpu.enqueue_dma source(%dma_start3A_62 : memref<2x128xi32, #tpu.memory_space<hbm>>) target(%arg10 : memref<2x128xi32, #tpu.memory_space<vmem>>) target_semaphore(%arg24 : memref<!tpu.dma_semaphore, #tpu.memory_space<semaphore_mem>>)
    } else {
    }
    %scan3A_43 = arith.constant 0 : i32
    %scan3A_44 = arith.constant 34 : i32
    %scan3A_45 = arith.addi %scan3A_43, %scan3A_44 : i32
    %scan3A_46 = arith.constant 1 : i32
    scf.for %scan3A_54 = %scan3A_43 to %scan3A_45 step %scan3A_46  : i32 {
      %mul3A_55 = arith.constant 1 : i32
      %mul3A_56 = arith.muli %scan3A_54, %mul3A_55 : i32
      %add3A_57 = arith.constant 0 : i32
      %add3A_58 = arith.addi %add3A_57, %mul3A_56 : i32
      %mul3A_59 = arith.constant 6 : i32
      %mul3A_60 = arith.muli %add3A_58, %mul3A_59 : i32
      %add3A_61 = arith.constant 0 : i32
      %add3A_62 = arith.addi %mul3A_60, %add3A_61 : i32
      %lt3A_63 = arith.cmpi slt, %add3A_62, %select_n3A : i32
      %convert_element_type3A_64 = arith.extui %lt3A_63 : i1 to i32
      %cond3A_65 = arith.constant 0 : i32
      %cond3A_66 = arith.cmpi ne, %convert_element_type3A_64, %cond3A_65 : i32
      scf.if %cond3A_66 {
        %dma_wait3A = arith.constant 0 : i32
        %dma_wait3A_213 = arith.constant 0 : i32
        %dma_wait3A_214 = arith.constant 0 : i32
        %dma_wait3A_215 = tpu.memref_slice %arg3[%dma_wait3A, %dma_wait3A_213, %dma_wait3A_214] : memref<6250x2x128xi32, #tpu.memory_space<hbm>> -> memref<1x2x128xi32, #tpu.memory_space<hbm>>
        %dma_wait3A_216 = tpu.memref_squeeze %dma_wait3A_215 : memref<1x2x128xi32, #tpu.memory_space<hbm>> -> memref<2x128xi32, #tpu.memory_space<hbm>>
        %dma_wait3A_217 = arith.constant 0 : i32
        %dma_wait3A_218 = arith.constant 0 : i32
        %dma_wait3A_219 = tpu.memref_slice %arg3[%dma_wait3A, %dma_wait3A_217, %dma_wait3A_218] : memref<6250x2x128xi32, #tpu.memory_space<hbm>> -> memref<1x2x128xi32, #tpu.memory_space<hbm>>
        %dma_wait3A_220 = tpu.memref_squeeze %dma_wait3A_219 : memref<1x2x128xi32, #tpu.memory_space<hbm>> -> memref<2x128xi32, #tpu.memory_space<hbm>>
        tpu.wait_dma2 semaphore(%arg19 : memref<!tpu.dma_semaphore, #tpu.memory_space<semaphore_mem>>) src(%dma_wait3A_220 : memref<2x128xi32, #tpu.memory_space<hbm>>) dst(%arg5 : memref<2x128xi32, #tpu.memory_space<vmem>>)
        %dma_start3A = arith.constant 0 : i32
        %dma_start3A_221 = arith.constant 0 : i32
        %dma_start3A_222 = tpu.memref_slice %arg5[%dma_start3A, %dma_start3A_221] : memref<2x128xi32, #tpu.memory_space<vmem>> -> memref<1x128xi32, #tpu.memory_space<vmem>>
        %dma_start3A_223 = tpu.memref_squeeze %dma_start3A_222 : memref<1x128xi32, #tpu.memory_space<vmem>> -> memref<128xi32, #tpu.memory_space<vmem>>
        %dma_start3A_224 = arith.constant 0 : i32
        %dma_start3A_225 = arith.constant 0 : i32
        %dma_start3A_226 = tpu.memref_slice %arg2[%dma_start3A_224, %dma_start3A_225] : memref<50000x32xf32, #tpu.memory_space<hbm>> -> memref<50000x32xf32, #tpu.memory_space<hbm>>
        tpu.enqueue_indirect_dma source(%dma_start3A_226 : memref<50000x32xf32, #tpu.memory_space<hbm>>) target(%arg11 : memref<128x32xf32, #tpu.memory_space<vmem>>) offsets(%dma_start3A_223 : memref<128xi32, #tpu.memory_space<vmem>>) semaphore(%arg25 : memref<!tpu.dma_semaphore, #tpu.memory_space<semaphore_mem>>)
      } else {
      }
      %ge3A = arith.constant 2 : i32
      %ge3A_67 = arith.cmpi sge, %add3A_62, %ge3A : i32
      %add3A_68 = arith.constant 2 : i32
      %add3A_69 = arith.addi %select_n3A, %add3A_68 : i32
      %lt3A_70 = arith.cmpi slt, %add3A_62, %add3A_69 : i32
      %and3A = arith.andi %ge3A_67, %lt3A_70 : i1
      %convert_element_type3A_71 = arith.extui %and3A : i1 to i32
      %cond3A_72 = arith.constant 0 : i32
      %cond3A_73 = arith.cmpi ne, %convert_element_type3A_71, %cond3A_72 : i32
      scf.if %cond3A_73 {
        %dma_wait3A = arith.constant 0 : i32
        %dma_wait3A_213 = arith.constant 0 : i32
        %dma_wait3A_214 = tpu.memref_slice %arg2[%dma_wait3A, %dma_wait3A_213] : memref<50000x32xf32, #tpu.memory_space<hbm>> -> memref<128x32xf32, #tpu.memory_space<hbm>>
        %dma_wait3A_215 = arith.constant 0 : i32
        %dma_wait3A_216 = arith.constant 0 : i32
        %dma_wait3A_217 = tpu.memref_slice %arg2[%dma_wait3A_215, %dma_wait3A_216] : memref<50000x32xf32, #tpu.memory_space<hbm>> -> memref<128x32xf32, #tpu.memory_space<hbm>>
        tpu.wait_dma2 semaphore(%arg29 : memref<!tpu.dma_semaphore, #tpu.memory_space<semaphore_mem>>) src(%dma_wait3A_217 : memref<128x32xf32, #tpu.memory_space<hbm>>) dst(%arg15 : memref<128x32xf32, #tpu.memory_space<vmem>>)
        %dma_start3A = arith.constant 1 : i32
        %dma_start3A_218 = arith.constant 0 : i32
        %dma_start3A_219 = tpu.memref_slice %arg9[%dma_start3A, %dma_start3A_218] : memref<2x128xi32, #tpu.memory_space<vmem>> -> memref<1x128xi32, #tpu.memory_space<vmem>>
        %dma_start3A_220 = tpu.memref_squeeze %dma_start3A_219 : memref<1x128xi32, #tpu.memory_space<vmem>> -> memref<128xi32, #tpu.memory_space<vmem>>
        %dma_start3A_221 = arith.constant 0 : i32
        %dma_start3A_222 = arith.constant 0 : i32
        %dma_start3A_223 = tpu.memref_slice %arg18[%dma_start3A_221, %dma_start3A_222] : memref<50000x32xf32, #tpu.memory_space<vmem_shared>> -> memref<50000x32xf32, #tpu.memory_space<vmem_shared>>
        tpu.enqueue_indirect_dma source(%arg15 : memref<128x32xf32, #tpu.memory_space<vmem>>) target(%dma_start3A_223 : memref<50000x32xf32, #tpu.memory_space<vmem_shared>>) offsets(%dma_start3A_220 : memref<128xi32, #tpu.memory_space<vmem>>) semaphore(%arg35 : memref<!tpu.dma_semaphore, #tpu.memory_space<semaphore_mem>>) {add = true}
      } else {
      }
      %ge3A_74 = arith.constant 4 : i32
      %ge3A_75 = arith.cmpi sge, %add3A_62, %ge3A_74 : i32
      %add3A_76 = arith.constant 4 : i32
      %add3A_77 = arith.addi %select_n3A, %add3A_76 : i32
      %lt3A_78 = arith.cmpi slt, %add3A_62, %add3A_77 : i32
      %and3A_79 = arith.andi %ge3A_75, %lt3A_78 : i1
      %convert_element_type3A_80 = arith.extui %and3A_79 : i1 to i32
      %cond3A_81 = arith.constant 0 : i32
      %cond3A_82 = arith.cmpi ne, %convert_element_type3A_80, %cond3A_81 : i32
      scf.if %cond3A_82 {
        %dma_wait3A = arith.constant 0 : i32
        %dma_wait3A_213 = arith.constant 0 : i32
        %dma_wait3A_214 = tpu.memref_slice %arg2[%dma_wait3A, %dma_wait3A_213] : memref<50000x32xf32, #tpu.memory_space<hbm>> -> memref<128x32xf32, #tpu.memory_space<hbm>>
        %dma_wait3A_215 = arith.constant 0 : i32
        %dma_wait3A_216 = arith.constant 0 : i32
        %dma_wait3A_217 = tpu.memref_slice %arg2[%dma_wait3A_215, %dma_wait3A_216] : memref<50000x32xf32, #tpu.memory_space<hbm>> -> memref<128x32xf32, #tpu.memory_space<hbm>>
        tpu.wait_dma2 semaphore(%arg33 : memref<!tpu.dma_semaphore, #tpu.memory_space<semaphore_mem>>) src(%dma_wait3A_217 : memref<128x32xf32, #tpu.memory_space<hbm>>) dst(%arg13 : memref<128x32xf32, #tpu.memory_space<vmem>>)
        %add3A_218 = arith.constant 2 : i32
        %add3A_219 = arith.addi %add3A_62, %add3A_218 : i32
        %lt3A_220 = arith.cmpi slt, %add3A_219, %select_n3A : i32
        %convert_element_type3A_221 = arith.extui %lt3A_220 : i1 to i32
        %cond3A_222 = arith.constant 0 : i32
        %cond3A_223 = arith.cmpi ne, %convert_element_type3A_221, %cond3A_222 : i32
        scf.if %cond3A_223 {
          %add3A_224 = arith.constant 2 : i32
          %add3A_225 = arith.addi %add3A_62, %add3A_224 : i32
          %add3A_226 = arith.addi %add3A_13, %add3A_225 : i32
          %dma_start3A = arith.constant 0 : i32
          %dma_start3A_227 = arith.constant 0 : i32
          %dma_start3A_228 = tpu.memref_slice %arg3[%add3A_226, %dma_start3A, %dma_start3A_227] : memref<6250x2x128xi32, #tpu.memory_space<hbm>> -> memref<1x2x128xi32, #tpu.memory_space<hbm>>
          %dma_start3A_229 = tpu.memref_squeeze %dma_start3A_228 : memref<1x2x128xi32, #tpu.memory_space<hbm>> -> memref<2x128xi32, #tpu.memory_space<hbm>>
          %dma_start3A_230 = arith.constant 0 : i32
          %dma_start3A_231 = arith.constant 0 : i32
          %dma_start3A_232 = tpu.memref_slice %arg3[%add3A_226, %dma_start3A_230, %dma_start3A_231] : memref<6250x2x128xi32, #tpu.memory_space<hbm>> -> memref<1x2x128xi32, #tpu.memory_space<hbm>>
          %dma_start3A_233 = tpu.memref_squeeze %dma_start3A_232 : memref<1x2x128xi32, #tpu.memory_space<hbm>> -> memref<2x128xi32, #tpu.memory_space<hbm>>
          tpu.enqueue_dma source(%dma_start3A_233 : memref<2x128xi32, #tpu.memory_space<hbm>>) target(%arg7 : memref<2x128xi32, #tpu.memory_space<vmem>>) target_semaphore(%arg21 : memref<!tpu.dma_semaphore, #tpu.memory_space<semaphore_mem>>)
        } else {
        }
      } else {
      }
      %mul3A_83 = arith.constant 6 : i32
      %mul3A_84 = arith.muli %add3A_58, %mul3A_83 : i32
      %add3A_85 = arith.constant 1 : i32
      %add3A_86 = arith.addi %mul3A_84, %add3A_85 : i32
      %lt3A_87 = arith.cmpi slt, %add3A_86, %select_n3A : i32
      %convert_element_type3A_88 = arith.extui %lt3A_87 : i1 to i32
      %cond3A_89 = arith.constant 0 : i32
      %cond3A_90 = arith.cmpi ne, %convert_element_type3A_88, %cond3A_89 : i32
      scf.if %cond3A_90 {
        %dma_wait3A = arith.constant 0 : i32
        %dma_wait3A_213 = arith.constant 0 : i32
        %dma_wait3A_214 = arith.constant 0 : i32
        %dma_wait3A_215 = tpu.memref_slice %arg3[%dma_wait3A, %dma_wait3A_213, %dma_wait3A_214] : memref<6250x2x128xi32, #tpu.memory_space<hbm>> -> memref<1x2x128xi32, #tpu.memory_space<hbm>>
        %dma_wait3A_216 = tpu.memref_squeeze %dma_wait3A_215 : memref<1x2x128xi32, #tpu.memory_space<hbm>> -> memref<2x128xi32, #tpu.memory_space<hbm>>
        %dma_wait3A_217 = arith.constant 0 : i32
        %dma_wait3A_218 = arith.constant 0 : i32
        %dma_wait3A_219 = tpu.memref_slice %arg3[%dma_wait3A, %dma_wait3A_217, %dma_wait3A_218] : memref<6250x2x128xi32, #tpu.memory_space<hbm>> -> memref<1x2x128xi32, #tpu.memory_space<hbm>>
        %dma_wait3A_220 = tpu.memref_squeeze %dma_wait3A_219 : memref<1x2x128xi32, #tpu.memory_space<hbm>> -> memref<2x128xi32, #tpu.memory_space<hbm>>
        tpu.wait_dma2 semaphore(%arg20 : memref<!tpu.dma_semaphore, #tpu.memory_space<semaphore_mem>>) src(%dma_wait3A_220 : memref<2x128xi32, #tpu.memory_space<hbm>>) dst(%arg6 : memref<2x128xi32, #tpu.memory_space<vmem>>)
        %dma_start3A = arith.constant 0 : i32
        %dma_start3A_221 = arith.constant 0 : i32
        %dma_start3A_222 = tpu.memref_slice %arg6[%dma_start3A, %dma_start3A_221] : memref<2x128xi32, #tpu.memory_space<vmem>> -> memref<1x128xi32, #tpu.memory_space<vmem>>
        %dma_start3A_223 = tpu.memref_squeeze %dma_start3A_222 : memref<1x128xi32, #tpu.memory_space<vmem>> -> memref<128xi32, #tpu.memory_space<vmem>>
        %dma_start3A_224 = arith.constant 0 : i32
        %dma_start3A_225 = arith.constant 0 : i32
        %dma_start3A_226 = tpu.memref_slice %arg2[%dma_start3A_224, %dma_start3A_225] : memref<50000x32xf32, #tpu.memory_space<hbm>> -> memref<50000x32xf32, #tpu.memory_space<hbm>>
        tpu.enqueue_indirect_dma source(%dma_start3A_226 : memref<50000x32xf32, #tpu.memory_space<hbm>>) target(%arg12 : memref<128x32xf32, #tpu.memory_space<vmem>>) offsets(%dma_start3A_223 : memref<128xi32, #tpu.memory_space<vmem>>) semaphore(%arg26 : memref<!tpu.dma_semaphore, #tpu.memory_space<semaphore_mem>>)
      } else {
      }
      %ge3A_91 = arith.constant 2 : i32
      %ge3A_92 = arith.cmpi sge, %add3A_86, %ge3A_91 : i32
      %add3A_93 = arith.constant 2 : i32
      %add3A_94 = arith.addi %select_n3A, %add3A_93 : i32
      %lt3A_95 = arith.cmpi slt, %add3A_86, %add3A_94 : i32
      %and3A_96 = arith.andi %ge3A_92, %lt3A_95 : i1
      %convert_element_type3A_97 = arith.extui %and3A_96 : i1 to i32
      %cond3A_98 = arith.constant 0 : i32
      %cond3A_99 = arith.cmpi ne, %convert_element_type3A_97, %cond3A_98 : i32
      scf.if %cond3A_99 {
        %dma_wait3A = arith.constant 0 : i32
        %dma_wait3A_213 = arith.constant 0 : i32
        %dma_wait3A_214 = tpu.memref_slice %arg2[%dma_wait3A, %dma_wait3A_213] : memref<50000x32xf32, #tpu.memory_space<hbm>> -> memref<128x32xf32, #tpu.memory_space<hbm>>
        %dma_wait3A_215 = arith.constant 0 : i32
        %dma_wait3A_216 = arith.constant 0 : i32
        %dma_wait3A_217 = tpu.memref_slice %arg2[%dma_wait3A_215, %dma_wait3A_216] : memref<50000x32xf32, #tpu.memory_space<hbm>> -> memref<128x32xf32, #tpu.memory_space<hbm>>
        tpu.wait_dma2 semaphore(%arg30 : memref<!tpu.dma_semaphore, #tpu.memory_space<semaphore_mem>>) src(%dma_wait3A_217 : memref<128x32xf32, #tpu.memory_space<hbm>>) dst(%arg16 : memref<128x32xf32, #tpu.memory_space<vmem>>)
        %dma_start3A = arith.constant 1 : i32
        %dma_start3A_218 = arith.constant 0 : i32
        %dma_start3A_219 = tpu.memref_slice %arg10[%dma_start3A, %dma_start3A_218] : memref<2x128xi32, #tpu.memory_space<vmem>> -> memref<1x128xi32, #tpu.memory_space<vmem>>
        %dma_start3A_220 = tpu.memref_squeeze %dma_start3A_219 : memref<1x128xi32, #tpu.memory_space<vmem>> -> memref<128xi32, #tpu.memory_space<vmem>>
        %dma_start3A_221 = arith.constant 0 : i32
        %dma_start3A_222 = arith.constant 0 : i32
        %dma_start3A_223 = tpu.memref_slice %arg18[%dma_start3A_221, %dma_start3A_222] : memref<50000x32xf32, #tpu.memory_space<vmem_shared>> -> memref<50000x32xf32, #tpu.memory_space<vmem_shared>>
        tpu.enqueue_indirect_dma source(%arg16 : memref<128x32xf32, #tpu.memory_space<vmem>>) target(%dma_start3A_223 : memref<50000x32xf32, #tpu.memory_space<vmem_shared>>) offsets(%dma_start3A_220 : memref<128xi32, #tpu.memory_space<vmem>>) semaphore(%arg36 : memref<!tpu.dma_semaphore, #tpu.memory_space<semaphore_mem>>) {add = true}
      } else {
      }
      %ge3A_100 = arith.constant 4 : i32
      %ge3A_101 = arith.cmpi sge, %add3A_86, %ge3A_100 : i32
      %add3A_102 = arith.constant 4 : i32
      %add3A_103 = arith.addi %select_n3A, %add3A_102 : i32
      %lt3A_104 = arith.cmpi slt, %add3A_86, %add3A_103 : i32
      %and3A_105 = arith.andi %ge3A_101, %lt3A_104 : i1
      %convert_element_type3A_106 = arith.extui %and3A_105 : i1 to i32
      %cond3A_107 = arith.constant 0 : i32
      %cond3A_108 = arith.cmpi ne, %convert_element_type3A_106, %cond3A_107 : i32
      scf.if %cond3A_108 {
        %dma_wait3A = arith.constant 0 : i32
        %dma_wait3A_213 = arith.constant 0 : i32
        %dma_wait3A_214 = tpu.memref_slice %arg2[%dma_wait3A, %dma_wait3A_213] : memref<50000x32xf32, #tpu.memory_space<hbm>> -> memref<128x32xf32, #tpu.memory_space<hbm>>
        %dma_wait3A_215 = arith.constant 0 : i32
        %dma_wait3A_216 = arith.constant 0 : i32
        %dma_wait3A_217 = tpu.memref_slice %arg2[%dma_wait3A_215, %dma_wait3A_216] : memref<50000x32xf32, #tpu.memory_space<hbm>> -> memref<128x32xf32, #tpu.memory_space<hbm>>
        tpu.wait_dma2 semaphore(%arg34 : memref<!tpu.dma_semaphore, #tpu.memory_space<semaphore_mem>>) src(%dma_wait3A_217 : memref<128x32xf32, #tpu.memory_space<hbm>>) dst(%arg14 : memref<128x32xf32, #tpu.memory_space<vmem>>)
        %add3A_218 = arith.constant 2 : i32
        %add3A_219 = arith.addi %add3A_86, %add3A_218 : i32
        %lt3A_220 = arith.cmpi slt, %add3A_219, %select_n3A : i32
        %convert_element_type3A_221 = arith.extui %lt3A_220 : i1 to i32
        %cond3A_222 = arith.constant 0 : i32
        %cond3A_223 = arith.cmpi ne, %convert_element_type3A_221, %cond3A_222 : i32
        scf.if %cond3A_223 {
          %add3A_224 = arith.constant 2 : i32
          %add3A_225 = arith.addi %add3A_86, %add3A_224 : i32
          %add3A_226 = arith.addi %add3A_13, %add3A_225 : i32
          %dma_start3A = arith.constant 0 : i32
          %dma_start3A_227 = arith.constant 0 : i32
          %dma_start3A_228 = tpu.memref_slice %arg3[%add3A_226, %dma_start3A, %dma_start3A_227] : memref<6250x2x128xi32, #tpu.memory_space<hbm>> -> memref<1x2x128xi32, #tpu.memory_space<hbm>>
          %dma_start3A_229 = tpu.memref_squeeze %dma_start3A_228 : memref<1x2x128xi32, #tpu.memory_space<hbm>> -> memref<2x128xi32, #tpu.memory_space<hbm>>
          %dma_start3A_230 = arith.constant 0 : i32
          %dma_start3A_231 = arith.constant 0 : i32
          %dma_start3A_232 = tpu.memref_slice %arg3[%add3A_226, %dma_start3A_230, %dma_start3A_231] : memref<6250x2x128xi32, #tpu.memory_space<hbm>> -> memref<1x2x128xi32, #tpu.memory_space<hbm>>
          %dma_start3A_233 = tpu.memref_squeeze %dma_start3A_232 : memref<1x2x128xi32, #tpu.memory_space<hbm>> -> memref<2x128xi32, #tpu.memory_space<hbm>>
          tpu.enqueue_dma source(%dma_start3A_233 : memref<2x128xi32, #tpu.memory_space<hbm>>) target(%arg8 : memref<2x128xi32, #tpu.memory_space<vmem>>) target_semaphore(%arg22 : memref<!tpu.dma_semaphore, #tpu.memory_space<semaphore_mem>>)
        } else {
        }
      } else {
      }
      %mul3A_109 = arith.constant 6 : i32
      %mul3A_110 = arith.muli %add3A_58, %mul3A_109 : i32
      %add3A_111 = arith.constant 2 : i32
      %add3A_112 = arith.addi %mul3A_110, %add3A_111 : i32
      %lt3A_113 = arith.cmpi slt, %add3A_112, %select_n3A : i32
      %convert_element_type3A_114 = arith.extui %lt3A_113 : i1 to i32
      %cond3A_115 = arith.constant 0 : i32
      %cond3A_116 = arith.cmpi ne, %convert_element_type3A_114, %cond3A_115 : i32
      scf.if %cond3A_116 {
        %dma_wait3A = arith.constant 0 : i32
        %dma_wait3A_213 = arith.constant 0 : i32
        %dma_wait3A_214 = arith.constant 0 : i32
        %dma_wait3A_215 = tpu.memref_slice %arg3[%dma_wait3A, %dma_wait3A_213, %dma_wait3A_214] : memref<6250x2x128xi32, #tpu.memory_space<hbm>> -> memref<1x2x128xi32, #tpu.memory_space<hbm>>
        %dma_wait3A_216 = tpu.memref_squeeze %dma_wait3A_215 : memref<1x2x128xi32, #tpu.memory_space<hbm>> -> memref<2x128xi32, #tpu.memory_space<hbm>>
        %dma_wait3A_217 = arith.constant 0 : i32
        %dma_wait3A_218 = arith.constant 0 : i32
        %dma_wait3A_219 = tpu.memref_slice %arg3[%dma_wait3A, %dma_wait3A_217, %dma_wait3A_218] : memref<6250x2x128xi32, #tpu.memory_space<hbm>> -> memref<1x2x128xi32, #tpu.memory_space<hbm>>
        %dma_wait3A_220 = tpu.memref_squeeze %dma_wait3A_219 : memref<1x2x128xi32, #tpu.memory_space<hbm>> -> memref<2x128xi32, #tpu.memory_space<hbm>>
        tpu.wait_dma2 semaphore(%arg21 : memref<!tpu.dma_semaphore, #tpu.memory_space<semaphore_mem>>) src(%dma_wait3A_220 : memref<2x128xi32, #tpu.memory_space<hbm>>) dst(%arg7 : memref<2x128xi32, #tpu.memory_space<vmem>>)
        %dma_start3A = arith.constant 0 : i32
        %dma_start3A_221 = arith.constant 0 : i32
        %dma_start3A_222 = tpu.memref_slice %arg7[%dma_start3A, %dma_start3A_221] : memref<2x128xi32, #tpu.memory_space<vmem>> -> memref<1x128xi32, #tpu.memory_space<vmem>>
        %dma_start3A_223 = tpu.memref_squeeze %dma_start3A_222 : memref<1x128xi32, #tpu.memory_space<vmem>> -> memref<128xi32, #tpu.memory_space<vmem>>
        %dma_start3A_224 = arith.constant 0 : i32
        %dma_start3A_225 = arith.constant 0 : i32
        %dma_start3A_226 = tpu.memref_slice %arg2[%dma_start3A_224, %dma_start3A_225] : memref<50000x32xf32, #tpu.memory_space<hbm>> -> memref<50000x32xf32, #tpu.memory_space<hbm>>
        tpu.enqueue_indirect_dma source(%dma_start3A_226 : memref<50000x32xf32, #tpu.memory_space<hbm>>) target(%arg13 : memref<128x32xf32, #tpu.memory_space<vmem>>) offsets(%dma_start3A_223 : memref<128xi32, #tpu.memory_space<vmem>>) semaphore(%arg27 : memref<!tpu.dma_semaphore, #tpu.memory_space<semaphore_mem>>)
      } else {
      }
      %ge3A_117 = arith.constant 2 : i32
      %ge3A_118 = arith.cmpi sge, %add3A_112, %ge3A_117 : i32
      %add3A_119 = arith.constant 2 : i32
      %add3A_120 = arith.addi %select_n3A, %add3A_119 : i32
      %lt3A_121 = arith.cmpi slt, %add3A_112, %add3A_120 : i32
      %and3A_122 = arith.andi %ge3A_118, %lt3A_121 : i1
      %convert_element_type3A_123 = arith.extui %and3A_122 : i1 to i32
      %cond3A_124 = arith.constant 0 : i32
      %cond3A_125 = arith.cmpi ne, %convert_element_type3A_123, %cond3A_124 : i32
      scf.if %cond3A_125 {
        %dma_wait3A = arith.constant 0 : i32
        %dma_wait3A_213 = arith.constant 0 : i32
        %dma_wait3A_214 = tpu.memref_slice %arg2[%dma_wait3A, %dma_wait3A_213] : memref<50000x32xf32, #tpu.memory_space<hbm>> -> memref<128x32xf32, #tpu.memory_space<hbm>>
        %dma_wait3A_215 = arith.constant 0 : i32
        %dma_wait3A_216 = arith.constant 0 : i32
        %dma_wait3A_217 = tpu.memref_slice %arg2[%dma_wait3A_215, %dma_wait3A_216] : memref<50000x32xf32, #tpu.memory_space<hbm>> -> memref<128x32xf32, #tpu.memory_space<hbm>>
        tpu.wait_dma2 semaphore(%arg25 : memref<!tpu.dma_semaphore, #tpu.memory_space<semaphore_mem>>) src(%dma_wait3A_217 : memref<128x32xf32, #tpu.memory_space<hbm>>) dst(%arg11 : memref<128x32xf32, #tpu.memory_space<vmem>>)
        %dma_start3A = arith.constant 1 : i32
        %dma_start3A_218 = arith.constant 0 : i32
        %dma_start3A_219 = tpu.memref_slice %arg5[%dma_start3A, %dma_start3A_218] : memref<2x128xi32, #tpu.memory_space<vmem>> -> memref<1x128xi32, #tpu.memory_space<vmem>>
        %dma_start3A_220 = tpu.memref_squeeze %dma_start3A_219 : memref<1x128xi32, #tpu.memory_space<vmem>> -> memref<128xi32, #tpu.memory_space<vmem>>
        %dma_start3A_221 = arith.constant 0 : i32
        %dma_start3A_222 = arith.constant 0 : i32
        %dma_start3A_223 = tpu.memref_slice %arg18[%dma_start3A_221, %dma_start3A_222] : memref<50000x32xf32, #tpu.memory_space<vmem_shared>> -> memref<50000x32xf32, #tpu.memory_space<vmem_shared>>
        tpu.enqueue_indirect_dma source(%arg11 : memref<128x32xf32, #tpu.memory_space<vmem>>) target(%dma_start3A_223 : memref<50000x32xf32, #tpu.memory_space<vmem_shared>>) offsets(%dma_start3A_220 : memref<128xi32, #tpu.memory_space<vmem>>) semaphore(%arg31 : memref<!tpu.dma_semaphore, #tpu.memory_space<semaphore_mem>>) {add = true}
      } else {
      }
      %ge3A_126 = arith.constant 4 : i32
      %ge3A_127 = arith.cmpi sge, %add3A_112, %ge3A_126 : i32
      %add3A_128 = arith.constant 4 : i32
      %add3A_129 = arith.addi %select_n3A, %add3A_128 : i32
      %lt3A_130 = arith.cmpi slt, %add3A_112, %add3A_129 : i32
      %and3A_131 = arith.andi %ge3A_127, %lt3A_130 : i1
      %convert_element_type3A_132 = arith.extui %and3A_131 : i1 to i32
      %cond3A_133 = arith.constant 0 : i32
      %cond3A_134 = arith.cmpi ne, %convert_element_type3A_132, %cond3A_133 : i32
      scf.if %cond3A_134 {
        %dma_wait3A = arith.constant 0 : i32
        %dma_wait3A_213 = arith.constant 0 : i32
        %dma_wait3A_214 = tpu.memref_slice %arg2[%dma_wait3A, %dma_wait3A_213] : memref<50000x32xf32, #tpu.memory_space<hbm>> -> memref<128x32xf32, #tpu.memory_space<hbm>>
        %dma_wait3A_215 = arith.constant 0 : i32
        %dma_wait3A_216 = arith.constant 0 : i32
        %dma_wait3A_217 = tpu.memref_slice %arg2[%dma_wait3A_215, %dma_wait3A_216] : memref<50000x32xf32, #tpu.memory_space<hbm>> -> memref<128x32xf32, #tpu.memory_space<hbm>>
        tpu.wait_dma2 semaphore(%arg35 : memref<!tpu.dma_semaphore, #tpu.memory_space<semaphore_mem>>) src(%dma_wait3A_217 : memref<128x32xf32, #tpu.memory_space<hbm>>) dst(%arg15 : memref<128x32xf32, #tpu.memory_space<vmem>>)
        %add3A_218 = arith.constant 2 : i32
        %add3A_219 = arith.addi %add3A_112, %add3A_218 : i32
        %lt3A_220 = arith.cmpi slt, %add3A_219, %select_n3A : i32
        %convert_element_type3A_221 = arith.extui %lt3A_220 : i1 to i32
        %cond3A_222 = arith.constant 0 : i32
        %cond3A_223 = arith.cmpi ne, %convert_element_type3A_221, %cond3A_222 : i32
        scf.if %cond3A_223 {
          %add3A_224 = arith.constant 2 : i32
          %add3A_225 = arith.addi %add3A_112, %add3A_224 : i32
          %add3A_226 = arith.addi %add3A_13, %add3A_225 : i32
          %dma_start3A = arith.constant 0 : i32
          %dma_start3A_227 = arith.constant 0 : i32
          %dma_start3A_228 = tpu.memref_slice %arg3[%add3A_226, %dma_start3A, %dma_start3A_227] : memref<6250x2x128xi32, #tpu.memory_space<hbm>> -> memref<1x2x128xi32, #tpu.memory_space<hbm>>
          %dma_start3A_229 = tpu.memref_squeeze %dma_start3A_228 : memref<1x2x128xi32, #tpu.memory_space<hbm>> -> memref<2x128xi32, #tpu.memory_space<hbm>>
          %dma_start3A_230 = arith.constant 0 : i32
          %dma_start3A_231 = arith.constant 0 : i32
          %dma_start3A_232 = tpu.memref_slice %arg3[%add3A_226, %dma_start3A_230, %dma_start3A_231] : memref<6250x2x128xi32, #tpu.memory_space<hbm>> -> memref<1x2x128xi32, #tpu.memory_space<hbm>>
          %dma_start3A_233 = tpu.memref_squeeze %dma_start3A_232 : memref<1x2x128xi32, #tpu.memory_space<hbm>> -> memref<2x128xi32, #tpu.memory_space<hbm>>
          tpu.enqueue_dma source(%dma_start3A_233 : memref<2x128xi32, #tpu.memory_space<hbm>>) target(%arg9 : memref<2x128xi32, #tpu.memory_space<vmem>>) target_semaphore(%arg23 : memref<!tpu.dma_semaphore, #tpu.memory_space<semaphore_mem>>)
        } else {
        }
      } else {
      }
      %mul3A_135 = arith.constant 6 : i32
      %mul3A_136 = arith.muli %add3A_58, %mul3A_135 : i32
      %add3A_137 = arith.constant 3 : i32
      %add3A_138 = arith.addi %mul3A_136, %add3A_137 : i32
      %lt3A_139 = arith.cmpi slt, %add3A_138, %select_n3A : i32
      %convert_element_type3A_140 = arith.extui %lt3A_139 : i1 to i32
      %cond3A_141 = arith.constant 0 : i32
      %cond3A_142 = arith.cmpi ne, %convert_element_type3A_140, %cond3A_141 : i32
      scf.if %cond3A_142 {
        %dma_wait3A = arith.constant 0 : i32
        %dma_wait3A_213 = arith.constant 0 : i32
        %dma_wait3A_214 = arith.constant 0 : i32
        %dma_wait3A_215 = tpu.memref_slice %arg3[%dma_wait3A, %dma_wait3A_213, %dma_wait3A_214] : memref<6250x2x128xi32, #tpu.memory_space<hbm>> -> memref<1x2x128xi32, #tpu.memory_space<hbm>>
        %dma_wait3A_216 = tpu.memref_squeeze %dma_wait3A_215 : memref<1x2x128xi32, #tpu.memory_space<hbm>> -> memref<2x128xi32, #tpu.memory_space<hbm>>
        %dma_wait3A_217 = arith.constant 0 : i32
        %dma_wait3A_218 = arith.constant 0 : i32
        %dma_wait3A_219 = tpu.memref_slice %arg3[%dma_wait3A, %dma_wait3A_217, %dma_wait3A_218] : memref<6250x2x128xi32, #tpu.memory_space<hbm>> -> memref<1x2x128xi32, #tpu.memory_space<hbm>>
        %dma_wait3A_220 = tpu.memref_squeeze %dma_wait3A_219 : memref<1x2x128xi32, #tpu.memory_space<hbm>> -> memref<2x128xi32, #tpu.memory_space<hbm>>
        tpu.wait_dma2 semaphore(%arg22 : memref<!tpu.dma_semaphore, #tpu.memory_space<semaphore_mem>>) src(%dma_wait3A_220 : memref<2x128xi32, #tpu.memory_space<hbm>>) dst(%arg8 : memref<2x128xi32, #tpu.memory_space<vmem>>)
        %dma_start3A = arith.constant 0 : i32
        %dma_start3A_221 = arith.constant 0 : i32
        %dma_start3A_222 = tpu.memref_slice %arg8[%dma_start3A, %dma_start3A_221] : memref<2x128xi32, #tpu.memory_space<vmem>> -> memref<1x128xi32, #tpu.memory_space<vmem>>
        %dma_start3A_223 = tpu.memref_squeeze %dma_start3A_222 : memref<1x128xi32, #tpu.memory_space<vmem>> -> memref<128xi32, #tpu.memory_space<vmem>>
        %dma_start3A_224 = arith.constant 0 : i32
        %dma_start3A_225 = arith.constant 0 : i32
        %dma_start3A_226 = tpu.memref_slice %arg2[%dma_start3A_224, %dma_start3A_225] : memref<50000x32xf32, #tpu.memory_space<hbm>> -> memref<50000x32xf32, #tpu.memory_space<hbm>>
        tpu.enqueue_indirect_dma source(%dma_start3A_226 : memref<50000x32xf32, #tpu.memory_space<hbm>>) target(%arg14 : memref<128x32xf32, #tpu.memory_space<vmem>>) offsets(%dma_start3A_223 : memref<128xi32, #tpu.memory_space<vmem>>) semaphore(%arg28 : memref<!tpu.dma_semaphore, #tpu.memory_space<semaphore_mem>>)
      } else {
      }
      %ge3A_143 = arith.constant 2 : i32
      %ge3A_144 = arith.cmpi sge, %add3A_138, %ge3A_143 : i32
      %add3A_145 = arith.constant 2 : i32
      %add3A_146 = arith.addi %select_n3A, %add3A_145 : i32
      %lt3A_147 = arith.cmpi slt, %add3A_138, %add3A_146 : i32
      %and3A_148 = arith.andi %ge3A_144, %lt3A_147 : i1
      %convert_element_type3A_149 = arith.extui %and3A_148 : i1 to i32
      %cond3A_150 = arith.constant 0 : i32
      %cond3A_151 = arith.cmpi ne, %convert_element_type3A_149, %cond3A_150 : i32
      scf.if %cond3A_151 {
        %dma_wait3A = arith.constant 0 : i32
        %dma_wait3A_213 = arith.constant 0 : i32
        %dma_wait3A_214 = tpu.memref_slice %arg2[%dma_wait3A, %dma_wait3A_213] : memref<50000x32xf32, #tpu.memory_space<hbm>> -> memref<128x32xf32, #tpu.memory_space<hbm>>
        %dma_wait3A_215 = arith.constant 0 : i32
        %dma_wait3A_216 = arith.constant 0 : i32
        %dma_wait3A_217 = tpu.memref_slice %arg2[%dma_wait3A_215, %dma_wait3A_216] : memref<50000x32xf32, #tpu.memory_space<hbm>> -> memref<128x32xf32, #tpu.memory_space<hbm>>
        tpu.wait_dma2 semaphore(%arg26 : memref<!tpu.dma_semaphore, #tpu.memory_space<semaphore_mem>>) src(%dma_wait3A_217 : memref<128x32xf32, #tpu.memory_space<hbm>>) dst(%arg12 : memref<128x32xf32, #tpu.memory_space<vmem>>)
        %dma_start3A = arith.constant 1 : i32
        %dma_start3A_218 = arith.constant 0 : i32
        %dma_start3A_219 = tpu.memref_slice %arg6[%dma_start3A, %dma_start3A_218] : memref<2x128xi32, #tpu.memory_space<vmem>> -> memref<1x128xi32, #tpu.memory_space<vmem>>
        %dma_start3A_220 = tpu.memref_squeeze %dma_start3A_219 : memref<1x128xi32, #tpu.memory_space<vmem>> -> memref<128xi32, #tpu.memory_space<vmem>>
        %dma_start3A_221 = arith.constant 0 : i32
        %dma_start3A_222 = arith.constant 0 : i32
        %dma_start3A_223 = tpu.memref_slice %arg18[%dma_start3A_221, %dma_start3A_222] : memref<50000x32xf32, #tpu.memory_space<vmem_shared>> -> memref<50000x32xf32, #tpu.memory_space<vmem_shared>>
        tpu.enqueue_indirect_dma source(%arg12 : memref<128x32xf32, #tpu.memory_space<vmem>>) target(%dma_start3A_223 : memref<50000x32xf32, #tpu.memory_space<vmem_shared>>) offsets(%dma_start3A_220 : memref<128xi32, #tpu.memory_space<vmem>>) semaphore(%arg32 : memref<!tpu.dma_semaphore, #tpu.memory_space<semaphore_mem>>) {add = true}
      } else {
      }
      %ge3A_152 = arith.constant 4 : i32
      %ge3A_153 = arith.cmpi sge, %add3A_138, %ge3A_152 : i32
      %add3A_154 = arith.constant 4 : i32
      %add3A_155 = arith.addi %select_n3A, %add3A_154 : i32
      %lt3A_156 = arith.cmpi slt, %add3A_138, %add3A_155 : i32
      %and3A_157 = arith.andi %ge3A_153, %lt3A_156 : i1
      %convert_element_type3A_158 = arith.extui %and3A_157 : i1 to i32
      %cond3A_159 = arith.constant 0 : i32
      %cond3A_160 = arith.cmpi ne, %convert_element_type3A_158, %cond3A_159 : i32
      scf.if %cond3A_160 {
        %dma_wait3A = arith.constant 0 : i32
        %dma_wait3A_213 = arith.constant 0 : i32
        %dma_wait3A_214 = tpu.memref_slice %arg2[%dma_wait3A, %dma_wait3A_213] : memref<50000x32xf32, #tpu.memory_space<hbm>> -> memref<128x32xf32, #tpu.memory_space<hbm>>
        %dma_wait3A_215 = arith.constant 0 : i32
        %dma_wait3A_216 = arith.constant 0 : i32
        %dma_wait3A_217 = tpu.memref_slice %arg2[%dma_wait3A_215, %dma_wait3A_216] : memref<50000x32xf32, #tpu.memory_space<hbm>> -> memref<128x32xf32, #tpu.memory_space<hbm>>
        tpu.wait_dma2 semaphore(%arg36 : memref<!tpu.dma_semaphore, #tpu.memory_space<semaphore_mem>>) src(%dma_wait3A_217 : memref<128x32xf32, #tpu.memory_space<hbm>>) dst(%arg16 : memref<128x32xf32, #tpu.memory_space<vmem>>)
        %add3A_218 = arith.constant 2 : i32
        %add3A_219 = arith.addi %add3A_138, %add3A_218 : i32
        %lt3A_220 = arith.cmpi slt, %add3A_219, %select_n3A : i32
        %convert_element_type3A_221 = arith.extui %lt3A_220 : i1 to i32
        %cond3A_222 = arith.constant 0 : i32
        %cond3A_223 = arith.cmpi ne, %convert_element_type3A_221, %cond3A_222 : i32
        scf.if %cond3A_223 {
          %add3A_224 = arith.constant 2 : i32
          %add3A_225 = arith.addi %add3A_138, %add3A_224 : i32
          %add3A_226 = arith.addi %add3A_13, %add3A_225 : i32
          %dma_start3A = arith.constant 0 : i32
          %dma_start3A_227 = arith.constant 0 : i32
          %dma_start3A_228 = tpu.memref_slice %arg3[%add3A_226, %dma_start3A, %dma_start3A_227] : memref<6250x2x128xi32, #tpu.memory_space<hbm>> -> memref<1x2x128xi32, #tpu.memory_space<hbm>>
          %dma_start3A_229 = tpu.memref_squeeze %dma_start3A_228 : memref<1x2x128xi32, #tpu.memory_space<hbm>> -> memref<2x128xi32, #tpu.memory_space<hbm>>
          %dma_start3A_230 = arith.constant 0 : i32
          %dma_start3A_231 = arith.constant 0 : i32
          %dma_start3A_232 = tpu.memref_slice %arg3[%add3A_226, %dma_start3A_230, %dma_start3A_231] : memref<6250x2x128xi32, #tpu.memory_space<hbm>> -> memref<1x2x128xi32, #tpu.memory_space<hbm>>
          %dma_start3A_233 = tpu.memref_squeeze %dma_start3A_232 : memref<1x2x128xi32, #tpu.memory_space<hbm>> -> memref<2x128xi32, #tpu.memory_space<hbm>>
          tpu.enqueue_dma source(%dma_start3A_233 : memref<2x128xi32, #tpu.memory_space<hbm>>) target(%arg10 : memref<2x128xi32, #tpu.memory_space<vmem>>) target_semaphore(%arg24 : memref<!tpu.dma_semaphore, #tpu.memory_space<semaphore_mem>>)
        } else {
        }
      } else {
      }
      %mul3A_161 = arith.constant 6 : i32
      %mul3A_162 = arith.muli %add3A_58, %mul3A_161 : i32
      %add3A_163 = arith.constant 4 : i32
      %add3A_164 = arith.addi %mul3A_162, %add3A_163 : i32
      %lt3A_165 = arith.cmpi slt, %add3A_164, %select_n3A : i32
      %convert_element_type3A_166 = arith.extui %lt3A_165 : i1 to i32
      %cond3A_167 = arith.constant 0 : i32
      %cond3A_168 = arith.cmpi ne, %convert_element_type3A_166, %cond3A_167 : i32
      scf.if %cond3A_168 {
        %dma_wait3A = arith.constant 0 : i32
        %dma_wait3A_213 = arith.constant 0 : i32
        %dma_wait3A_214 = arith.constant 0 : i32
        %dma_wait3A_215 = tpu.memref_slice %arg3[%dma_wait3A, %dma_wait3A_213, %dma_wait3A_214] : memref<6250x2x128xi32, #tpu.memory_space<hbm>> -> memref<1x2x128xi32, #tpu.memory_space<hbm>>
        %dma_wait3A_216 = tpu.memref_squeeze %dma_wait3A_215 : memref<1x2x128xi32, #tpu.memory_space<hbm>> -> memref<2x128xi32, #tpu.memory_space<hbm>>
        %dma_wait3A_217 = arith.constant 0 : i32
        %dma_wait3A_218 = arith.constant 0 : i32
        %dma_wait3A_219 = tpu.memref_slice %arg3[%dma_wait3A, %dma_wait3A_217, %dma_wait3A_218] : memref<6250x2x128xi32, #tpu.memory_space<hbm>> -> memref<1x2x128xi32, #tpu.memory_space<hbm>>
        %dma_wait3A_220 = tpu.memref_squeeze %dma_wait3A_219 : memref<1x2x128xi32, #tpu.memory_space<hbm>> -> memref<2x128xi32, #tpu.memory_space<hbm>>
        tpu.wait_dma2 semaphore(%arg23 : memref<!tpu.dma_semaphore, #tpu.memory_space<semaphore_mem>>) src(%dma_wait3A_220 : memref<2x128xi32, #tpu.memory_space<hbm>>) dst(%arg9 : memref<2x128xi32, #tpu.memory_space<vmem>>)
        %dma_start3A = arith.constant 0 : i32
        %dma_start3A_221 = arith.constant 0 : i32
        %dma_start3A_222 = tpu.memref_slice %arg9[%dma_start3A, %dma_start3A_221] : memref<2x128xi32, #tpu.memory_space<vmem>> -> memref<1x128xi32, #tpu.memory_space<vmem>>
        %dma_start3A_223 = tpu.memref_squeeze %dma_start3A_222 : memref<1x128xi32, #tpu.memory_space<vmem>> -> memref<128xi32, #tpu.memory_space<vmem>>
        %dma_start3A_224 = arith.constant 0 : i32
        %dma_start3A_225 = arith.constant 0 : i32
        %dma_start3A_226 = tpu.memref_slice %arg2[%dma_start3A_224, %dma_start3A_225] : memref<50000x32xf32, #tpu.memory_space<hbm>> -> memref<50000x32xf32, #tpu.memory_space<hbm>>
        tpu.enqueue_indirect_dma source(%dma_start3A_226 : memref<50000x32xf32, #tpu.memory_space<hbm>>) target(%arg15 : memref<128x32xf32, #tpu.memory_space<vmem>>) offsets(%dma_start3A_223 : memref<128xi32, #tpu.memory_space<vmem>>) semaphore(%arg29 : memref<!tpu.dma_semaphore, #tpu.memory_space<semaphore_mem>>)
      } else {
      }
      %ge3A_169 = arith.constant 2 : i32
      %ge3A_170 = arith.cmpi sge, %add3A_164, %ge3A_169 : i32
      %add3A_171 = arith.constant 2 : i32
      %add3A_172 = arith.addi %select_n3A, %add3A_171 : i32
      %lt3A_173 = arith.cmpi slt, %add3A_164, %add3A_172 : i32
      %and3A_174 = arith.andi %ge3A_170, %lt3A_173 : i1
      %convert_element_type3A_175 = arith.extui %and3A_174 : i1 to i32
      %cond3A_176 = arith.constant 0 : i32
      %cond3A_177 = arith.cmpi ne, %convert_element_type3A_175, %cond3A_176 : i32
      scf.if %cond3A_177 {
        %dma_wait3A = arith.constant 0 : i32
        %dma_wait3A_213 = arith.constant 0 : i32
        %dma_wait3A_214 = tpu.memref_slice %arg2[%dma_wait3A, %dma_wait3A_213] : memref<50000x32xf32, #tpu.memory_space<hbm>> -> memref<128x32xf32, #tpu.memory_space<hbm>>
        %dma_wait3A_215 = arith.constant 0 : i32
        %dma_wait3A_216 = arith.constant 0 : i32
        %dma_wait3A_217 = tpu.memref_slice %arg2[%dma_wait3A_215, %dma_wait3A_216] : memref<50000x32xf32, #tpu.memory_space<hbm>> -> memref<128x32xf32, #tpu.memory_space<hbm>>
        tpu.wait_dma2 semaphore(%arg27 : memref<!tpu.dma_semaphore, #tpu.memory_space<semaphore_mem>>) src(%dma_wait3A_217 : memref<128x32xf32, #tpu.memory_space<hbm>>) dst(%arg13 : memref<128x32xf32, #tpu.memory_space<vmem>>)
        %dma_start3A = arith.constant 1 : i32
        %dma_start3A_218 = arith.constant 0 : i32
        %dma_start3A_219 = tpu.memref_slice %arg7[%dma_start3A, %dma_start3A_218] : memref<2x128xi32, #tpu.memory_space<vmem>> -> memref<1x128xi32, #tpu.memory_space<vmem>>
        %dma_start3A_220 = tpu.memref_squeeze %dma_start3A_219 : memref<1x128xi32, #tpu.memory_space<vmem>> -> memref<128xi32, #tpu.memory_space<vmem>>
        %dma_start3A_221 = arith.constant 0 : i32
        %dma_start3A_222 = arith.constant 0 : i32
        %dma_start3A_223 = tpu.memref_slice %arg18[%dma_start3A_221, %dma_start3A_222] : memref<50000x32xf32, #tpu.memory_space<vmem_shared>> -> memref<50000x32xf32, #tpu.memory_space<vmem_shared>>
        tpu.enqueue_indirect_dma source(%arg13 : memref<128x32xf32, #tpu.memory_space<vmem>>) target(%dma_start3A_223 : memref<50000x32xf32, #tpu.memory_space<vmem_shared>>) offsets(%dma_start3A_220 : memref<128xi32, #tpu.memory_space<vmem>>) semaphore(%arg33 : memref<!tpu.dma_semaphore, #tpu.memory_space<semaphore_mem>>) {add = true}
      } else {
      }
      %ge3A_178 = arith.constant 4 : i32
      %ge3A_179 = arith.cmpi sge, %add3A_164, %ge3A_178 : i32
      %add3A_180 = arith.constant 4 : i32
      %add3A_181 = arith.addi %select_n3A, %add3A_180 : i32
      %lt3A_182 = arith.cmpi slt, %add3A_164, %add3A_181 : i32
      %and3A_183 = arith.andi %ge3A_179, %lt3A_182 : i1
      %convert_element_type3A_184 = arith.extui %and3A_183 : i1 to i32
      %cond3A_185 = arith.constant 0 : i32
      %cond3A_186 = arith.cmpi ne, %convert_element_type3A_184, %cond3A_185 : i32
      scf.if %cond3A_186 {
        %dma_wait3A = arith.constant 0 : i32
        %dma_wait3A_213 = arith.constant 0 : i32
        %dma_wait3A_214 = tpu.memref_slice %arg2[%dma_wait3A, %dma_wait3A_213] : memref<50000x32xf32, #tpu.memory_space<hbm>> -> memref<128x32xf32, #tpu.memory_space<hbm>>
        %dma_wait3A_215 = arith.constant 0 : i32
        %dma_wait3A_216 = arith.constant 0 : i32
        %dma_wait3A_217 = tpu.memref_slice %arg2[%dma_wait3A_215, %dma_wait3A_216] : memref<50000x32xf32, #tpu.memory_space<hbm>> -> memref<128x32xf32, #tpu.memory_space<hbm>>
        tpu.wait_dma2 semaphore(%arg31 : memref<!tpu.dma_semaphore, #tpu.memory_space<semaphore_mem>>) src(%dma_wait3A_217 : memref<128x32xf32, #tpu.memory_space<hbm>>) dst(%arg11 : memref<128x32xf32, #tpu.memory_space<vmem>>)
        %add3A_218 = arith.constant 2 : i32
        %add3A_219 = arith.addi %add3A_164, %add3A_218 : i32
        %lt3A_220 = arith.cmpi slt, %add3A_219, %select_n3A : i32
        %convert_element_type3A_221 = arith.extui %lt3A_220 : i1 to i32
        %cond3A_222 = arith.constant 0 : i32
        %cond3A_223 = arith.cmpi ne, %convert_element_type3A_221, %cond3A_222 : i32
        scf.if %cond3A_223 {
          %add3A_224 = arith.constant 2 : i32
          %add3A_225 = arith.addi %add3A_164, %add3A_224 : i32
          %add3A_226 = arith.addi %add3A_13, %add3A_225 : i32
          %dma_start3A = arith.constant 0 : i32
          %dma_start3A_227 = arith.constant 0 : i32
          %dma_start3A_228 = tpu.memref_slice %arg3[%add3A_226, %dma_start3A, %dma_start3A_227] : memref<6250x2x128xi32, #tpu.memory_space<hbm>> -> memref<1x2x128xi32, #tpu.memory_space<hbm>>
          %dma_start3A_229 = tpu.memref_squeeze %dma_start3A_228 : memref<1x2x128xi32, #tpu.memory_space<hbm>> -> memref<2x128xi32, #tpu.memory_space<hbm>>
          %dma_start3A_230 = arith.constant 0 : i32
          %dma_start3A_231 = arith.constant 0 : i32
          %dma_start3A_232 = tpu.memref_slice %arg3[%add3A_226, %dma_start3A_230, %dma_start3A_231] : memref<6250x2x128xi32, #tpu.memory_space<hbm>> -> memref<1x2x128xi32, #tpu.memory_space<hbm>>
          %dma_start3A_233 = tpu.memref_squeeze %dma_start3A_232 : memref<1x2x128xi32, #tpu.memory_space<hbm>> -> memref<2x128xi32, #tpu.memory_space<hbm>>
          tpu.enqueue_dma source(%dma_start3A_233 : memref<2x128xi32, #tpu.memory_space<hbm>>) target(%arg5 : memref<2x128xi32, #tpu.memory_space<vmem>>) target_semaphore(%arg19 : memref<!tpu.dma_semaphore, #tpu.memory_space<semaphore_mem>>)
        } else {
        }
      } else {
      }
      %mul3A_187 = arith.constant 6 : i32
      %mul3A_188 = arith.muli %add3A_58, %mul3A_187 : i32
      %add3A_189 = arith.constant 5 : i32
      %add3A_190 = arith.addi %mul3A_188, %add3A_189 : i32
      %lt3A_191 = arith.cmpi slt, %add3A_190, %select_n3A : i32
      %convert_element_type3A_192 = arith.extui %lt3A_191 : i1 to i32
      %cond3A_193 = arith.constant 0 : i32
      %cond3A_194 = arith.cmpi ne, %convert_element_type3A_192, %cond3A_193 : i32
      scf.if %cond3A_194 {
        %dma_wait3A = arith.constant 0 : i32
        %dma_wait3A_213 = arith.constant 0 : i32
        %dma_wait3A_214 = arith.constant 0 : i32
        %dma_wait3A_215 = tpu.memref_slice %arg3[%dma_wait3A, %dma_wait3A_213, %dma_wait3A_214] : memref<6250x2x128xi32, #tpu.memory_space<hbm>> -> memref<1x2x128xi32, #tpu.memory_space<hbm>>
        %dma_wait3A_216 = tpu.memref_squeeze %dma_wait3A_215 : memref<1x2x128xi32, #tpu.memory_space<hbm>> -> memref<2x128xi32, #tpu.memory_space<hbm>>
        %dma_wait3A_217 = arith.constant 0 : i32
        %dma_wait3A_218 = arith.constant 0 : i32
        %dma_wait3A_219 = tpu.memref_slice %arg3[%dma_wait3A, %dma_wait3A_217, %dma_wait3A_218] : memref<6250x2x128xi32, #tpu.memory_space<hbm>> -> memref<1x2x128xi32, #tpu.memory_space<hbm>>
        %dma_wait3A_220 = tpu.memref_squeeze %dma_wait3A_219 : memref<1x2x128xi32, #tpu.memory_space<hbm>> -> memref<2x128xi32, #tpu.memory_space<hbm>>
        tpu.wait_dma2 semaphore(%arg24 : memref<!tpu.dma_semaphore, #tpu.memory_space<semaphore_mem>>) src(%dma_wait3A_220 : memref<2x128xi32, #tpu.memory_space<hbm>>) dst(%arg10 : memref<2x128xi32, #tpu.memory_space<vmem>>)
        %dma_start3A = arith.constant 0 : i32
        %dma_start3A_221 = arith.constant 0 : i32
        %dma_start3A_222 = tpu.memref_slice %arg10[%dma_start3A, %dma_start3A_221] : memref<2x128xi32, #tpu.memory_space<vmem>> -> memref<1x128xi32, #tpu.memory_space<vmem>>
        %dma_start3A_223 = tpu.memref_squeeze %dma_start3A_222 : memref<1x128xi32, #tpu.memory_space<vmem>> -> memref<128xi32, #tpu.memory_space<vmem>>
        %dma_start3A_224 = arith.constant 0 : i32
        %dma_start3A_225 = arith.constant 0 : i32
        %dma_start3A_226 = tpu.memref_slice %arg2[%dma_start3A_224, %dma_start3A_225] : memref<50000x32xf32, #tpu.memory_space<hbm>> -> memref<50000x32xf32, #tpu.memory_space<hbm>>
        tpu.enqueue_indirect_dma source(%dma_start3A_226 : memref<50000x32xf32, #tpu.memory_space<hbm>>) target(%arg16 : memref<128x32xf32, #tpu.memory_space<vmem>>) offsets(%dma_start3A_223 : memref<128xi32, #tpu.memory_space<vmem>>) semaphore(%arg30 : memref<!tpu.dma_semaphore, #tpu.memory_space<semaphore_mem>>)
      } else {
      }
      %ge3A_195 = arith.constant 2 : i32
      %ge3A_196 = arith.cmpi sge, %add3A_190, %ge3A_195 : i32
      %add3A_197 = arith.constant 2 : i32
      %add3A_198 = arith.addi %select_n3A, %add3A_197 : i32
      %lt3A_199 = arith.cmpi slt, %add3A_190, %add3A_198 : i32
      %and3A_200 = arith.andi %ge3A_196, %lt3A_199 : i1
      %convert_element_type3A_201 = arith.extui %and3A_200 : i1 to i32
      %cond3A_202 = arith.constant 0 : i32
      %cond3A_203 = arith.cmpi ne, %convert_element_type3A_201, %cond3A_202 : i32
      scf.if %cond3A_203 {
        %dma_wait3A = arith.constant 0 : i32
        %dma_wait3A_213 = arith.constant 0 : i32
        %dma_wait3A_214 = tpu.memref_slice %arg2[%dma_wait3A, %dma_wait3A_213] : memref<50000x32xf32, #tpu.memory_space<hbm>> -> memref<128x32xf32, #tpu.memory_space<hbm>>
        %dma_wait3A_215 = arith.constant 0 : i32
        %dma_wait3A_216 = arith.constant 0 : i32
        %dma_wait3A_217 = tpu.memref_slice %arg2[%dma_wait3A_215, %dma_wait3A_216] : memref<50000x32xf32, #tpu.memory_space<hbm>> -> memref<128x32xf32, #tpu.memory_space<hbm>>
        tpu.wait_dma2 semaphore(%arg28 : memref<!tpu.dma_semaphore, #tpu.memory_space<semaphore_mem>>) src(%dma_wait3A_217 : memref<128x32xf32, #tpu.memory_space<hbm>>) dst(%arg14 : memref<128x32xf32, #tpu.memory_space<vmem>>)
        %dma_start3A = arith.constant 1 : i32
        %dma_start3A_218 = arith.constant 0 : i32
        %dma_start3A_219 = tpu.memref_slice %arg8[%dma_start3A, %dma_start3A_218] : memref<2x128xi32, #tpu.memory_space<vmem>> -> memref<1x128xi32, #tpu.memory_space<vmem>>
        %dma_start3A_220 = tpu.memref_squeeze %dma_start3A_219 : memref<1x128xi32, #tpu.memory_space<vmem>> -> memref<128xi32, #tpu.memory_space<vmem>>
        %dma_start3A_221 = arith.constant 0 : i32
        %dma_start3A_222 = arith.constant 0 : i32
        %dma_start3A_223 = tpu.memref_slice %arg18[%dma_start3A_221, %dma_start3A_222] : memref<50000x32xf32, #tpu.memory_space<vmem_shared>> -> memref<50000x32xf32, #tpu.memory_space<vmem_shared>>
        tpu.enqueue_indirect_dma source(%arg14 : memref<128x32xf32, #tpu.memory_space<vmem>>) target(%dma_start3A_223 : memref<50000x32xf32, #tpu.memory_space<vmem_shared>>) offsets(%dma_start3A_220 : memref<128xi32, #tpu.memory_space<vmem>>) semaphore(%arg34 : memref<!tpu.dma_semaphore, #tpu.memory_space<semaphore_mem>>) {add = true}
      } else {
      }
      %ge3A_204 = arith.constant 4 : i32
      %ge3A_205 = arith.cmpi sge, %add3A_190, %ge3A_204 : i32
      %add3A_206 = arith.constant 4 : i32
      %add3A_207 = arith.addi %select_n3A, %add3A_206 : i32
      %lt3A_208 = arith.cmpi slt, %add3A_190, %add3A_207 : i32
      %and3A_209 = arith.andi %ge3A_205, %lt3A_208 : i1
      %convert_element_type3A_210 = arith.extui %and3A_209 : i1 to i32
      %cond3A_211 = arith.constant 0 : i32
      %cond3A_212 = arith.cmpi ne, %convert_element_type3A_210, %cond3A_211 : i32
      scf.if %cond3A_212 {
        %dma_wait3A = arith.constant 0 : i32
        %dma_wait3A_213 = arith.constant 0 : i32
        %dma_wait3A_214 = tpu.memref_slice %arg2[%dma_wait3A, %dma_wait3A_213] : memref<50000x32xf32, #tpu.memory_space<hbm>> -> memref<128x32xf32, #tpu.memory_space<hbm>>
        %dma_wait3A_215 = arith.constant 0 : i32
        %dma_wait3A_216 = arith.constant 0 : i32
        %dma_wait3A_217 = tpu.memref_slice %arg2[%dma_wait3A_215, %dma_wait3A_216] : memref<50000x32xf32, #tpu.memory_space<hbm>> -> memref<128x32xf32, #tpu.memory_space<hbm>>
        tpu.wait_dma2 semaphore(%arg32 : memref<!tpu.dma_semaphore, #tpu.memory_space<semaphore_mem>>) src(%dma_wait3A_217 : memref<128x32xf32, #tpu.memory_space<hbm>>) dst(%arg12 : memref<128x32xf32, #tpu.memory_space<vmem>>)
        %add3A_218 = arith.constant 2 : i32
        %add3A_219 = arith.addi %add3A_190, %add3A_218 : i32
        %lt3A_220 = arith.cmpi slt, %add3A_219, %select_n3A : i32
        %convert_element_type3A_221 = arith.extui %lt3A_220 : i1 to i32
        %cond3A_222 = arith.constant 0 : i32
        %cond3A_223 = arith.cmpi ne, %convert_element_type3A_221, %cond3A_222 : i32
        scf.if %cond3A_223 {
          %add3A_224 = arith.constant 2 : i32
          %add3A_225 = arith.addi %add3A_190, %add3A_224 : i32
          %add3A_226 = arith.addi %add3A_13, %add3A_225 : i32
          %dma_start3A = arith.constant 0 : i32
          %dma_start3A_227 = arith.constant 0 : i32
          %dma_start3A_228 = tpu.memref_slice %arg3[%add3A_226, %dma_start3A, %dma_start3A_227] : memref<6250x2x128xi32, #tpu.memory_space<hbm>> -> memref<1x2x128xi32, #tpu.memory_space<hbm>>
          %dma_start3A_229 = tpu.memref_squeeze %dma_start3A_228 : memref<1x2x128xi32, #tpu.memory_space<hbm>> -> memref<2x128xi32, #tpu.memory_space<hbm>>
          %dma_start3A_230 = arith.constant 0 : i32
          %dma_start3A_231 = arith.constant 0 : i32
          %dma_start3A_232 = tpu.memref_slice %arg3[%add3A_226, %dma_start3A_230, %dma_start3A_231] : memref<6250x2x128xi32, #tpu.memory_space<hbm>> -> memref<1x2x128xi32, #tpu.memory_space<hbm>>
          %dma_start3A_233 = tpu.memref_squeeze %dma_start3A_232 : memref<1x2x128xi32, #tpu.memory_space<hbm>> -> memref<2x128xi32, #tpu.memory_space<hbm>>
          tpu.enqueue_dma source(%dma_start3A_233 : memref<2x128xi32, #tpu.memory_space<hbm>>) target(%arg6 : memref<2x128xi32, #tpu.memory_space<vmem>>) target_semaphore(%arg20 : memref<!tpu.dma_semaphore, #tpu.memory_space<semaphore_mem>>)
        } else {
        }
      } else {
      }
    }
    %scan3A_47 = arith.constant 34 : i32
    %barrier3A_48 = arith.constant 0 : index
    tpu.barrier barrier_id(%barrier3A_48)
    %scan3A_49 = arith.constant 0 : i32
    %scan3A_50 = arith.constant 4 : i32
    %scan3A_51 = arith.addi %scan3A_49, %scan3A_50 : i32
    %scan3A_52 = arith.constant 1 : i32
    scf.for %scan3A_54 = %scan3A_49 to %scan3A_51 step %scan3A_52  : i32 {
      %mul3A_55 = arith.constant 1 : i32
      %mul3A_56 = arith.muli %scan3A_54, %mul3A_55 : i32
      %add3A_57 = arith.constant 0 : i32
      %add3A_58 = arith.addi %add3A_57, %mul3A_56 : i32
      %mul3A_59 = arith.constant 16 : i32
      %mul3A_60 = arith.muli %add3A_58, %mul3A_59 : i32
      %add3A_61 = arith.addi %arg1, %mul3A_60 : i32
      %lt3A_62 = arith.constant 50 : i32
      %lt3A_63 = arith.cmpi slt, %add3A_61, %lt3A_62 : i32
      %convert_element_type3A_64 = arith.extui %lt3A_63 : i1 to i32
      %cond3A_65 = arith.constant 0 : i32
      %cond3A_66 = arith.cmpi ne, %convert_element_type3A_64, %cond3A_65 : i32
      scf.if %cond3A_66 {
        %mul3A_67 = arith.constant 1000 : i32
        %mul3A_68 = arith.muli %add3A_61, %mul3A_67 : i32
        %mul3A_69 = arith.constant 1000 : i32
        %mul3A_70 = arith.muli %add3A_61, %mul3A_69 : i32
        "tpu.region"() ({
          %run_scoped3A = tpu.sem_alloc : memref<!tpu.dma_semaphore, #tpu.memory_space<semaphore_mem>>
          %dma_start3A = arith.constant 0 : i32
          %dma_start3A_71 = arith.constant 0 : i32
          %dma_start3A_72 = tpu.memref_slice %arg4[%arg0, %dma_start3A, %dma_start3A_71] : memref<2x50000x32xf32, #tpu.memory_space<hbm>> -> memref<1x50000x32xf32, #tpu.memory_space<hbm>>
          %dma_start3A_73 = tpu.memref_squeeze %dma_start3A_72 : memref<1x50000x32xf32, #tpu.memory_space<hbm>> -> memref<50000x32xf32, #tpu.memory_space<hbm>>
          %dma_start3A_74 = arith.constant 0 : i32
          %dma_start3A_75 = tpu.memref_slice %dma_start3A_73[%mul3A_70, %dma_start3A_74] : memref<50000x32xf32, #tpu.memory_space<hbm>> -> memref<1000x32xf32, #tpu.memory_space<hbm>>
          %dma_start3A_76 = arith.constant 0 : i32
          %dma_start3A_77 = tpu.memref_slice %arg18[%mul3A_68, %dma_start3A_76] : memref<50000x32xf32, #tpu.memory_space<vmem_shared>> -> memref<1000x32xf32, #tpu.memory_space<vmem_shared>>
          tpu.enqueue_dma source(%dma_start3A_77 : memref<1000x32xf32, #tpu.memory_space<vmem_shared>>) target(%dma_start3A_75 : memref<1000x32xf32, #tpu.memory_space<hbm>>) target_semaphore(%run_scoped3A : memref<!tpu.dma_semaphore, #tpu.memory_space<semaphore_mem>>)
          %dma_wait3A = arith.constant 0 : i32
          %dma_wait3A_78 = arith.constant 0 : i32
          %dma_wait3A_79 = tpu.memref_slice %arg4[%arg0, %dma_wait3A, %dma_wait3A_78] : memref<2x50000x32xf32, #tpu.memory_space<hbm>> -> memref<1x50000x32xf32, #tpu.memory_space<hbm>>
          %dma_wait3A_80 = tpu.memref_squeeze %dma_wait3A_79 : memref<1x50000x32xf32, #tpu.memory_space<hbm>> -> memref<50000x32xf32, #tpu.memory_space<hbm>>
          %dma_wait3A_81 = arith.constant 0 : i32
          %dma_wait3A_82 = tpu.memref_slice %dma_wait3A_80[%mul3A_70, %dma_wait3A_81] : memref<50000x32xf32, #tpu.memory_space<hbm>> -> memref<1000x32xf32, #tpu.memory_space<hbm>>
          %dma_wait3A_83 = arith.constant 0 : i32
          %dma_wait3A_84 = tpu.memref_slice %arg18[%mul3A_68, %dma_wait3A_83] : memref<50000x32xf32, #tpu.memory_space<vmem_shared>> -> memref<1000x32xf32, #tpu.memory_space<vmem_shared>>
          tpu.wait_dma2 semaphore(%run_scoped3A : memref<!tpu.dma_semaphore, #tpu.memory_space<semaphore_mem>>) src(%dma_wait3A_84 : memref<1000x32xf32, #tpu.memory_space<vmem_shared>>) dst(%dma_wait3A_82 : memref<1000x32xf32, #tpu.memory_space<hbm>>)
          tpu.yield
        }) : () -> ()
      } else {
      }
    }
    %scan3A_53 = arith.constant 4 : i32
    return
  }
}

#map = affine_map<(d0, d1) -> (0, 0)>
#map1 = affine_map<(d0, d1) -> (0, 0, 0)>
module attributes {stable_mosaic.version = 14 : i64} {
  func.func @k(%arg0: i32, %arg1: i32, %arg2: memref<100000x32xf32, #tpu.memory_space<hbm>>, %arg3: memref<6250x2x128xi32, #tpu.memory_space<hbm>>, %arg4: memref<2x50000x32xf32, #tpu.memory_space<hbm>>, %arg5: memref<2x128xi32, #tpu.memory_space<vmem>>, %arg6: memref<2x128xi32, #tpu.memory_space<vmem>>, %arg7: memref<2x128xi32, #tpu.memory_space<vmem>>, %arg8: memref<2x128xi32, #tpu.memory_space<vmem>>, %arg9: memref<2x128xi32, #tpu.memory_space<vmem>>, %arg10: memref<2x128xi32, #tpu.memory_space<vmem>>, %arg11: memref<128x32xf32, #tpu.memory_space<vmem>>, %arg12: memref<128x32xf32, #tpu.memory_space<vmem>>, %arg13: memref<128x32xf32, #tpu.memory_space<vmem>>, %arg14: memref<128x32xf32, #tpu.memory_space<vmem>>, %arg15: memref<128x32xf32, #tpu.memory_space<vmem>>, %arg16: memref<128x32xf32, #tpu.memory_space<vmem>>, %arg17: memref<80x32xf32, #tpu.memory_space<vmem>>, %arg18: memref<50000x32xf32, #tpu.memory_space<vmem_shared>>, %arg19: memref<!tpu.dma_semaphore, #tpu.memory_space<semaphore_mem>>, %arg20: memref<!tpu.dma_semaphore, #tpu.memory_space<semaphore_mem>>, %arg21: memref<!tpu.dma_semaphore, #tpu.memory_space<semaphore_mem>>, %arg22: memref<!tpu.dma_semaphore, #tpu.memory_space<semaphore_mem>>, %arg23: memref<!tpu.dma_semaphore, #tpu.memory_space<semaphore_mem>>, %arg24: memref<!tpu.dma_semaphore, #tpu.memory_space<semaphore_mem>>, %arg25: memref<!tpu.dma_semaphore, #tpu.memory_space<semaphore_mem>>, %arg26: memref<!tpu.dma_semaphore, #tpu.memory_space<semaphore_mem>>, %arg27: memref<!tpu.dma_semaphore, #tpu.memory_space<semaphore_mem>>, %arg28: memref<!tpu.dma_semaphore, #tpu.memory_space<semaphore_mem>>, %arg29: memref<!tpu.dma_semaphore, #tpu.memory_space<semaphore_mem>>, %arg30: memref<!tpu.dma_semaphore, #tpu.memory_space<semaphore_mem>>, %arg31: memref<!tpu.dma_semaphore, #tpu.memory_space<semaphore_mem>>, %arg32: memref<!tpu.dma_semaphore, #tpu.memory_space<semaphore_mem>>, %arg33: memref<!tpu.dma_semaphore, #tpu.memory_space<semaphore_mem>>, %arg34: memref<!tpu.dma_semaphore, #tpu.memory_space<semaphore_mem>>, %arg35: memref<!tpu.dma_semaphore, #tpu.memory_space<semaphore_mem>>, %arg36: memref<!tpu.dma_semaphore, #tpu.memory_space<semaphore_mem>>) attributes {dimension_semantics = [#tpu.dimension_semantics<core_parallel>, #tpu.dimension_semantics<subcore_parallel>], iteration_bounds = array<i64: 2, 16>, scalar_prefetch = 0 : i64, scratch_operands = 32 : i64, tpu.core_type = #tpu.core_type<sc_vector_subcore>, window_params = [{transform_indices = #map}, {transform_indices = #map1}, {transform_indices = #map1}]} {
    %scan3A = arith.constant 0 : i32
    %scan3A_0 = arith.constant 80 : i32
    %scan3A_1 = arith.addi %scan3A, %scan3A_0 : i32
    %scan3A_2 = arith.constant 1 : i32
    scf.for %scan3A_51 = %scan3A to %scan3A_1 step %scan3A_2  : i32 {
      %mul3A_52 = arith.constant 1 : i32
      %mul3A_53 = arith.muli %scan3A_51, %mul3A_52 : i32
      %add3A_54 = arith.constant 0 : i32
      %add3A_55 = arith.addi %add3A_54, %mul3A_53 : i32
      %broadcast_in_dim3A = arith.constant 0.000000e+00 : f32
      %broadcast_in_dim3A_56 = vector.broadcast %broadcast_in_dim3A : f32 to vector<16xf32>
      %swap3A = arith.index_cast %add3A_55 : i32 to index
      %swap3A_57 = arith.constant 0 : index
      %swap3A_58 = tpu.vector_load %arg17[%swap3A, %swap3A_57] {strides = array<i32>} : memref<80x32xf32, #tpu.memory_space<vmem>>, vector<1x16xf32>,
      %swap3A_59 = vector.shape_cast %swap3A_58 : vector<1x16xf32> to vector<16xf32>
      %swap3A_60 = vector.shape_cast %broadcast_in_dim3A_56 : vector<16xf32> to vector<1x16xf32>
      tpu.vector_store %arg17[%swap3A, %swap3A_57], %swap3A_60 {strides = array<i32>} : memref<80x32xf32, #tpu.memory_space<vmem>>, vector<1x16xf32>,
      %broadcast_in_dim3A_61 = arith.constant 0.000000e+00 : f32
      %broadcast_in_dim3A_62 = vector.broadcast %broadcast_in_dim3A_61 : f32 to vector<16xf32>
      %swap3A_63 = arith.index_cast %add3A_55 : i32 to index
      %swap3A_64 = arith.constant 16 : index
      %swap3A_65 = tpu.vector_load %arg17[%swap3A_63, %swap3A_64] {strides = array<i32>} : memref<80x32xf32, #tpu.memory_space<vmem>>, vector<1x16xf32>,
      %swap3A_66 = vector.shape_cast %swap3A_65 : vector<1x16xf32> to vector<16xf32>
      %swap3A_67 = vector.shape_cast %broadcast_in_dim3A_62 : vector<16xf32> to vector<1x16xf32>
      tpu.vector_store %arg17[%swap3A_63, %swap3A_64], %swap3A_67 {strides = array<i32>} : memref<80x32xf32, #tpu.memory_space<vmem>>, vector<1x16xf32>,
    }
    %scan3A_3 = arith.constant 80 : i32
    %scan3A_4 = arith.constant 0 : i32
    %scan3A_5 = arith.constant 40 : i32
    %scan3A_6 = arith.addi %scan3A_4, %scan3A_5 : i32
    %scan3A_7 = arith.constant 1 : i32
    scf.for %scan3A_51 = %scan3A_4 to %scan3A_6 step %scan3A_7  : i32 {
      %mul3A_52 = arith.constant 1 : i32
      %mul3A_53 = arith.muli %scan3A_51, %mul3A_52 : i32
      %add3A_54 = arith.constant 0 : i32
      %add3A_55 = arith.addi %add3A_54, %mul3A_53 : i32
      %mul3A_56 = arith.constant 16 : i32
      %mul3A_57 = arith.muli %add3A_55, %mul3A_56 : i32
      %add3A_58 = arith.addi %arg1, %mul3A_57 : i32
      %lt3A_59 = arith.constant 625 : i32
      %lt3A_60 = arith.cmpi slt, %add3A_58, %lt3A_59 : i32
      %convert_element_type3A_61 = arith.extui %lt3A_60 : i1 to i32
      %cond3A_62 = arith.constant 0 : i32
      %cond3A_63 = arith.cmpi ne, %convert_element_type3A_61, %cond3A_62 : i32
      scf.if %cond3A_63 {
        %mul3A_64 = arith.constant 80 : i32
        %mul3A_65 = arith.muli %add3A_58, %mul3A_64 : i32
        "tpu.region"() ({
          %run_scoped3A = tpu.sem_alloc : memref<!tpu.dma_semaphore, #tpu.memory_space<semaphore_mem>>
          %dma_start3A = arith.constant 0 : i32
          %dma_start3A_66 = tpu.memref_slice %arg18[%mul3A_65, %dma_start3A] : memref<50000x32xf32, #tpu.memory_space<vmem_shared>> -> memref<80x32xf32, #tpu.memory_space<vmem_shared>>
          %dma_start3A_67 = arith.constant 0 : i32
          %dma_start3A_68 = tpu.memref_slice %arg18[%mul3A_65, %dma_start3A_67] : memref<50000x32xf32, #tpu.memory_space<vmem_shared>> -> memref<80x32xf32, #tpu.memory_space<vmem_shared>>
          tpu.enqueue_dma source(%arg17 : memref<80x32xf32, #tpu.memory_space<vmem>>) target(%dma_start3A_68 : memref<80x32xf32, #tpu.memory_space<vmem_shared>>) target_semaphore(%run_scoped3A : memref<!tpu.dma_semaphore, #tpu.memory_space<semaphore_mem>>)
          %dma_wait3A = arith.constant 0 : i32
          %dma_wait3A_69 = tpu.memref_slice %arg18[%mul3A_65, %dma_wait3A] : memref<50000x32xf32, #tpu.memory_space<vmem_shared>> -> memref<80x32xf32, #tpu.memory_space<vmem_shared>>
          %dma_wait3A_70 = arith.constant 0 : i32
          %dma_wait3A_71 = tpu.memref_slice %arg18[%mul3A_65, %dma_wait3A_70] : memref<50000x32xf32, #tpu.memory_space<vmem_shared>> -> memref<80x32xf32, #tpu.memory_space<vmem_shared>>
          tpu.wait_dma2 semaphore(%run_scoped3A : memref<!tpu.dma_semaphore, #tpu.memory_space<semaphore_mem>>) src(%arg17 : memref<80x32xf32, #tpu.memory_space<vmem>>) dst(%dma_wait3A_71 : memref<80x32xf32, #tpu.memory_space<vmem_shared>>)
          tpu.yield
        }) : () -> ()
      } else {
      }
    }
    %scan3A_8 = arith.constant 40 : i32
    %barrier3A = arith.constant 0 : index
    tpu.barrier barrier_id(%barrier3A)
    %mul3A = arith.constant 390 : i32
    %mul3A_9 = arith.muli %arg1, %mul3A : i32
    %min3A = arith.constant 10 : i32
    %min3A_10 = arith.minsi %arg1, %min3A : i32
    %add3A = arith.addi %mul3A_9, %min3A_10 : i32
    %lt3A = arith.constant 10 : i32
    %lt3A_11 = arith.cmpi slt, %arg1, %lt3A : i32
    %jit3A = arith.constant 391 : i32
    %jit3A_12 = arith.constant 390 : i32
    %select_n3A = arith.select %lt3A_11, %jit3A, %jit3A_12 : i32
    %gt3A = arith.constant 0 : i32
    %gt3A_13 = arith.cmpi sgt, %select_n3A, %gt3A : i32
    %convert_element_type3A = arith.extui %gt3A_13 : i1 to i32
    %cond3A = arith.constant 0 : i32
    %cond3A_14 = arith.cmpi ne, %convert_element_type3A, %cond3A : i32
    scf.if %cond3A_14 {
      %add3A_51 = arith.constant 0 : i32
      %add3A_52 = arith.addi %add3A, %add3A_51 : i32
      %dma_start3A = arith.constant 0 : i32
      %dma_start3A_53 = arith.constant 0 : i32
      %dma_start3A_54 = tpu.memref_slice %arg3[%add3A_52, %dma_start3A, %dma_start3A_53] : memref<6250x2x128xi32, #tpu.memory_space<hbm>> -> memref<1x2x128xi32, #tpu.memory_space<hbm>>
      %dma_start3A_55 = tpu.memref_squeeze %dma_start3A_54 : memref<1x2x128xi32, #tpu.memory_space<hbm>> -> memref<2x128xi32, #tpu.memory_space<hbm>>
      %dma_start3A_56 = arith.constant 0 : i32
      %dma_start3A_57 = arith.constant 0 : i32
      %dma_start3A_58 = tpu.memref_slice %arg3[%add3A_52, %dma_start3A_56, %dma_start3A_57] : memref<6250x2x128xi32, #tpu.memory_space<hbm>> -> memref<1x2x128xi32, #tpu.memory_space<hbm>>
      %dma_start3A_59 = tpu.memref_squeeze %dma_start3A_58 : memref<1x2x128xi32, #tpu.memory_space<hbm>> -> memref<2x128xi32, #tpu.memory_space<hbm>>
      tpu.enqueue_dma source(%dma_start3A_59 : memref<2x128xi32, #tpu.memory_space<hbm>>) target(%arg5 : memref<2x128xi32, #tpu.memory_space<vmem>>) target_semaphore(%arg19 : memref<!tpu.dma_semaphore, #tpu.memory_space<semaphore_mem>>)
    } else {
    }
    %gt3A_15 = arith.constant 1 : i32
    %gt3A_16 = arith.cmpi sgt, %select_n3A, %gt3A_15 : i32
    %convert_element_type3A_17 = arith.extui %gt3A_16 : i1 to i32
    %cond3A_18 = arith.constant 0 : i32
    %cond3A_19 = arith.cmpi ne, %convert_element_type3A_17, %cond3A_18 : i32
    scf.if %cond3A_19 {
      %add3A_51 = arith.constant 1 : i32
      %add3A_52 = arith.addi %add3A, %add3A_51 : i32
      %dma_start3A = arith.constant 0 : i32
      %dma_start3A_53 = arith.constant 0 : i32
      %dma_start3A_54 = tpu.memref_slice %arg3[%add3A_52, %dma_start3A, %dma_start3A_53] : memref<6250x2x128xi32, #tpu.memory_space<hbm>> -> memref<1x2x128xi32, #tpu.memory_space<hbm>>
      %dma_start3A_55 = tpu.memref_squeeze %dma_start3A_54 : memref<1x2x128xi32, #tpu.memory_space<hbm>> -> memref<2x128xi32, #tpu.memory_space<hbm>>
      %dma_start3A_56 = arith.constant 0 : i32
      %dma_start3A_57 = arith.constant 0 : i32
      %dma_start3A_58 = tpu.memref_slice %arg3[%add3A_52, %dma_start3A_56, %dma_start3A_57] : memref<6250x2x128xi32, #tpu.memory_space<hbm>> -> memref<1x2x128xi32, #tpu.memory_space<hbm>>
      %dma_start3A_59 = tpu.memref_squeeze %dma_start3A_58 : memref<1x2x128xi32, #tpu.memory_space<hbm>> -> memref<2x128xi32, #tpu.memory_space<hbm>>
      tpu.enqueue_dma source(%dma_start3A_59 : memref<2x128xi32, #tpu.memory_space<hbm>>) target(%arg6 : memref<2x128xi32, #tpu.memory_space<vmem>>) target_semaphore(%arg20 : memref<!tpu.dma_semaphore, #tpu.memory_space<semaphore_mem>>)
    } else {
    }
    %gt3A_20 = arith.constant 2 : i32
    %gt3A_21 = arith.cmpi sgt, %select_n3A, %gt3A_20 : i32
    %convert_element_type3A_22 = arith.extui %gt3A_21 : i1 to i32
    %cond3A_23 = arith.constant 0 : i32
    %cond3A_24 = arith.cmpi ne, %convert_element_type3A_22, %cond3A_23 : i32
    scf.if %cond3A_24 {
      %add3A_51 = arith.constant 2 : i32
      %add3A_52 = arith.addi %add3A, %add3A_51 : i32
      %dma_start3A = arith.constant 0 : i32
      %dma_start3A_53 = arith.constant 0 : i32
      %dma_start3A_54 = tpu.memref_slice %arg3[%add3A_52, %dma_start3A, %dma_start3A_53] : memref<6250x2x128xi32, #tpu.memory_space<hbm>> -> memref<1x2x128xi32, #tpu.memory_space<hbm>>
      %dma_start3A_55 = tpu.memref_squeeze %dma_start3A_54 : memref<1x2x128xi32, #tpu.memory_space<hbm>> -> memref<2x128xi32, #tpu.memory_space<hbm>>
      %dma_start3A_56 = arith.constant 0 : i32
      %dma_start3A_57 = arith.constant 0 : i32
      %dma_start3A_58 = tpu.memref_slice %arg3[%add3A_52, %dma_start3A_56, %dma_start3A_57] : memref<6250x2x128xi32, #tpu.memory_space<hbm>> -> memref<1x2x128xi32, #tpu.memory_space<hbm>>
      %dma_start3A_59 = tpu.memref_squeeze %dma_start3A_58 : memref<1x2x128xi32, #tpu.memory_space<hbm>> -> memref<2x128xi32, #tpu.memory_space<hbm>>
      tpu.enqueue_dma source(%dma_start3A_59 : memref<2x128xi32, #tpu.memory_space<hbm>>) target(%arg7 : memref<2x128xi32, #tpu.memory_space<vmem>>) target_semaphore(%arg21 : memref<!tpu.dma_semaphore, #tpu.memory_space<semaphore_mem>>)
    } else {
    }
    %gt3A_25 = arith.constant 3 : i32
    %gt3A_26 = arith.cmpi sgt, %select_n3A, %gt3A_25 : i32
    %convert_element_type3A_27 = arith.extui %gt3A_26 : i1 to i32
    %cond3A_28 = arith.constant 0 : i32
    %cond3A_29 = arith.cmpi ne, %convert_element_type3A_27, %cond3A_28 : i32
    scf.if %cond3A_29 {
      %add3A_51 = arith.constant 3 : i32
      %add3A_52 = arith.addi %add3A, %add3A_51 : i32
      %dma_start3A = arith.constant 0 : i32
      %dma_start3A_53 = arith.constant 0 : i32
      %dma_start3A_54 = tpu.memref_slice %arg3[%add3A_52, %dma_start3A, %dma_start3A_53] : memref<6250x2x128xi32, #tpu.memory_space<hbm>> -> memref<1x2x128xi32, #tpu.memory_space<hbm>>
      %dma_start3A_55 = tpu.memref_squeeze %dma_start3A_54 : memref<1x2x128xi32, #tpu.memory_space<hbm>> -> memref<2x128xi32, #tpu.memory_space<hbm>>
      %dma_start3A_56 = arith.constant 0 : i32
      %dma_start3A_57 = arith.constant 0 : i32
      %dma_start3A_58 = tpu.memref_slice %arg3[%add3A_52, %dma_start3A_56, %dma_start3A_57] : memref<6250x2x128xi32, #tpu.memory_space<hbm>> -> memref<1x2x128xi32, #tpu.memory_space<hbm>>
      %dma_start3A_59 = tpu.memref_squeeze %dma_start3A_58 : memref<1x2x128xi32, #tpu.memory_space<hbm>> -> memref<2x128xi32, #tpu.memory_space<hbm>>
      tpu.enqueue_dma source(%dma_start3A_59 : memref<2x128xi32, #tpu.memory_space<hbm>>) target(%arg8 : memref<2x128xi32, #tpu.memory_space<vmem>>) target_semaphore(%arg22 : memref<!tpu.dma_semaphore, #tpu.memory_space<semaphore_mem>>)
    } else {
    }
    %gt3A_30 = arith.constant 4 : i32
    %gt3A_31 = arith.cmpi sgt, %select_n3A, %gt3A_30 : i32
    %convert_element_type3A_32 = arith.extui %gt3A_31 : i1 to i32
    %cond3A_33 = arith.constant 0 : i32
    %cond3A_34 = arith.cmpi ne, %convert_element_type3A_32, %cond3A_33 : i32
    scf.if %cond3A_34 {
      %add3A_51 = arith.constant 4 : i32
      %add3A_52 = arith.addi %add3A, %add3A_51 : i32
      %dma_start3A = arith.constant 0 : i32
      %dma_start3A_53 = arith.constant 0 : i32
      %dma_start3A_54 = tpu.memref_slice %arg3[%add3A_52, %dma_start3A, %dma_start3A_53] : memref<6250x2x128xi32, #tpu.memory_space<hbm>> -> memref<1x2x128xi32, #tpu.memory_space<hbm>>
      %dma_start3A_55 = tpu.memref_squeeze %dma_start3A_54 : memref<1x2x128xi32, #tpu.memory_space<hbm>> -> memref<2x128xi32, #tpu.memory_space<hbm>>
      %dma_start3A_56 = arith.constant 0 : i32
      %dma_start3A_57 = arith.constant 0 : i32
      %dma_start3A_58 = tpu.memref_slice %arg3[%add3A_52, %dma_start3A_56, %dma_start3A_57] : memref<6250x2x128xi32, #tpu.memory_space<hbm>> -> memref<1x2x128xi32, #tpu.memory_space<hbm>>
      %dma_start3A_59 = tpu.memref_squeeze %dma_start3A_58 : memref<1x2x128xi32, #tpu.memory_space<hbm>> -> memref<2x128xi32, #tpu.memory_space<hbm>>
      tpu.enqueue_dma source(%dma_start3A_59 : memref<2x128xi32, #tpu.memory_space<hbm>>) target(%arg9 : memref<2x128xi32, #tpu.memory_space<vmem>>) target_semaphore(%arg23 : memref<!tpu.dma_semaphore, #tpu.memory_space<semaphore_mem>>)
    } else {
    }
    %gt3A_35 = arith.constant 5 : i32
    %gt3A_36 = arith.cmpi sgt, %select_n3A, %gt3A_35 : i32
    %convert_element_type3A_37 = arith.extui %gt3A_36 : i1 to i32
    %cond3A_38 = arith.constant 0 : i32
    %cond3A_39 = arith.cmpi ne, %convert_element_type3A_37, %cond3A_38 : i32
    scf.if %cond3A_39 {
      %add3A_51 = arith.constant 5 : i32
      %add3A_52 = arith.addi %add3A, %add3A_51 : i32
      %dma_start3A = arith.constant 0 : i32
      %dma_start3A_53 = arith.constant 0 : i32
      %dma_start3A_54 = tpu.memref_slice %arg3[%add3A_52, %dma_start3A, %dma_start3A_53] : memref<6250x2x128xi32, #tpu.memory_space<hbm>> -> memref<1x2x128xi32, #tpu.memory_space<hbm>>
      %dma_start3A_55 = tpu.memref_squeeze %dma_start3A_54 : memref<1x2x128xi32, #tpu.memory_space<hbm>> -> memref<2x128xi32, #tpu.memory_space<hbm>>
      %dma_start3A_56 = arith.constant 0 : i32
      %dma_start3A_57 = arith.constant 0 : i32
      %dma_start3A_58 = tpu.memref_slice %arg3[%add3A_52, %dma_start3A_56, %dma_start3A_57] : memref<6250x2x128xi32, #tpu.memory_space<hbm>> -> memref<1x2x128xi32, #tpu.memory_space<hbm>>
      %dma_start3A_59 = tpu.memref_squeeze %dma_start3A_58 : memref<1x2x128xi32, #tpu.memory_space<hbm>> -> memref<2x128xi32, #tpu.memory_space<hbm>>
      tpu.enqueue_dma source(%dma_start3A_59 : memref<2x128xi32, #tpu.memory_space<hbm>>) target(%arg10 : memref<2x128xi32, #tpu.memory_space<vmem>>) target_semaphore(%arg24 : memref<!tpu.dma_semaphore, #tpu.memory_space<semaphore_mem>>)
    } else {
    }
    %scan3A_40 = arith.constant 0 : i32
    %scan3A_41 = arith.constant 66 : i32
    %scan3A_42 = arith.addi %scan3A_40, %scan3A_41 : i32
    %scan3A_43 = arith.constant 1 : i32
    scf.for %scan3A_51 = %scan3A_40 to %scan3A_42 step %scan3A_43  : i32 {
      %mul3A_52 = arith.constant 1 : i32
      %mul3A_53 = arith.muli %scan3A_51, %mul3A_52 : i32
      %add3A_54 = arith.constant 0 : i32
      %add3A_55 = arith.addi %add3A_54, %mul3A_53 : i32
      %mul3A_56 = arith.constant 6 : i32
      %mul3A_57 = arith.muli %add3A_55, %mul3A_56 : i32
      %add3A_58 = arith.constant 0 : i32
      %add3A_59 = arith.addi %mul3A_57, %add3A_58 : i32
      %lt3A_60 = arith.cmpi slt, %add3A_59, %select_n3A : i32
      %convert_element_type3A_61 = arith.extui %lt3A_60 : i1 to i32
      %cond3A_62 = arith.constant 0 : i32
      %cond3A_63 = arith.cmpi ne, %convert_element_type3A_61, %cond3A_62 : i32
      scf.if %cond3A_63 {
        %dma_wait3A = arith.constant 0 : i32
        %dma_wait3A_210 = arith.constant 0 : i32
        %dma_wait3A_211 = arith.constant 0 : i32
        %dma_wait3A_212 = tpu.memref_slice %arg3[%dma_wait3A, %dma_wait3A_210, %dma_wait3A_211] : memref<6250x2x128xi32, #tpu.memory_space<hbm>> -> memref<1x2x128xi32, #tpu.memory_space<hbm>>
        %dma_wait3A_213 = tpu.memref_squeeze %dma_wait3A_212 : memref<1x2x128xi32, #tpu.memory_space<hbm>> -> memref<2x128xi32, #tpu.memory_space<hbm>>
        %dma_wait3A_214 = arith.constant 0 : i32
        %dma_wait3A_215 = arith.constant 0 : i32
        %dma_wait3A_216 = tpu.memref_slice %arg3[%dma_wait3A, %dma_wait3A_214, %dma_wait3A_215] : memref<6250x2x128xi32, #tpu.memory_space<hbm>> -> memref<1x2x128xi32, #tpu.memory_space<hbm>>
        %dma_wait3A_217 = tpu.memref_squeeze %dma_wait3A_216 : memref<1x2x128xi32, #tpu.memory_space<hbm>> -> memref<2x128xi32, #tpu.memory_space<hbm>>
        tpu.wait_dma2 semaphore(%arg19 : memref<!tpu.dma_semaphore, #tpu.memory_space<semaphore_mem>>) src(%dma_wait3A_217 : memref<2x128xi32, #tpu.memory_space<hbm>>) dst(%arg5 : memref<2x128xi32, #tpu.memory_space<vmem>>)
        %scan3A_218 = arith.constant 0 : i32
        %scan3A_219 = arith.constant 8 : i32
        %scan3A_220 = arith.addi %scan3A_218, %scan3A_219 : i32
        %scan3A_221 = arith.constant 1 : i32
        scf.for %scan3A_229 = %scan3A_218 to %scan3A_220 step %scan3A_221  : i32 {
          %mul3A_230 = arith.constant 1 : i32
          %mul3A_231 = arith.muli %scan3A_229, %mul3A_230 : i32
          %add3A_232 = arith.constant 0 : i32
          %add3A_233 = arith.addi %add3A_232, %mul3A_231 : i32
          %mul3A_234 = arith.constant 16 : i32
          %mul3A_235 = arith.muli %add3A_233, %mul3A_234 : i32
          %get3A = arith.constant 0 : i32
          %get3A_236 = arith.index_cast %get3A : i32 to index
          %get3A_237 = arith.index_cast %mul3A_235 : i32 to index
          %get3A_238 = tpu.vector_load %arg5[%get3A_236, %get3A_237] {strides = array<i32>} : memref<2x128xi32, #tpu.memory_space<vmem>>, vector<1x16xi32>,
          %get3A_239 = vector.shape_cast %get3A_238 : vector<1x16xi32> to vector<16xi32>
          %and3A_240 = arith.constant 3 : i32
          %and3A_241 = vector.broadcast %and3A_240 : i32 to vector<16xi32>
          %and3A_242 = arith.andi %get3A_239, %and3A_241 : vector<16xi32>
          %shift_right_arithmetic3A = arith.constant 1 : i32
          %shift_right_arithmetic3A_243 = vector.broadcast %shift_right_arithmetic3A : i32 to vector<16xi32>
          %shift_right_arithmetic3A_244 = arith.shrsi %and3A_242, %shift_right_arithmetic3A_243 : vector<16xi32>
          %mul3A_245 = arith.constant 50000 : i32
          %mul3A_246 = vector.broadcast %mul3A_245 : i32 to vector<16xi32>
          %mul3A_247 = arith.muli %shift_right_arithmetic3A_244, %mul3A_246 : vector<16xi32>
          %sub3A = arith.subi %get3A_239, %and3A_242 : vector<16xi32>
          %add3A_248 = arith.addi %mul3A_247, %sub3A : vector<16xi32>
          %and3A_249 = arith.constant 1 : i32
          %and3A_250 = vector.broadcast %and3A_249 : i32 to vector<16xi32>
          %and3A_251 = arith.andi %and3A_242, %and3A_250 : vector<16xi32>
          %shift_left3A = arith.constant 1 : i32
          %shift_left3A_252 = vector.broadcast %shift_left3A : i32 to vector<16xi32>
          %shift_left3A_253 = arith.shli %and3A_251, %shift_left3A_252 : vector<16xi32>
          %add3A_254 = arith.addi %add3A_248, %shift_left3A_253 : vector<16xi32>
          %add3A_255 = vector.broadcast %arg0 : i32 to vector<16xi32>
          %add3A_256 = arith.addi %add3A_254, %add3A_255 : vector<16xi32>
          %mul3A_257 = arith.constant 16 : i32
          %mul3A_258 = arith.muli %add3A_233, %mul3A_257 : i32
          %swap3A = arith.constant 0 : i32
          %swap3A_259 = arith.index_cast %swap3A : i32 to index
          %swap3A_260 = arith.index_cast %mul3A_258 : i32 to index
          %swap3A_261 = tpu.vector_load %arg5[%swap3A_259, %swap3A_260] {strides = array<i32>} : memref<2x128xi32, #tpu.memory_space<vmem>>, vector<1x16xi32>,
          %swap3A_262 = vector.shape_cast %swap3A_261 : vector<1x16xi32> to vector<16xi32>
          %swap3A_263 = vector.shape_cast %add3A_256 : vector<16xi32> to vector<1x16xi32>
          tpu.vector_store %arg5[%swap3A_259, %swap3A_260], %swap3A_263 {strides = array<i32>} : memref<2x128xi32, #tpu.memory_space<vmem>>, vector<1x16xi32>,
        }
        %scan3A_222 = arith.constant 8 : i32
        %dma_start3A = arith.constant 0 : i32
        %dma_start3A_223 = arith.constant 0 : i32
        %dma_start3A_224 = tpu.memref_slice %arg5[%dma_start3A, %dma_start3A_223] : memref<2x128xi32, #tpu.memory_space<vmem>> -> memref<1x128xi32, #tpu.memory_space<vmem>>
        %dma_start3A_225 = tpu.memref_squeeze %dma_start3A_224 : memref<1x128xi32, #tpu.memory_space<vmem>> -> memref<128xi32, #tpu.memory_space<vmem>>
        %dma_start3A_226 = arith.constant 0 : i32
        %dma_start3A_227 = arith.constant 0 : i32
        %dma_start3A_228 = tpu.memref_slice %arg2[%dma_start3A_226, %dma_start3A_227] : memref<100000x32xf32, #tpu.memory_space<hbm>> -> memref<100000x32xf32, #tpu.memory_space<hbm>>
        tpu.enqueue_indirect_dma source(%dma_start3A_228 : memref<100000x32xf32, #tpu.memory_space<hbm>>) target(%arg11 : memref<128x32xf32, #tpu.memory_space<vmem>>) offsets(%dma_start3A_225 : memref<128xi32, #tpu.memory_space<vmem>>) semaphore(%arg25 : memref<!tpu.dma_semaphore, #tpu.memory_space<semaphore_mem>>)
      } else {
      }
      %ge3A = arith.constant 2 : i32
      %ge3A_64 = arith.cmpi sge, %add3A_59, %ge3A : i32
      %add3A_65 = arith.constant 2 : i32
      %add3A_66 = arith.addi %select_n3A, %add3A_65 : i32
      %lt3A_67 = arith.cmpi slt, %add3A_59, %add3A_66 : i32
      %and3A = arith.andi %ge3A_64, %lt3A_67 : i1
      %convert_element_type3A_68 = arith.extui %and3A : i1 to i32
      %cond3A_69 = arith.constant 0 : i32
      %cond3A_70 = arith.cmpi ne, %convert_element_type3A_68, %cond3A_69 : i32
      scf.if %cond3A_70 {
        %dma_wait3A = arith.constant 0 : i32
        %dma_wait3A_210 = arith.constant 0 : i32
        %dma_wait3A_211 = tpu.memref_slice %arg2[%dma_wait3A, %dma_wait3A_210] : memref<100000x32xf32, #tpu.memory_space<hbm>> -> memref<128x32xf32, #tpu.memory_space<hbm>>
        %dma_wait3A_212 = arith.constant 0 : i32
        %dma_wait3A_213 = arith.constant 0 : i32
        %dma_wait3A_214 = tpu.memref_slice %arg2[%dma_wait3A_212, %dma_wait3A_213] : memref<100000x32xf32, #tpu.memory_space<hbm>> -> memref<128x32xf32, #tpu.memory_space<hbm>>
        tpu.wait_dma2 semaphore(%arg29 : memref<!tpu.dma_semaphore, #tpu.memory_space<semaphore_mem>>) src(%dma_wait3A_214 : memref<128x32xf32, #tpu.memory_space<hbm>>) dst(%arg15 : memref<128x32xf32, #tpu.memory_space<vmem>>)
        %dma_start3A = arith.constant 1 : i32
        %dma_start3A_215 = arith.constant 0 : i32
        %dma_start3A_216 = tpu.memref_slice %arg9[%dma_start3A, %dma_start3A_215] : memref<2x128xi32, #tpu.memory_space<vmem>> -> memref<1x128xi32, #tpu.memory_space<vmem>>
        %dma_start3A_217 = tpu.memref_squeeze %dma_start3A_216 : memref<1x128xi32, #tpu.memory_space<vmem>> -> memref<128xi32, #tpu.memory_space<vmem>>
        %dma_start3A_218 = arith.constant 0 : i32
        %dma_start3A_219 = arith.constant 0 : i32
        %dma_start3A_220 = tpu.memref_slice %arg18[%dma_start3A_218, %dma_start3A_219] : memref<50000x32xf32, #tpu.memory_space<vmem_shared>> -> memref<50000x32xf32, #tpu.memory_space<vmem_shared>>
        tpu.enqueue_indirect_dma source(%arg15 : memref<128x32xf32, #tpu.memory_space<vmem>>) target(%dma_start3A_220 : memref<50000x32xf32, #tpu.memory_space<vmem_shared>>) offsets(%dma_start3A_217 : memref<128xi32, #tpu.memory_space<vmem>>) semaphore(%arg35 : memref<!tpu.dma_semaphore, #tpu.memory_space<semaphore_mem>>) {add = true}
      } else {
      }
      %ge3A_71 = arith.constant 4 : i32
      %ge3A_72 = arith.cmpi sge, %add3A_59, %ge3A_71 : i32
      %add3A_73 = arith.constant 4 : i32
      %add3A_74 = arith.addi %select_n3A, %add3A_73 : i32
      %lt3A_75 = arith.cmpi slt, %add3A_59, %add3A_74 : i32
      %and3A_76 = arith.andi %ge3A_72, %lt3A_75 : i1
      %convert_element_type3A_77 = arith.extui %and3A_76 : i1 to i32
      %cond3A_78 = arith.constant 0 : i32
      %cond3A_79 = arith.cmpi ne, %convert_element_type3A_77, %cond3A_78 : i32
      scf.if %cond3A_79 {
        %dma_wait3A = arith.constant 0 : i32
        %dma_wait3A_210 = arith.constant 0 : i32
        %dma_wait3A_211 = tpu.memref_slice %arg2[%dma_wait3A, %dma_wait3A_210] : memref<100000x32xf32, #tpu.memory_space<hbm>> -> memref<128x32xf32, #tpu.memory_space<hbm>>
        %dma_wait3A_212 = arith.constant 0 : i32
        %dma_wait3A_213 = arith.constant 0 : i32
        %dma_wait3A_214 = tpu.memref_slice %arg2[%dma_wait3A_212, %dma_wait3A_213] : memref<100000x32xf32, #tpu.memory_space<hbm>> -> memref<128x32xf32, #tpu.memory_space<hbm>>
        tpu.wait_dma2 semaphore(%arg33 : memref<!tpu.dma_semaphore, #tpu.memory_space<semaphore_mem>>) src(%dma_wait3A_214 : memref<128x32xf32, #tpu.memory_space<hbm>>) dst(%arg13 : memref<128x32xf32, #tpu.memory_space<vmem>>)
        %add3A_215 = arith.constant 2 : i32
        %add3A_216 = arith.addi %add3A_59, %add3A_215 : i32
        %lt3A_217 = arith.cmpi slt, %add3A_216, %select_n3A : i32
        %convert_element_type3A_218 = arith.extui %lt3A_217 : i1 to i32
        %cond3A_219 = arith.constant 0 : i32
        %cond3A_220 = arith.cmpi ne, %convert_element_type3A_218, %cond3A_219 : i32
        scf.if %cond3A_220 {
          %add3A_221 = arith.constant 2 : i32
          %add3A_222 = arith.addi %add3A_59, %add3A_221 : i32
          %add3A_223 = arith.addi %add3A, %add3A_222 : i32
          %dma_start3A = arith.constant 0 : i32
          %dma_start3A_224 = arith.constant 0 : i32
          %dma_start3A_225 = tpu.memref_slice %arg3[%add3A_223, %dma_start3A, %dma_start3A_224] : memref<6250x2x128xi32, #tpu.memory_space<hbm>> -> memref<1x2x128xi32, #tpu.memory_space<hbm>>
          %dma_start3A_226 = tpu.memref_squeeze %dma_start3A_225 : memref<1x2x128xi32, #tpu.memory_space<hbm>> -> memref<2x128xi32, #tpu.memory_space<hbm>>
          %dma_start3A_227 = arith.constant 0 : i32
          %dma_start3A_228 = arith.constant 0 : i32
          %dma_start3A_229 = tpu.memref_slice %arg3[%add3A_223, %dma_start3A_227, %dma_start3A_228] : memref<6250x2x128xi32, #tpu.memory_space<hbm>> -> memref<1x2x128xi32, #tpu.memory_space<hbm>>
          %dma_start3A_230 = tpu.memref_squeeze %dma_start3A_229 : memref<1x2x128xi32, #tpu.memory_space<hbm>> -> memref<2x128xi32, #tpu.memory_space<hbm>>
          tpu.enqueue_dma source(%dma_start3A_230 : memref<2x128xi32, #tpu.memory_space<hbm>>) target(%arg7 : memref<2x128xi32, #tpu.memory_space<vmem>>) target_semaphore(%arg21 : memref<!tpu.dma_semaphore, #tpu.memory_space<semaphore_mem>>)
        } else {
        }
      } else {
      }
      %mul3A_80 = arith.constant 6 : i32
      %mul3A_81 = arith.muli %add3A_55, %mul3A_80 : i32
      %add3A_82 = arith.constant 1 : i32
      %add3A_83 = arith.addi %mul3A_81, %add3A_82 : i32
      %lt3A_84 = arith.cmpi slt, %add3A_83, %select_n3A : i32
      %convert_element_type3A_85 = arith.extui %lt3A_84 : i1 to i32
      %cond3A_86 = arith.constant 0 : i32
      %cond3A_87 = arith.cmpi ne, %convert_element_type3A_85, %cond3A_86 : i32
      scf.if %cond3A_87 {
        %dma_wait3A = arith.constant 0 : i32
        %dma_wait3A_210 = arith.constant 0 : i32
        %dma_wait3A_211 = arith.constant 0 : i32
        %dma_wait3A_212 = tpu.memref_slice %arg3[%dma_wait3A, %dma_wait3A_210, %dma_wait3A_211] : memref<6250x2x128xi32, #tpu.memory_space<hbm>> -> memref<1x2x128xi32, #tpu.memory_space<hbm>>
        %dma_wait3A_213 = tpu.memref_squeeze %dma_wait3A_212 : memref<1x2x128xi32, #tpu.memory_space<hbm>> -> memref<2x128xi32, #tpu.memory_space<hbm>>
        %dma_wait3A_214 = arith.constant 0 : i32
        %dma_wait3A_215 = arith.constant 0 : i32
        %dma_wait3A_216 = tpu.memref_slice %arg3[%dma_wait3A, %dma_wait3A_214, %dma_wait3A_215] : memref<6250x2x128xi32, #tpu.memory_space<hbm>> -> memref<1x2x128xi32, #tpu.memory_space<hbm>>
        %dma_wait3A_217 = tpu.memref_squeeze %dma_wait3A_216 : memref<1x2x128xi32, #tpu.memory_space<hbm>> -> memref<2x128xi32, #tpu.memory_space<hbm>>
        tpu.wait_dma2 semaphore(%arg20 : memref<!tpu.dma_semaphore, #tpu.memory_space<semaphore_mem>>) src(%dma_wait3A_217 : memref<2x128xi32, #tpu.memory_space<hbm>>) dst(%arg6 : memref<2x128xi32, #tpu.memory_space<vmem>>)
        %scan3A_218 = arith.constant 0 : i32
        %scan3A_219 = arith.constant 8 : i32
        %scan3A_220 = arith.addi %scan3A_218, %scan3A_219 : i32
        %scan3A_221 = arith.constant 1 : i32
        scf.for %scan3A_229 = %scan3A_218 to %scan3A_220 step %scan3A_221  : i32 {
          %mul3A_230 = arith.constant 1 : i32
          %mul3A_231 = arith.muli %scan3A_229, %mul3A_230 : i32
          %add3A_232 = arith.constant 0 : i32
          %add3A_233 = arith.addi %add3A_232, %mul3A_231 : i32
          %mul3A_234 = arith.constant 16 : i32
          %mul3A_235 = arith.muli %add3A_233, %mul3A_234 : i32
          %get3A = arith.constant 0 : i32
          %get3A_236 = arith.index_cast %get3A : i32 to index
          %get3A_237 = arith.index_cast %mul3A_235 : i32 to index
          %get3A_238 = tpu.vector_load %arg6[%get3A_236, %get3A_237] {strides = array<i32>} : memref<2x128xi32, #tpu.memory_space<vmem>>, vector<1x16xi32>,
          %get3A_239 = vector.shape_cast %get3A_238 : vector<1x16xi32> to vector<16xi32>
          %and3A_240 = arith.constant 3 : i32
          %and3A_241 = vector.broadcast %and3A_240 : i32 to vector<16xi32>
          %and3A_242 = arith.andi %get3A_239, %and3A_241 : vector<16xi32>
          %shift_right_arithmetic3A = arith.constant 1 : i32
          %shift_right_arithmetic3A_243 = vector.broadcast %shift_right_arithmetic3A : i32 to vector<16xi32>
          %shift_right_arithmetic3A_244 = arith.shrsi %and3A_242, %shift_right_arithmetic3A_243 : vector<16xi32>
          %mul3A_245 = arith.constant 50000 : i32
          %mul3A_246 = vector.broadcast %mul3A_245 : i32 to vector<16xi32>
          %mul3A_247 = arith.muli %shift_right_arithmetic3A_244, %mul3A_246 : vector<16xi32>
          %sub3A = arith.subi %get3A_239, %and3A_242 : vector<16xi32>
          %add3A_248 = arith.addi %mul3A_247, %sub3A : vector<16xi32>
          %and3A_249 = arith.constant 1 : i32
          %and3A_250 = vector.broadcast %and3A_249 : i32 to vector<16xi32>
          %and3A_251 = arith.andi %and3A_242, %and3A_250 : vector<16xi32>
          %shift_left3A = arith.constant 1 : i32
          %shift_left3A_252 = vector.broadcast %shift_left3A : i32 to vector<16xi32>
          %shift_left3A_253 = arith.shli %and3A_251, %shift_left3A_252 : vector<16xi32>
          %add3A_254 = arith.addi %add3A_248, %shift_left3A_253 : vector<16xi32>
          %add3A_255 = vector.broadcast %arg0 : i32 to vector<16xi32>
          %add3A_256 = arith.addi %add3A_254, %add3A_255 : vector<16xi32>
          %mul3A_257 = arith.constant 16 : i32
          %mul3A_258 = arith.muli %add3A_233, %mul3A_257 : i32
          %swap3A = arith.constant 0 : i32
          %swap3A_259 = arith.index_cast %swap3A : i32 to index
          %swap3A_260 = arith.index_cast %mul3A_258 : i32 to index
          %swap3A_261 = tpu.vector_load %arg6[%swap3A_259, %swap3A_260] {strides = array<i32>} : memref<2x128xi32, #tpu.memory_space<vmem>>, vector<1x16xi32>,
          %swap3A_262 = vector.shape_cast %swap3A_261 : vector<1x16xi32> to vector<16xi32>
          %swap3A_263 = vector.shape_cast %add3A_256 : vector<16xi32> to vector<1x16xi32>
          tpu.vector_store %arg6[%swap3A_259, %swap3A_260], %swap3A_263 {strides = array<i32>} : memref<2x128xi32, #tpu.memory_space<vmem>>, vector<1x16xi32>,
        }
        %scan3A_222 = arith.constant 8 : i32
        %dma_start3A = arith.constant 0 : i32
        %dma_start3A_223 = arith.constant 0 : i32
        %dma_start3A_224 = tpu.memref_slice %arg6[%dma_start3A, %dma_start3A_223] : memref<2x128xi32, #tpu.memory_space<vmem>> -> memref<1x128xi32, #tpu.memory_space<vmem>>
        %dma_start3A_225 = tpu.memref_squeeze %dma_start3A_224 : memref<1x128xi32, #tpu.memory_space<vmem>> -> memref<128xi32, #tpu.memory_space<vmem>>
        %dma_start3A_226 = arith.constant 0 : i32
        %dma_start3A_227 = arith.constant 0 : i32
        %dma_start3A_228 = tpu.memref_slice %arg2[%dma_start3A_226, %dma_start3A_227] : memref<100000x32xf32, #tpu.memory_space<hbm>> -> memref<100000x32xf32, #tpu.memory_space<hbm>>
        tpu.enqueue_indirect_dma source(%dma_start3A_228 : memref<100000x32xf32, #tpu.memory_space<hbm>>) target(%arg12 : memref<128x32xf32, #tpu.memory_space<vmem>>) offsets(%dma_start3A_225 : memref<128xi32, #tpu.memory_space<vmem>>) semaphore(%arg26 : memref<!tpu.dma_semaphore, #tpu.memory_space<semaphore_mem>>)
      } else {
      }
      %ge3A_88 = arith.constant 2 : i32
      %ge3A_89 = arith.cmpi sge, %add3A_83, %ge3A_88 : i32
      %add3A_90 = arith.constant 2 : i32
      %add3A_91 = arith.addi %select_n3A, %add3A_90 : i32
      %lt3A_92 = arith.cmpi slt, %add3A_83, %add3A_91 : i32
      %and3A_93 = arith.andi %ge3A_89, %lt3A_92 : i1
      %convert_element_type3A_94 = arith.extui %and3A_93 : i1 to i32
      %cond3A_95 = arith.constant 0 : i32
      %cond3A_96 = arith.cmpi ne, %convert_element_type3A_94, %cond3A_95 : i32
      scf.if %cond3A_96 {
        %dma_wait3A = arith.constant 0 : i32
        %dma_wait3A_210 = arith.constant 0 : i32
        %dma_wait3A_211 = tpu.memref_slice %arg2[%dma_wait3A, %dma_wait3A_210] : memref<100000x32xf32, #tpu.memory_space<hbm>> -> memref<128x32xf32, #tpu.memory_space<hbm>>
        %dma_wait3A_212 = arith.constant 0 : i32
        %dma_wait3A_213 = arith.constant 0 : i32
        %dma_wait3A_214 = tpu.memref_slice %arg2[%dma_wait3A_212, %dma_wait3A_213] : memref<100000x32xf32, #tpu.memory_space<hbm>> -> memref<128x32xf32, #tpu.memory_space<hbm>>
        tpu.wait_dma2 semaphore(%arg30 : memref<!tpu.dma_semaphore, #tpu.memory_space<semaphore_mem>>) src(%dma_wait3A_214 : memref<128x32xf32, #tpu.memory_space<hbm>>) dst(%arg16 : memref<128x32xf32, #tpu.memory_space<vmem>>)
        %dma_start3A = arith.constant 1 : i32
        %dma_start3A_215 = arith.constant 0 : i32
        %dma_start3A_216 = tpu.memref_slice %arg10[%dma_start3A, %dma_start3A_215] : memref<2x128xi32, #tpu.memory_space<vmem>> -> memref<1x128xi32, #tpu.memory_space<vmem>>
        %dma_start3A_217 = tpu.memref_squeeze %dma_start3A_216 : memref<1x128xi32, #tpu.memory_space<vmem>> -> memref<128xi32, #tpu.memory_space<vmem>>
        %dma_start3A_218 = arith.constant 0 : i32
        %dma_start3A_219 = arith.constant 0 : i32
        %dma_start3A_220 = tpu.memref_slice %arg18[%dma_start3A_218, %dma_start3A_219] : memref<50000x32xf32, #tpu.memory_space<vmem_shared>> -> memref<50000x32xf32, #tpu.memory_space<vmem_shared>>
        tpu.enqueue_indirect_dma source(%arg16 : memref<128x32xf32, #tpu.memory_space<vmem>>) target(%dma_start3A_220 : memref<50000x32xf32, #tpu.memory_space<vmem_shared>>) offsets(%dma_start3A_217 : memref<128xi32, #tpu.memory_space<vmem>>) semaphore(%arg36 : memref<!tpu.dma_semaphore, #tpu.memory_space<semaphore_mem>>) {add = true}
      } else {
      }
      %ge3A_97 = arith.constant 4 : i32
      %ge3A_98 = arith.cmpi sge, %add3A_83, %ge3A_97 : i32
      %add3A_99 = arith.constant 4 : i32
      %add3A_100 = arith.addi %select_n3A, %add3A_99 : i32
      %lt3A_101 = arith.cmpi slt, %add3A_83, %add3A_100 : i32
      %and3A_102 = arith.andi %ge3A_98, %lt3A_101 : i1
      %convert_element_type3A_103 = arith.extui %and3A_102 : i1 to i32
      %cond3A_104 = arith.constant 0 : i32
      %cond3A_105 = arith.cmpi ne, %convert_element_type3A_103, %cond3A_104 : i32
      scf.if %cond3A_105 {
        %dma_wait3A = arith.constant 0 : i32
        %dma_wait3A_210 = arith.constant 0 : i32
        %dma_wait3A_211 = tpu.memref_slice %arg2[%dma_wait3A, %dma_wait3A_210] : memref<100000x32xf32, #tpu.memory_space<hbm>> -> memref<128x32xf32, #tpu.memory_space<hbm>>
        %dma_wait3A_212 = arith.constant 0 : i32
        %dma_wait3A_213 = arith.constant 0 : i32
        %dma_wait3A_214 = tpu.memref_slice %arg2[%dma_wait3A_212, %dma_wait3A_213] : memref<100000x32xf32, #tpu.memory_space<hbm>> -> memref<128x32xf32, #tpu.memory_space<hbm>>
        tpu.wait_dma2 semaphore(%arg34 : memref<!tpu.dma_semaphore, #tpu.memory_space<semaphore_mem>>) src(%dma_wait3A_214 : memref<128x32xf32, #tpu.memory_space<hbm>>) dst(%arg14 : memref<128x32xf32, #tpu.memory_space<vmem>>)
        %add3A_215 = arith.constant 2 : i32
        %add3A_216 = arith.addi %add3A_83, %add3A_215 : i32
        %lt3A_217 = arith.cmpi slt, %add3A_216, %select_n3A : i32
        %convert_element_type3A_218 = arith.extui %lt3A_217 : i1 to i32
        %cond3A_219 = arith.constant 0 : i32
        %cond3A_220 = arith.cmpi ne, %convert_element_type3A_218, %cond3A_219 : i32
        scf.if %cond3A_220 {
          %add3A_221 = arith.constant 2 : i32
          %add3A_222 = arith.addi %add3A_83, %add3A_221 : i32
          %add3A_223 = arith.addi %add3A, %add3A_222 : i32
          %dma_start3A = arith.constant 0 : i32
          %dma_start3A_224 = arith.constant 0 : i32
          %dma_start3A_225 = tpu.memref_slice %arg3[%add3A_223, %dma_start3A, %dma_start3A_224] : memref<6250x2x128xi32, #tpu.memory_space<hbm>> -> memref<1x2x128xi32, #tpu.memory_space<hbm>>
          %dma_start3A_226 = tpu.memref_squeeze %dma_start3A_225 : memref<1x2x128xi32, #tpu.memory_space<hbm>> -> memref<2x128xi32, #tpu.memory_space<hbm>>
          %dma_start3A_227 = arith.constant 0 : i32
          %dma_start3A_228 = arith.constant 0 : i32
          %dma_start3A_229 = tpu.memref_slice %arg3[%add3A_223, %dma_start3A_227, %dma_start3A_228] : memref<6250x2x128xi32, #tpu.memory_space<hbm>> -> memref<1x2x128xi32, #tpu.memory_space<hbm>>
          %dma_start3A_230 = tpu.memref_squeeze %dma_start3A_229 : memref<1x2x128xi32, #tpu.memory_space<hbm>> -> memref<2x128xi32, #tpu.memory_space<hbm>>
          tpu.enqueue_dma source(%dma_start3A_230 : memref<2x128xi32, #tpu.memory_space<hbm>>) target(%arg8 : memref<2x128xi32, #tpu.memory_space<vmem>>) target_semaphore(%arg22 : memref<!tpu.dma_semaphore, #tpu.memory_space<semaphore_mem>>)
        } else {
        }
      } else {
      }
      %mul3A_106 = arith.constant 6 : i32
      %mul3A_107 = arith.muli %add3A_55, %mul3A_106 : i32
      %add3A_108 = arith.constant 2 : i32
      %add3A_109 = arith.addi %mul3A_107, %add3A_108 : i32
      %lt3A_110 = arith.cmpi slt, %add3A_109, %select_n3A : i32
      %convert_element_type3A_111 = arith.extui %lt3A_110 : i1 to i32
      %cond3A_112 = arith.constant 0 : i32
      %cond3A_113 = arith.cmpi ne, %convert_element_type3A_111, %cond3A_112 : i32
      scf.if %cond3A_113 {
        %dma_wait3A = arith.constant 0 : i32
        %dma_wait3A_210 = arith.constant 0 : i32
        %dma_wait3A_211 = arith.constant 0 : i32
        %dma_wait3A_212 = tpu.memref_slice %arg3[%dma_wait3A, %dma_wait3A_210, %dma_wait3A_211] : memref<6250x2x128xi32, #tpu.memory_space<hbm>> -> memref<1x2x128xi32, #tpu.memory_space<hbm>>
        %dma_wait3A_213 = tpu.memref_squeeze %dma_wait3A_212 : memref<1x2x128xi32, #tpu.memory_space<hbm>> -> memref<2x128xi32, #tpu.memory_space<hbm>>
        %dma_wait3A_214 = arith.constant 0 : i32
        %dma_wait3A_215 = arith.constant 0 : i32
        %dma_wait3A_216 = tpu.memref_slice %arg3[%dma_wait3A, %dma_wait3A_214, %dma_wait3A_215] : memref<6250x2x128xi32, #tpu.memory_space<hbm>> -> memref<1x2x128xi32, #tpu.memory_space<hbm>>
        %dma_wait3A_217 = tpu.memref_squeeze %dma_wait3A_216 : memref<1x2x128xi32, #tpu.memory_space<hbm>> -> memref<2x128xi32, #tpu.memory_space<hbm>>
        tpu.wait_dma2 semaphore(%arg21 : memref<!tpu.dma_semaphore, #tpu.memory_space<semaphore_mem>>) src(%dma_wait3A_217 : memref<2x128xi32, #tpu.memory_space<hbm>>) dst(%arg7 : memref<2x128xi32, #tpu.memory_space<vmem>>)
        %scan3A_218 = arith.constant 0 : i32
        %scan3A_219 = arith.constant 8 : i32
        %scan3A_220 = arith.addi %scan3A_218, %scan3A_219 : i32
        %scan3A_221 = arith.constant 1 : i32
        scf.for %scan3A_229 = %scan3A_218 to %scan3A_220 step %scan3A_221  : i32 {
          %mul3A_230 = arith.constant 1 : i32
          %mul3A_231 = arith.muli %scan3A_229, %mul3A_230 : i32
          %add3A_232 = arith.constant 0 : i32
          %add3A_233 = arith.addi %add3A_232, %mul3A_231 : i32
          %mul3A_234 = arith.constant 16 : i32
          %mul3A_235 = arith.muli %add3A_233, %mul3A_234 : i32
          %get3A = arith.constant 0 : i32
          %get3A_236 = arith.index_cast %get3A : i32 to index
          %get3A_237 = arith.index_cast %mul3A_235 : i32 to index
          %get3A_238 = tpu.vector_load %arg7[%get3A_236, %get3A_237] {strides = array<i32>} : memref<2x128xi32, #tpu.memory_space<vmem>>, vector<1x16xi32>,
          %get3A_239 = vector.shape_cast %get3A_238 : vector<1x16xi32> to vector<16xi32>
          %and3A_240 = arith.constant 3 : i32
          %and3A_241 = vector.broadcast %and3A_240 : i32 to vector<16xi32>
          %and3A_242 = arith.andi %get3A_239, %and3A_241 : vector<16xi32>
          %shift_right_arithmetic3A = arith.constant 1 : i32
          %shift_right_arithmetic3A_243 = vector.broadcast %shift_right_arithmetic3A : i32 to vector<16xi32>
          %shift_right_arithmetic3A_244 = arith.shrsi %and3A_242, %shift_right_arithmetic3A_243 : vector<16xi32>
          %mul3A_245 = arith.constant 50000 : i32
          %mul3A_246 = vector.broadcast %mul3A_245 : i32 to vector<16xi32>
          %mul3A_247 = arith.muli %shift_right_arithmetic3A_244, %mul3A_246 : vector<16xi32>
          %sub3A = arith.subi %get3A_239, %and3A_242 : vector<16xi32>
          %add3A_248 = arith.addi %mul3A_247, %sub3A : vector<16xi32>
          %and3A_249 = arith.constant 1 : i32
          %and3A_250 = vector.broadcast %and3A_249 : i32 to vector<16xi32>
          %and3A_251 = arith.andi %and3A_242, %and3A_250 : vector<16xi32>
          %shift_left3A = arith.constant 1 : i32
          %shift_left3A_252 = vector.broadcast %shift_left3A : i32 to vector<16xi32>
          %shift_left3A_253 = arith.shli %and3A_251, %shift_left3A_252 : vector<16xi32>
          %add3A_254 = arith.addi %add3A_248, %shift_left3A_253 : vector<16xi32>
          %add3A_255 = vector.broadcast %arg0 : i32 to vector<16xi32>
          %add3A_256 = arith.addi %add3A_254, %add3A_255 : vector<16xi32>
          %mul3A_257 = arith.constant 16 : i32
          %mul3A_258 = arith.muli %add3A_233, %mul3A_257 : i32
          %swap3A = arith.constant 0 : i32
          %swap3A_259 = arith.index_cast %swap3A : i32 to index
          %swap3A_260 = arith.index_cast %mul3A_258 : i32 to index
          %swap3A_261 = tpu.vector_load %arg7[%swap3A_259, %swap3A_260] {strides = array<i32>} : memref<2x128xi32, #tpu.memory_space<vmem>>, vector<1x16xi32>,
          %swap3A_262 = vector.shape_cast %swap3A_261 : vector<1x16xi32> to vector<16xi32>
          %swap3A_263 = vector.shape_cast %add3A_256 : vector<16xi32> to vector<1x16xi32>
          tpu.vector_store %arg7[%swap3A_259, %swap3A_260], %swap3A_263 {strides = array<i32>} : memref<2x128xi32, #tpu.memory_space<vmem>>, vector<1x16xi32>,
        }
        %scan3A_222 = arith.constant 8 : i32
        %dma_start3A = arith.constant 0 : i32
        %dma_start3A_223 = arith.constant 0 : i32
        %dma_start3A_224 = tpu.memref_slice %arg7[%dma_start3A, %dma_start3A_223] : memref<2x128xi32, #tpu.memory_space<vmem>> -> memref<1x128xi32, #tpu.memory_space<vmem>>
        %dma_start3A_225 = tpu.memref_squeeze %dma_start3A_224 : memref<1x128xi32, #tpu.memory_space<vmem>> -> memref<128xi32, #tpu.memory_space<vmem>>
        %dma_start3A_226 = arith.constant 0 : i32
        %dma_start3A_227 = arith.constant 0 : i32
        %dma_start3A_228 = tpu.memref_slice %arg2[%dma_start3A_226, %dma_start3A_227] : memref<100000x32xf32, #tpu.memory_space<hbm>> -> memref<100000x32xf32, #tpu.memory_space<hbm>>
        tpu.enqueue_indirect_dma source(%dma_start3A_228 : memref<100000x32xf32, #tpu.memory_space<hbm>>) target(%arg13 : memref<128x32xf32, #tpu.memory_space<vmem>>) offsets(%dma_start3A_225 : memref<128xi32, #tpu.memory_space<vmem>>) semaphore(%arg27 : memref<!tpu.dma_semaphore, #tpu.memory_space<semaphore_mem>>)
      } else {
      }
      %ge3A_114 = arith.constant 2 : i32
      %ge3A_115 = arith.cmpi sge, %add3A_109, %ge3A_114 : i32
      %add3A_116 = arith.constant 2 : i32
      %add3A_117 = arith.addi %select_n3A, %add3A_116 : i32
      %lt3A_118 = arith.cmpi slt, %add3A_109, %add3A_117 : i32
      %and3A_119 = arith.andi %ge3A_115, %lt3A_118 : i1
      %convert_element_type3A_120 = arith.extui %and3A_119 : i1 to i32
      %cond3A_121 = arith.constant 0 : i32
      %cond3A_122 = arith.cmpi ne, %convert_element_type3A_120, %cond3A_121 : i32
      scf.if %cond3A_122 {
        %dma_wait3A = arith.constant 0 : i32
        %dma_wait3A_210 = arith.constant 0 : i32
        %dma_wait3A_211 = tpu.memref_slice %arg2[%dma_wait3A, %dma_wait3A_210] : memref<100000x32xf32, #tpu.memory_space<hbm>> -> memref<128x32xf32, #tpu.memory_space<hbm>>
        %dma_wait3A_212 = arith.constant 0 : i32
        %dma_wait3A_213 = arith.constant 0 : i32
        %dma_wait3A_214 = tpu.memref_slice %arg2[%dma_wait3A_212, %dma_wait3A_213] : memref<100000x32xf32, #tpu.memory_space<hbm>> -> memref<128x32xf32, #tpu.memory_space<hbm>>
        tpu.wait_dma2 semaphore(%arg25 : memref<!tpu.dma_semaphore, #tpu.memory_space<semaphore_mem>>) src(%dma_wait3A_214 : memref<128x32xf32, #tpu.memory_space<hbm>>) dst(%arg11 : memref<128x32xf32, #tpu.memory_space<vmem>>)
        %dma_start3A = arith.constant 1 : i32
        %dma_start3A_215 = arith.constant 0 : i32
        %dma_start3A_216 = tpu.memref_slice %arg5[%dma_start3A, %dma_start3A_215] : memref<2x128xi32, #tpu.memory_space<vmem>> -> memref<1x128xi32, #tpu.memory_space<vmem>>
        %dma_start3A_217 = tpu.memref_squeeze %dma_start3A_216 : memref<1x128xi32, #tpu.memory_space<vmem>> -> memref<128xi32, #tpu.memory_space<vmem>>
        %dma_start3A_218 = arith.constant 0 : i32
        %dma_start3A_219 = arith.constant 0 : i32
        %dma_start3A_220 = tpu.memref_slice %arg18[%dma_start3A_218, %dma_start3A_219] : memref<50000x32xf32, #tpu.memory_space<vmem_shared>> -> memref<50000x32xf32, #tpu.memory_space<vmem_shared>>
        tpu.enqueue_indirect_dma source(%arg11 : memref<128x32xf32, #tpu.memory_space<vmem>>) target(%dma_start3A_220 : memref<50000x32xf32, #tpu.memory_space<vmem_shared>>) offsets(%dma_start3A_217 : memref<128xi32, #tpu.memory_space<vmem>>) semaphore(%arg31 : memref<!tpu.dma_semaphore, #tpu.memory_space<semaphore_mem>>) {add = true}
      } else {
      }
      %ge3A_123 = arith.constant 4 : i32
      %ge3A_124 = arith.cmpi sge, %add3A_109, %ge3A_123 : i32
      %add3A_125 = arith.constant 4 : i32
      %add3A_126 = arith.addi %select_n3A, %add3A_125 : i32
      %lt3A_127 = arith.cmpi slt, %add3A_109, %add3A_126 : i32
      %and3A_128 = arith.andi %ge3A_124, %lt3A_127 : i1
      %convert_element_type3A_129 = arith.extui %and3A_128 : i1 to i32
      %cond3A_130 = arith.constant 0 : i32
      %cond3A_131 = arith.cmpi ne, %convert_element_type3A_129, %cond3A_130 : i32
      scf.if %cond3A_131 {
        %dma_wait3A = arith.constant 0 : i32
        %dma_wait3A_210 = arith.constant 0 : i32
        %dma_wait3A_211 = tpu.memref_slice %arg2[%dma_wait3A, %dma_wait3A_210] : memref<100000x32xf32, #tpu.memory_space<hbm>> -> memref<128x32xf32, #tpu.memory_space<hbm>>
        %dma_wait3A_212 = arith.constant 0 : i32
        %dma_wait3A_213 = arith.constant 0 : i32
        %dma_wait3A_214 = tpu.memref_slice %arg2[%dma_wait3A_212, %dma_wait3A_213] : memref<100000x32xf32, #tpu.memory_space<hbm>> -> memref<128x32xf32, #tpu.memory_space<hbm>>
        tpu.wait_dma2 semaphore(%arg35 : memref<!tpu.dma_semaphore, #tpu.memory_space<semaphore_mem>>) src(%dma_wait3A_214 : memref<128x32xf32, #tpu.memory_space<hbm>>) dst(%arg15 : memref<128x32xf32, #tpu.memory_space<vmem>>)
        %add3A_215 = arith.constant 2 : i32
        %add3A_216 = arith.addi %add3A_109, %add3A_215 : i32
        %lt3A_217 = arith.cmpi slt, %add3A_216, %select_n3A : i32
        %convert_element_type3A_218 = arith.extui %lt3A_217 : i1 to i32
        %cond3A_219 = arith.constant 0 : i32
        %cond3A_220 = arith.cmpi ne, %convert_element_type3A_218, %cond3A_219 : i32
        scf.if %cond3A_220 {
          %add3A_221 = arith.constant 2 : i32
          %add3A_222 = arith.addi %add3A_109, %add3A_221 : i32
          %add3A_223 = arith.addi %add3A, %add3A_222 : i32
          %dma_start3A = arith.constant 0 : i32
          %dma_start3A_224 = arith.constant 0 : i32
          %dma_start3A_225 = tpu.memref_slice %arg3[%add3A_223, %dma_start3A, %dma_start3A_224] : memref<6250x2x128xi32, #tpu.memory_space<hbm>> -> memref<1x2x128xi32, #tpu.memory_space<hbm>>
          %dma_start3A_226 = tpu.memref_squeeze %dma_start3A_225 : memref<1x2x128xi32, #tpu.memory_space<hbm>> -> memref<2x128xi32, #tpu.memory_space<hbm>>
          %dma_start3A_227 = arith.constant 0 : i32
          %dma_start3A_228 = arith.constant 0 : i32
          %dma_start3A_229 = tpu.memref_slice %arg3[%add3A_223, %dma_start3A_227, %dma_start3A_228] : memref<6250x2x128xi32, #tpu.memory_space<hbm>> -> memref<1x2x128xi32, #tpu.memory_space<hbm>>
          %dma_start3A_230 = tpu.memref_squeeze %dma_start3A_229 : memref<1x2x128xi32, #tpu.memory_space<hbm>> -> memref<2x128xi32, #tpu.memory_space<hbm>>
          tpu.enqueue_dma source(%dma_start3A_230 : memref<2x128xi32, #tpu.memory_space<hbm>>) target(%arg9 : memref<2x128xi32, #tpu.memory_space<vmem>>) target_semaphore(%arg23 : memref<!tpu.dma_semaphore, #tpu.memory_space<semaphore_mem>>)
        } else {
        }
      } else {
      }
      %mul3A_132 = arith.constant 6 : i32
      %mul3A_133 = arith.muli %add3A_55, %mul3A_132 : i32
      %add3A_134 = arith.constant 3 : i32
      %add3A_135 = arith.addi %mul3A_133, %add3A_134 : i32
      %lt3A_136 = arith.cmpi slt, %add3A_135, %select_n3A : i32
      %convert_element_type3A_137 = arith.extui %lt3A_136 : i1 to i32
      %cond3A_138 = arith.constant 0 : i32
      %cond3A_139 = arith.cmpi ne, %convert_element_type3A_137, %cond3A_138 : i32
      scf.if %cond3A_139 {
        %dma_wait3A = arith.constant 0 : i32
        %dma_wait3A_210 = arith.constant 0 : i32
        %dma_wait3A_211 = arith.constant 0 : i32
        %dma_wait3A_212 = tpu.memref_slice %arg3[%dma_wait3A, %dma_wait3A_210, %dma_wait3A_211] : memref<6250x2x128xi32, #tpu.memory_space<hbm>> -> memref<1x2x128xi32, #tpu.memory_space<hbm>>
        %dma_wait3A_213 = tpu.memref_squeeze %dma_wait3A_212 : memref<1x2x128xi32, #tpu.memory_space<hbm>> -> memref<2x128xi32, #tpu.memory_space<hbm>>
        %dma_wait3A_214 = arith.constant 0 : i32
        %dma_wait3A_215 = arith.constant 0 : i32
        %dma_wait3A_216 = tpu.memref_slice %arg3[%dma_wait3A, %dma_wait3A_214, %dma_wait3A_215] : memref<6250x2x128xi32, #tpu.memory_space<hbm>> -> memref<1x2x128xi32, #tpu.memory_space<hbm>>
        %dma_wait3A_217 = tpu.memref_squeeze %dma_wait3A_216 : memref<1x2x128xi32, #tpu.memory_space<hbm>> -> memref<2x128xi32, #tpu.memory_space<hbm>>
        tpu.wait_dma2 semaphore(%arg22 : memref<!tpu.dma_semaphore, #tpu.memory_space<semaphore_mem>>) src(%dma_wait3A_217 : memref<2x128xi32, #tpu.memory_space<hbm>>) dst(%arg8 : memref<2x128xi32, #tpu.memory_space<vmem>>)
        %scan3A_218 = arith.constant 0 : i32
        %scan3A_219 = arith.constant 8 : i32
        %scan3A_220 = arith.addi %scan3A_218, %scan3A_219 : i32
        %scan3A_221 = arith.constant 1 : i32
        scf.for %scan3A_229 = %scan3A_218 to %scan3A_220 step %scan3A_221  : i32 {
          %mul3A_230 = arith.constant 1 : i32
          %mul3A_231 = arith.muli %scan3A_229, %mul3A_230 : i32
          %add3A_232 = arith.constant 0 : i32
          %add3A_233 = arith.addi %add3A_232, %mul3A_231 : i32
          %mul3A_234 = arith.constant 16 : i32
          %mul3A_235 = arith.muli %add3A_233, %mul3A_234 : i32
          %get3A = arith.constant 0 : i32
          %get3A_236 = arith.index_cast %get3A : i32 to index
          %get3A_237 = arith.index_cast %mul3A_235 : i32 to index
          %get3A_238 = tpu.vector_load %arg8[%get3A_236, %get3A_237] {strides = array<i32>} : memref<2x128xi32, #tpu.memory_space<vmem>>, vector<1x16xi32>,
          %get3A_239 = vector.shape_cast %get3A_238 : vector<1x16xi32> to vector<16xi32>
          %and3A_240 = arith.constant 3 : i32
          %and3A_241 = vector.broadcast %and3A_240 : i32 to vector<16xi32>
          %and3A_242 = arith.andi %get3A_239, %and3A_241 : vector<16xi32>
          %shift_right_arithmetic3A = arith.constant 1 : i32
          %shift_right_arithmetic3A_243 = vector.broadcast %shift_right_arithmetic3A : i32 to vector<16xi32>
          %shift_right_arithmetic3A_244 = arith.shrsi %and3A_242, %shift_right_arithmetic3A_243 : vector<16xi32>
          %mul3A_245 = arith.constant 50000 : i32
          %mul3A_246 = vector.broadcast %mul3A_245 : i32 to vector<16xi32>
          %mul3A_247 = arith.muli %shift_right_arithmetic3A_244, %mul3A_246 : vector<16xi32>
          %sub3A = arith.subi %get3A_239, %and3A_242 : vector<16xi32>
          %add3A_248 = arith.addi %mul3A_247, %sub3A : vector<16xi32>
          %and3A_249 = arith.constant 1 : i32
          %and3A_250 = vector.broadcast %and3A_249 : i32 to vector<16xi32>
          %and3A_251 = arith.andi %and3A_242, %and3A_250 : vector<16xi32>
          %shift_left3A = arith.constant 1 : i32
          %shift_left3A_252 = vector.broadcast %shift_left3A : i32 to vector<16xi32>
          %shift_left3A_253 = arith.shli %and3A_251, %shift_left3A_252 : vector<16xi32>
          %add3A_254 = arith.addi %add3A_248, %shift_left3A_253 : vector<16xi32>
          %add3A_255 = vector.broadcast %arg0 : i32 to vector<16xi32>
          %add3A_256 = arith.addi %add3A_254, %add3A_255 : vector<16xi32>
          %mul3A_257 = arith.constant 16 : i32
          %mul3A_258 = arith.muli %add3A_233, %mul3A_257 : i32
          %swap3A = arith.constant 0 : i32
          %swap3A_259 = arith.index_cast %swap3A : i32 to index
          %swap3A_260 = arith.index_cast %mul3A_258 : i32 to index
          %swap3A_261 = tpu.vector_load %arg8[%swap3A_259, %swap3A_260] {strides = array<i32>} : memref<2x128xi32, #tpu.memory_space<vmem>>, vector<1x16xi32>,
          %swap3A_262 = vector.shape_cast %swap3A_261 : vector<1x16xi32> to vector<16xi32>
          %swap3A_263 = vector.shape_cast %add3A_256 : vector<16xi32> to vector<1x16xi32>
          tpu.vector_store %arg8[%swap3A_259, %swap3A_260], %swap3A_263 {strides = array<i32>} : memref<2x128xi32, #tpu.memory_space<vmem>>, vector<1x16xi32>,
        }
        %scan3A_222 = arith.constant 8 : i32
        %dma_start3A = arith.constant 0 : i32
        %dma_start3A_223 = arith.constant 0 : i32
        %dma_start3A_224 = tpu.memref_slice %arg8[%dma_start3A, %dma_start3A_223] : memref<2x128xi32, #tpu.memory_space<vmem>> -> memref<1x128xi32, #tpu.memory_space<vmem>>
        %dma_start3A_225 = tpu.memref_squeeze %dma_start3A_224 : memref<1x128xi32, #tpu.memory_space<vmem>> -> memref<128xi32, #tpu.memory_space<vmem>>
        %dma_start3A_226 = arith.constant 0 : i32
        %dma_start3A_227 = arith.constant 0 : i32
        %dma_start3A_228 = tpu.memref_slice %arg2[%dma_start3A_226, %dma_start3A_227] : memref<100000x32xf32, #tpu.memory_space<hbm>> -> memref<100000x32xf32, #tpu.memory_space<hbm>>
        tpu.enqueue_indirect_dma source(%dma_start3A_228 : memref<100000x32xf32, #tpu.memory_space<hbm>>) target(%arg14 : memref<128x32xf32, #tpu.memory_space<vmem>>) offsets(%dma_start3A_225 : memref<128xi32, #tpu.memory_space<vmem>>) semaphore(%arg28 : memref<!tpu.dma_semaphore, #tpu.memory_space<semaphore_mem>>)
      } else {
      }
      %ge3A_140 = arith.constant 2 : i32
      %ge3A_141 = arith.cmpi sge, %add3A_135, %ge3A_140 : i32
      %add3A_142 = arith.constant 2 : i32
      %add3A_143 = arith.addi %select_n3A, %add3A_142 : i32
      %lt3A_144 = arith.cmpi slt, %add3A_135, %add3A_143 : i32
      %and3A_145 = arith.andi %ge3A_141, %lt3A_144 : i1
      %convert_element_type3A_146 = arith.extui %and3A_145 : i1 to i32
      %cond3A_147 = arith.constant 0 : i32
      %cond3A_148 = arith.cmpi ne, %convert_element_type3A_146, %cond3A_147 : i32
      scf.if %cond3A_148 {
        %dma_wait3A = arith.constant 0 : i32
        %dma_wait3A_210 = arith.constant 0 : i32
        %dma_wait3A_211 = tpu.memref_slice %arg2[%dma_wait3A, %dma_wait3A_210] : memref<100000x32xf32, #tpu.memory_space<hbm>> -> memref<128x32xf32, #tpu.memory_space<hbm>>
        %dma_wait3A_212 = arith.constant 0 : i32
        %dma_wait3A_213 = arith.constant 0 : i32
        %dma_wait3A_214 = tpu.memref_slice %arg2[%dma_wait3A_212, %dma_wait3A_213] : memref<100000x32xf32, #tpu.memory_space<hbm>> -> memref<128x32xf32, #tpu.memory_space<hbm>>
        tpu.wait_dma2 semaphore(%arg26 : memref<!tpu.dma_semaphore, #tpu.memory_space<semaphore_mem>>) src(%dma_wait3A_214 : memref<128x32xf32, #tpu.memory_space<hbm>>) dst(%arg12 : memref<128x32xf32, #tpu.memory_space<vmem>>)
        %dma_start3A = arith.constant 1 : i32
        %dma_start3A_215 = arith.constant 0 : i32
        %dma_start3A_216 = tpu.memref_slice %arg6[%dma_start3A, %dma_start3A_215] : memref<2x128xi32, #tpu.memory_space<vmem>> -> memref<1x128xi32, #tpu.memory_space<vmem>>
        %dma_start3A_217 = tpu.memref_squeeze %dma_start3A_216 : memref<1x128xi32, #tpu.memory_space<vmem>> -> memref<128xi32, #tpu.memory_space<vmem>>
        %dma_start3A_218 = arith.constant 0 : i32
        %dma_start3A_219 = arith.constant 0 : i32
        %dma_start3A_220 = tpu.memref_slice %arg18[%dma_start3A_218, %dma_start3A_219] : memref<50000x32xf32, #tpu.memory_space<vmem_shared>> -> memref<50000x32xf32, #tpu.memory_space<vmem_shared>>
        tpu.enqueue_indirect_dma source(%arg12 : memref<128x32xf32, #tpu.memory_space<vmem>>) target(%dma_start3A_220 : memref<50000x32xf32, #tpu.memory_space<vmem_shared>>) offsets(%dma_start3A_217 : memref<128xi32, #tpu.memory_space<vmem>>) semaphore(%arg32 : memref<!tpu.dma_semaphore, #tpu.memory_space<semaphore_mem>>) {add = true}
      } else {
      }
      %ge3A_149 = arith.constant 4 : i32
      %ge3A_150 = arith.cmpi sge, %add3A_135, %ge3A_149 : i32
      %add3A_151 = arith.constant 4 : i32
      %add3A_152 = arith.addi %select_n3A, %add3A_151 : i32
      %lt3A_153 = arith.cmpi slt, %add3A_135, %add3A_152 : i32
      %and3A_154 = arith.andi %ge3A_150, %lt3A_153 : i1
      %convert_element_type3A_155 = arith.extui %and3A_154 : i1 to i32
      %cond3A_156 = arith.constant 0 : i32
      %cond3A_157 = arith.cmpi ne, %convert_element_type3A_155, %cond3A_156 : i32
      scf.if %cond3A_157 {
        %dma_wait3A = arith.constant 0 : i32
        %dma_wait3A_210 = arith.constant 0 : i32
        %dma_wait3A_211 = tpu.memref_slice %arg2[%dma_wait3A, %dma_wait3A_210] : memref<100000x32xf32, #tpu.memory_space<hbm>> -> memref<128x32xf32, #tpu.memory_space<hbm>>
        %dma_wait3A_212 = arith.constant 0 : i32
        %dma_wait3A_213 = arith.constant 0 : i32
        %dma_wait3A_214 = tpu.memref_slice %arg2[%dma_wait3A_212, %dma_wait3A_213] : memref<100000x32xf32, #tpu.memory_space<hbm>> -> memref<128x32xf32, #tpu.memory_space<hbm>>
        tpu.wait_dma2 semaphore(%arg36 : memref<!tpu.dma_semaphore, #tpu.memory_space<semaphore_mem>>) src(%dma_wait3A_214 : memref<128x32xf32, #tpu.memory_space<hbm>>) dst(%arg16 : memref<128x32xf32, #tpu.memory_space<vmem>>)
        %add3A_215 = arith.constant 2 : i32
        %add3A_216 = arith.addi %add3A_135, %add3A_215 : i32
        %lt3A_217 = arith.cmpi slt, %add3A_216, %select_n3A : i32
        %convert_element_type3A_218 = arith.extui %lt3A_217 : i1 to i32
        %cond3A_219 = arith.constant 0 : i32
        %cond3A_220 = arith.cmpi ne, %convert_element_type3A_218, %cond3A_219 : i32
        scf.if %cond3A_220 {
          %add3A_221 = arith.constant 2 : i32
          %add3A_222 = arith.addi %add3A_135, %add3A_221 : i32
          %add3A_223 = arith.addi %add3A, %add3A_222 : i32
          %dma_start3A = arith.constant 0 : i32
          %dma_start3A_224 = arith.constant 0 : i32
          %dma_start3A_225 = tpu.memref_slice %arg3[%add3A_223, %dma_start3A, %dma_start3A_224] : memref<6250x2x128xi32, #tpu.memory_space<hbm>> -> memref<1x2x128xi32, #tpu.memory_space<hbm>>
          %dma_start3A_226 = tpu.memref_squeeze %dma_start3A_225 : memref<1x2x128xi32, #tpu.memory_space<hbm>> -> memref<2x128xi32, #tpu.memory_space<hbm>>
          %dma_start3A_227 = arith.constant 0 : i32
          %dma_start3A_228 = arith.constant 0 : i32
          %dma_start3A_229 = tpu.memref_slice %arg3[%add3A_223, %dma_start3A_227, %dma_start3A_228] : memref<6250x2x128xi32, #tpu.memory_space<hbm>> -> memref<1x2x128xi32, #tpu.memory_space<hbm>>
          %dma_start3A_230 = tpu.memref_squeeze %dma_start3A_229 : memref<1x2x128xi32, #tpu.memory_space<hbm>> -> memref<2x128xi32, #tpu.memory_space<hbm>>
          tpu.enqueue_dma source(%dma_start3A_230 : memref<2x128xi32, #tpu.memory_space<hbm>>) target(%arg10 : memref<2x128xi32, #tpu.memory_space<vmem>>) target_semaphore(%arg24 : memref<!tpu.dma_semaphore, #tpu.memory_space<semaphore_mem>>)
        } else {
        }
      } else {
      }
      %mul3A_158 = arith.constant 6 : i32
      %mul3A_159 = arith.muli %add3A_55, %mul3A_158 : i32
      %add3A_160 = arith.constant 4 : i32
      %add3A_161 = arith.addi %mul3A_159, %add3A_160 : i32
      %lt3A_162 = arith.cmpi slt, %add3A_161, %select_n3A : i32
      %convert_element_type3A_163 = arith.extui %lt3A_162 : i1 to i32
      %cond3A_164 = arith.constant 0 : i32
      %cond3A_165 = arith.cmpi ne, %convert_element_type3A_163, %cond3A_164 : i32
      scf.if %cond3A_165 {
        %dma_wait3A = arith.constant 0 : i32
        %dma_wait3A_210 = arith.constant 0 : i32
        %dma_wait3A_211 = arith.constant 0 : i32
        %dma_wait3A_212 = tpu.memref_slice %arg3[%dma_wait3A, %dma_wait3A_210, %dma_wait3A_211] : memref<6250x2x128xi32, #tpu.memory_space<hbm>> -> memref<1x2x128xi32, #tpu.memory_space<hbm>>
        %dma_wait3A_213 = tpu.memref_squeeze %dma_wait3A_212 : memref<1x2x128xi32, #tpu.memory_space<hbm>> -> memref<2x128xi32, #tpu.memory_space<hbm>>
        %dma_wait3A_214 = arith.constant 0 : i32
        %dma_wait3A_215 = arith.constant 0 : i32
        %dma_wait3A_216 = tpu.memref_slice %arg3[%dma_wait3A, %dma_wait3A_214, %dma_wait3A_215] : memref<6250x2x128xi32, #tpu.memory_space<hbm>> -> memref<1x2x128xi32, #tpu.memory_space<hbm>>
        %dma_wait3A_217 = tpu.memref_squeeze %dma_wait3A_216 : memref<1x2x128xi32, #tpu.memory_space<hbm>> -> memref<2x128xi32, #tpu.memory_space<hbm>>
        tpu.wait_dma2 semaphore(%arg23 : memref<!tpu.dma_semaphore, #tpu.memory_space<semaphore_mem>>) src(%dma_wait3A_217 : memref<2x128xi32, #tpu.memory_space<hbm>>) dst(%arg9 : memref<2x128xi32, #tpu.memory_space<vmem>>)
        %scan3A_218 = arith.constant 0 : i32
        %scan3A_219 = arith.constant 8 : i32
        %scan3A_220 = arith.addi %scan3A_218, %scan3A_219 : i32
        %scan3A_221 = arith.constant 1 : i32
        scf.for %scan3A_229 = %scan3A_218 to %scan3A_220 step %scan3A_221  : i32 {
          %mul3A_230 = arith.constant 1 : i32
          %mul3A_231 = arith.muli %scan3A_229, %mul3A_230 : i32
          %add3A_232 = arith.constant 0 : i32
          %add3A_233 = arith.addi %add3A_232, %mul3A_231 : i32
          %mul3A_234 = arith.constant 16 : i32
          %mul3A_235 = arith.muli %add3A_233, %mul3A_234 : i32
          %get3A = arith.constant 0 : i32
          %get3A_236 = arith.index_cast %get3A : i32 to index
          %get3A_237 = arith.index_cast %mul3A_235 : i32 to index
          %get3A_238 = tpu.vector_load %arg9[%get3A_236, %get3A_237] {strides = array<i32>} : memref<2x128xi32, #tpu.memory_space<vmem>>, vector<1x16xi32>,
          %get3A_239 = vector.shape_cast %get3A_238 : vector<1x16xi32> to vector<16xi32>
          %and3A_240 = arith.constant 3 : i32
          %and3A_241 = vector.broadcast %and3A_240 : i32 to vector<16xi32>
          %and3A_242 = arith.andi %get3A_239, %and3A_241 : vector<16xi32>
          %shift_right_arithmetic3A = arith.constant 1 : i32
          %shift_right_arithmetic3A_243 = vector.broadcast %shift_right_arithmetic3A : i32 to vector<16xi32>
          %shift_right_arithmetic3A_244 = arith.shrsi %and3A_242, %shift_right_arithmetic3A_243 : vector<16xi32>
          %mul3A_245 = arith.constant 50000 : i32
          %mul3A_246 = vector.broadcast %mul3A_245 : i32 to vector<16xi32>
          %mul3A_247 = arith.muli %shift_right_arithmetic3A_244, %mul3A_246 : vector<16xi32>
          %sub3A = arith.subi %get3A_239, %and3A_242 : vector<16xi32>
          %add3A_248 = arith.addi %mul3A_247, %sub3A : vector<16xi32>
          %and3A_249 = arith.constant 1 : i32
          %and3A_250 = vector.broadcast %and3A_249 : i32 to vector<16xi32>
          %and3A_251 = arith.andi %and3A_242, %and3A_250 : vector<16xi32>
          %shift_left3A = arith.constant 1 : i32
          %shift_left3A_252 = vector.broadcast %shift_left3A : i32 to vector<16xi32>
          %shift_left3A_253 = arith.shli %and3A_251, %shift_left3A_252 : vector<16xi32>
          %add3A_254 = arith.addi %add3A_248, %shift_left3A_253 : vector<16xi32>
          %add3A_255 = vector.broadcast %arg0 : i32 to vector<16xi32>
          %add3A_256 = arith.addi %add3A_254, %add3A_255 : vector<16xi32>
          %mul3A_257 = arith.constant 16 : i32
          %mul3A_258 = arith.muli %add3A_233, %mul3A_257 : i32
          %swap3A = arith.constant 0 : i32
          %swap3A_259 = arith.index_cast %swap3A : i32 to index
          %swap3A_260 = arith.index_cast %mul3A_258 : i32 to index
          %swap3A_261 = tpu.vector_load %arg9[%swap3A_259, %swap3A_260] {strides = array<i32>} : memref<2x128xi32, #tpu.memory_space<vmem>>, vector<1x16xi32>,
          %swap3A_262 = vector.shape_cast %swap3A_261 : vector<1x16xi32> to vector<16xi32>
          %swap3A_263 = vector.shape_cast %add3A_256 : vector<16xi32> to vector<1x16xi32>
          tpu.vector_store %arg9[%swap3A_259, %swap3A_260], %swap3A_263 {strides = array<i32>} : memref<2x128xi32, #tpu.memory_space<vmem>>, vector<1x16xi32>,
        }
        %scan3A_222 = arith.constant 8 : i32
        %dma_start3A = arith.constant 0 : i32
        %dma_start3A_223 = arith.constant 0 : i32
        %dma_start3A_224 = tpu.memref_slice %arg9[%dma_start3A, %dma_start3A_223] : memref<2x128xi32, #tpu.memory_space<vmem>> -> memref<1x128xi32, #tpu.memory_space<vmem>>
        %dma_start3A_225 = tpu.memref_squeeze %dma_start3A_224 : memref<1x128xi32, #tpu.memory_space<vmem>> -> memref<128xi32, #tpu.memory_space<vmem>>
        %dma_start3A_226 = arith.constant 0 : i32
        %dma_start3A_227 = arith.constant 0 : i32
        %dma_start3A_228 = tpu.memref_slice %arg2[%dma_start3A_226, %dma_start3A_227] : memref<100000x32xf32, #tpu.memory_space<hbm>> -> memref<100000x32xf32, #tpu.memory_space<hbm>>
        tpu.enqueue_indirect_dma source(%dma_start3A_228 : memref<100000x32xf32, #tpu.memory_space<hbm>>) target(%arg15 : memref<128x32xf32, #tpu.memory_space<vmem>>) offsets(%dma_start3A_225 : memref<128xi32, #tpu.memory_space<vmem>>) semaphore(%arg29 : memref<!tpu.dma_semaphore, #tpu.memory_space<semaphore_mem>>)
      } else {
      }
      %ge3A_166 = arith.constant 2 : i32
      %ge3A_167 = arith.cmpi sge, %add3A_161, %ge3A_166 : i32
      %add3A_168 = arith.constant 2 : i32
      %add3A_169 = arith.addi %select_n3A, %add3A_168 : i32
      %lt3A_170 = arith.cmpi slt, %add3A_161, %add3A_169 : i32
      %and3A_171 = arith.andi %ge3A_167, %lt3A_170 : i1
      %convert_element_type3A_172 = arith.extui %and3A_171 : i1 to i32
      %cond3A_173 = arith.constant 0 : i32
      %cond3A_174 = arith.cmpi ne, %convert_element_type3A_172, %cond3A_173 : i32
      scf.if %cond3A_174 {
        %dma_wait3A = arith.constant 0 : i32
        %dma_wait3A_210 = arith.constant 0 : i32
        %dma_wait3A_211 = tpu.memref_slice %arg2[%dma_wait3A, %dma_wait3A_210] : memref<100000x32xf32, #tpu.memory_space<hbm>> -> memref<128x32xf32, #tpu.memory_space<hbm>>
        %dma_wait3A_212 = arith.constant 0 : i32
        %dma_wait3A_213 = arith.constant 0 : i32
        %dma_wait3A_214 = tpu.memref_slice %arg2[%dma_wait3A_212, %dma_wait3A_213] : memref<100000x32xf32, #tpu.memory_space<hbm>> -> memref<128x32xf32, #tpu.memory_space<hbm>>
        tpu.wait_dma2 semaphore(%arg27 : memref<!tpu.dma_semaphore, #tpu.memory_space<semaphore_mem>>) src(%dma_wait3A_214 : memref<128x32xf32, #tpu.memory_space<hbm>>) dst(%arg13 : memref<128x32xf32, #tpu.memory_space<vmem>>)
        %dma_start3A = arith.constant 1 : i32
        %dma_start3A_215 = arith.constant 0 : i32
        %dma_start3A_216 = tpu.memref_slice %arg7[%dma_start3A, %dma_start3A_215] : memref<2x128xi32, #tpu.memory_space<vmem>> -> memref<1x128xi32, #tpu.memory_space<vmem>>
        %dma_start3A_217 = tpu.memref_squeeze %dma_start3A_216 : memref<1x128xi32, #tpu.memory_space<vmem>> -> memref<128xi32, #tpu.memory_space<vmem>>
        %dma_start3A_218 = arith.constant 0 : i32
        %dma_start3A_219 = arith.constant 0 : i32
        %dma_start3A_220 = tpu.memref_slice %arg18[%dma_start3A_218, %dma_start3A_219] : memref<50000x32xf32, #tpu.memory_space<vmem_shared>> -> memref<50000x32xf32, #tpu.memory_space<vmem_shared>>
        tpu.enqueue_indirect_dma source(%arg13 : memref<128x32xf32, #tpu.memory_space<vmem>>) target(%dma_start3A_220 : memref<50000x32xf32, #tpu.memory_space<vmem_shared>>) offsets(%dma_start3A_217 : memref<128xi32, #tpu.memory_space<vmem>>) semaphore(%arg33 : memref<!tpu.dma_semaphore, #tpu.memory_space<semaphore_mem>>) {add = true}
      } else {
      }
      %ge3A_175 = arith.constant 4 : i32
      %ge3A_176 = arith.cmpi sge, %add3A_161, %ge3A_175 : i32
      %add3A_177 = arith.constant 4 : i32
      %add3A_178 = arith.addi %select_n3A, %add3A_177 : i32
      %lt3A_179 = arith.cmpi slt, %add3A_161, %add3A_178 : i32
      %and3A_180 = arith.andi %ge3A_176, %lt3A_179 : i1
      %convert_element_type3A_181 = arith.extui %and3A_180 : i1 to i32
      %cond3A_182 = arith.constant 0 : i32
      %cond3A_183 = arith.cmpi ne, %convert_element_type3A_181, %cond3A_182 : i32
      scf.if %cond3A_183 {
        %dma_wait3A = arith.constant 0 : i32
        %dma_wait3A_210 = arith.constant 0 : i32
        %dma_wait3A_211 = tpu.memref_slice %arg2[%dma_wait3A, %dma_wait3A_210] : memref<100000x32xf32, #tpu.memory_space<hbm>> -> memref<128x32xf32, #tpu.memory_space<hbm>>
        %dma_wait3A_212 = arith.constant 0 : i32
        %dma_wait3A_213 = arith.constant 0 : i32
        %dma_wait3A_214 = tpu.memref_slice %arg2[%dma_wait3A_212, %dma_wait3A_213] : memref<100000x32xf32, #tpu.memory_space<hbm>> -> memref<128x32xf32, #tpu.memory_space<hbm>>
        tpu.wait_dma2 semaphore(%arg31 : memref<!tpu.dma_semaphore, #tpu.memory_space<semaphore_mem>>) src(%dma_wait3A_214 : memref<128x32xf32, #tpu.memory_space<hbm>>) dst(%arg11 : memref<128x32xf32, #tpu.memory_space<vmem>>)
        %add3A_215 = arith.constant 2 : i32
        %add3A_216 = arith.addi %add3A_161, %add3A_215 : i32
        %lt3A_217 = arith.cmpi slt, %add3A_216, %select_n3A : i32
        %convert_element_type3A_218 = arith.extui %lt3A_217 : i1 to i32
        %cond3A_219 = arith.constant 0 : i32
        %cond3A_220 = arith.cmpi ne, %convert_element_type3A_218, %cond3A_219 : i32
        scf.if %cond3A_220 {
          %add3A_221 = arith.constant 2 : i32
          %add3A_222 = arith.addi %add3A_161, %add3A_221 : i32
          %add3A_223 = arith.addi %add3A, %add3A_222 : i32
          %dma_start3A = arith.constant 0 : i32
          %dma_start3A_224 = arith.constant 0 : i32
          %dma_start3A_225 = tpu.memref_slice %arg3[%add3A_223, %dma_start3A, %dma_start3A_224] : memref<6250x2x128xi32, #tpu.memory_space<hbm>> -> memref<1x2x128xi32, #tpu.memory_space<hbm>>
          %dma_start3A_226 = tpu.memref_squeeze %dma_start3A_225 : memref<1x2x128xi32, #tpu.memory_space<hbm>> -> memref<2x128xi32, #tpu.memory_space<hbm>>
          %dma_start3A_227 = arith.constant 0 : i32
          %dma_start3A_228 = arith.constant 0 : i32
          %dma_start3A_229 = tpu.memref_slice %arg3[%add3A_223, %dma_start3A_227, %dma_start3A_228] : memref<6250x2x128xi32, #tpu.memory_space<hbm>> -> memref<1x2x128xi32, #tpu.memory_space<hbm>>
          %dma_start3A_230 = tpu.memref_squeeze %dma_start3A_229 : memref<1x2x128xi32, #tpu.memory_space<hbm>> -> memref<2x128xi32, #tpu.memory_space<hbm>>
          tpu.enqueue_dma source(%dma_start3A_230 : memref<2x128xi32, #tpu.memory_space<hbm>>) target(%arg5 : memref<2x128xi32, #tpu.memory_space<vmem>>) target_semaphore(%arg19 : memref<!tpu.dma_semaphore, #tpu.memory_space<semaphore_mem>>)
        } else {
        }
      } else {
      }
      %mul3A_184 = arith.constant 6 : i32
      %mul3A_185 = arith.muli %add3A_55, %mul3A_184 : i32
      %add3A_186 = arith.constant 5 : i32
      %add3A_187 = arith.addi %mul3A_185, %add3A_186 : i32
      %lt3A_188 = arith.cmpi slt, %add3A_187, %select_n3A : i32
      %convert_element_type3A_189 = arith.extui %lt3A_188 : i1 to i32
      %cond3A_190 = arith.constant 0 : i32
      %cond3A_191 = arith.cmpi ne, %convert_element_type3A_189, %cond3A_190 : i32
      scf.if %cond3A_191 {
        %dma_wait3A = arith.constant 0 : i32
        %dma_wait3A_210 = arith.constant 0 : i32
        %dma_wait3A_211 = arith.constant 0 : i32
        %dma_wait3A_212 = tpu.memref_slice %arg3[%dma_wait3A, %dma_wait3A_210, %dma_wait3A_211] : memref<6250x2x128xi32, #tpu.memory_space<hbm>> -> memref<1x2x128xi32, #tpu.memory_space<hbm>>
        %dma_wait3A_213 = tpu.memref_squeeze %dma_wait3A_212 : memref<1x2x128xi32, #tpu.memory_space<hbm>> -> memref<2x128xi32, #tpu.memory_space<hbm>>
        %dma_wait3A_214 = arith.constant 0 : i32
        %dma_wait3A_215 = arith.constant 0 : i32
        %dma_wait3A_216 = tpu.memref_slice %arg3[%dma_wait3A, %dma_wait3A_214, %dma_wait3A_215] : memref<6250x2x128xi32, #tpu.memory_space<hbm>> -> memref<1x2x128xi32, #tpu.memory_space<hbm>>
        %dma_wait3A_217 = tpu.memref_squeeze %dma_wait3A_216 : memref<1x2x128xi32, #tpu.memory_space<hbm>> -> memref<2x128xi32, #tpu.memory_space<hbm>>
        tpu.wait_dma2 semaphore(%arg24 : memref<!tpu.dma_semaphore, #tpu.memory_space<semaphore_mem>>) src(%dma_wait3A_217 : memref<2x128xi32, #tpu.memory_space<hbm>>) dst(%arg10 : memref<2x128xi32, #tpu.memory_space<vmem>>)
        %scan3A_218 = arith.constant 0 : i32
        %scan3A_219 = arith.constant 8 : i32
        %scan3A_220 = arith.addi %scan3A_218, %scan3A_219 : i32
        %scan3A_221 = arith.constant 1 : i32
        scf.for %scan3A_229 = %scan3A_218 to %scan3A_220 step %scan3A_221  : i32 {
          %mul3A_230 = arith.constant 1 : i32
          %mul3A_231 = arith.muli %scan3A_229, %mul3A_230 : i32
          %add3A_232 = arith.constant 0 : i32
          %add3A_233 = arith.addi %add3A_232, %mul3A_231 : i32
          %mul3A_234 = arith.constant 16 : i32
          %mul3A_235 = arith.muli %add3A_233, %mul3A_234 : i32
          %get3A = arith.constant 0 : i32
          %get3A_236 = arith.index_cast %get3A : i32 to index
          %get3A_237 = arith.index_cast %mul3A_235 : i32 to index
          %get3A_238 = tpu.vector_load %arg10[%get3A_236, %get3A_237] {strides = array<i32>} : memref<2x128xi32, #tpu.memory_space<vmem>>, vector<1x16xi32>,
          %get3A_239 = vector.shape_cast %get3A_238 : vector<1x16xi32> to vector<16xi32>
          %and3A_240 = arith.constant 3 : i32
          %and3A_241 = vector.broadcast %and3A_240 : i32 to vector<16xi32>
          %and3A_242 = arith.andi %get3A_239, %and3A_241 : vector<16xi32>
          %shift_right_arithmetic3A = arith.constant 1 : i32
          %shift_right_arithmetic3A_243 = vector.broadcast %shift_right_arithmetic3A : i32 to vector<16xi32>
          %shift_right_arithmetic3A_244 = arith.shrsi %and3A_242, %shift_right_arithmetic3A_243 : vector<16xi32>
          %mul3A_245 = arith.constant 50000 : i32
          %mul3A_246 = vector.broadcast %mul3A_245 : i32 to vector<16xi32>
          %mul3A_247 = arith.muli %shift_right_arithmetic3A_244, %mul3A_246 : vector<16xi32>
          %sub3A = arith.subi %get3A_239, %and3A_242 : vector<16xi32>
          %add3A_248 = arith.addi %mul3A_247, %sub3A : vector<16xi32>
          %and3A_249 = arith.constant 1 : i32
          %and3A_250 = vector.broadcast %and3A_249 : i32 to vector<16xi32>
          %and3A_251 = arith.andi %and3A_242, %and3A_250 : vector<16xi32>
          %shift_left3A = arith.constant 1 : i32
          %shift_left3A_252 = vector.broadcast %shift_left3A : i32 to vector<16xi32>
          %shift_left3A_253 = arith.shli %and3A_251, %shift_left3A_252 : vector<16xi32>
          %add3A_254 = arith.addi %add3A_248, %shift_left3A_253 : vector<16xi32>
          %add3A_255 = vector.broadcast %arg0 : i32 to vector<16xi32>
          %add3A_256 = arith.addi %add3A_254, %add3A_255 : vector<16xi32>
          %mul3A_257 = arith.constant 16 : i32
          %mul3A_258 = arith.muli %add3A_233, %mul3A_257 : i32
          %swap3A = arith.constant 0 : i32
          %swap3A_259 = arith.index_cast %swap3A : i32 to index
          %swap3A_260 = arith.index_cast %mul3A_258 : i32 to index
          %swap3A_261 = tpu.vector_load %arg10[%swap3A_259, %swap3A_260] {strides = array<i32>} : memref<2x128xi32, #tpu.memory_space<vmem>>, vector<1x16xi32>,
          %swap3A_262 = vector.shape_cast %swap3A_261 : vector<1x16xi32> to vector<16xi32>
          %swap3A_263 = vector.shape_cast %add3A_256 : vector<16xi32> to vector<1x16xi32>
          tpu.vector_store %arg10[%swap3A_259, %swap3A_260], %swap3A_263 {strides = array<i32>} : memref<2x128xi32, #tpu.memory_space<vmem>>, vector<1x16xi32>,
        }
        %scan3A_222 = arith.constant 8 : i32
        %dma_start3A = arith.constant 0 : i32
        %dma_start3A_223 = arith.constant 0 : i32
        %dma_start3A_224 = tpu.memref_slice %arg10[%dma_start3A, %dma_start3A_223] : memref<2x128xi32, #tpu.memory_space<vmem>> -> memref<1x128xi32, #tpu.memory_space<vmem>>
        %dma_start3A_225 = tpu.memref_squeeze %dma_start3A_224 : memref<1x128xi32, #tpu.memory_space<vmem>> -> memref<128xi32, #tpu.memory_space<vmem>>
        %dma_start3A_226 = arith.constant 0 : i32
        %dma_start3A_227 = arith.constant 0 : i32
        %dma_start3A_228 = tpu.memref_slice %arg2[%dma_start3A_226, %dma_start3A_227] : memref<100000x32xf32, #tpu.memory_space<hbm>> -> memref<100000x32xf32, #tpu.memory_space<hbm>>
        tpu.enqueue_indirect_dma source(%dma_start3A_228 : memref<100000x32xf32, #tpu.memory_space<hbm>>) target(%arg16 : memref<128x32xf32, #tpu.memory_space<vmem>>) offsets(%dma_start3A_225 : memref<128xi32, #tpu.memory_space<vmem>>) semaphore(%arg30 : memref<!tpu.dma_semaphore, #tpu.memory_space<semaphore_mem>>)
      } else {
      }
      %ge3A_192 = arith.constant 2 : i32
      %ge3A_193 = arith.cmpi sge, %add3A_187, %ge3A_192 : i32
      %add3A_194 = arith.constant 2 : i32
      %add3A_195 = arith.addi %select_n3A, %add3A_194 : i32
      %lt3A_196 = arith.cmpi slt, %add3A_187, %add3A_195 : i32
      %and3A_197 = arith.andi %ge3A_193, %lt3A_196 : i1
      %convert_element_type3A_198 = arith.extui %and3A_197 : i1 to i32
      %cond3A_199 = arith.constant 0 : i32
      %cond3A_200 = arith.cmpi ne, %convert_element_type3A_198, %cond3A_199 : i32
      scf.if %cond3A_200 {
        %dma_wait3A = arith.constant 0 : i32
        %dma_wait3A_210 = arith.constant 0 : i32
        %dma_wait3A_211 = tpu.memref_slice %arg2[%dma_wait3A, %dma_wait3A_210] : memref<100000x32xf32, #tpu.memory_space<hbm>> -> memref<128x32xf32, #tpu.memory_space<hbm>>
        %dma_wait3A_212 = arith.constant 0 : i32
        %dma_wait3A_213 = arith.constant 0 : i32
        %dma_wait3A_214 = tpu.memref_slice %arg2[%dma_wait3A_212, %dma_wait3A_213] : memref<100000x32xf32, #tpu.memory_space<hbm>> -> memref<128x32xf32, #tpu.memory_space<hbm>>
        tpu.wait_dma2 semaphore(%arg28 : memref<!tpu.dma_semaphore, #tpu.memory_space<semaphore_mem>>) src(%dma_wait3A_214 : memref<128x32xf32, #tpu.memory_space<hbm>>) dst(%arg14 : memref<128x32xf32, #tpu.memory_space<vmem>>)
        %dma_start3A = arith.constant 1 : i32
        %dma_start3A_215 = arith.constant 0 : i32
        %dma_start3A_216 = tpu.memref_slice %arg8[%dma_start3A, %dma_start3A_215] : memref<2x128xi32, #tpu.memory_space<vmem>> -> memref<1x128xi32, #tpu.memory_space<vmem>>
        %dma_start3A_217 = tpu.memref_squeeze %dma_start3A_216 : memref<1x128xi32, #tpu.memory_space<vmem>> -> memref<128xi32, #tpu.memory_space<vmem>>
        %dma_start3A_218 = arith.constant 0 : i32
        %dma_start3A_219 = arith.constant 0 : i32
        %dma_start3A_220 = tpu.memref_slice %arg18[%dma_start3A_218, %dma_start3A_219] : memref<50000x32xf32, #tpu.memory_space<vmem_shared>> -> memref<50000x32xf32, #tpu.memory_space<vmem_shared>>
        tpu.enqueue_indirect_dma source(%arg14 : memref<128x32xf32, #tpu.memory_space<vmem>>) target(%dma_start3A_220 : memref<50000x32xf32, #tpu.memory_space<vmem_shared>>) offsets(%dma_start3A_217 : memref<128xi32, #tpu.memory_space<vmem>>) semaphore(%arg34 : memref<!tpu.dma_semaphore, #tpu.memory_space<semaphore_mem>>) {add = true}
      } else {
      }
      %ge3A_201 = arith.constant 4 : i32
      %ge3A_202 = arith.cmpi sge, %add3A_187, %ge3A_201 : i32
      %add3A_203 = arith.constant 4 : i32
      %add3A_204 = arith.addi %select_n3A, %add3A_203 : i32
      %lt3A_205 = arith.cmpi slt, %add3A_187, %add3A_204 : i32
      %and3A_206 = arith.andi %ge3A_202, %lt3A_205 : i1
      %convert_element_type3A_207 = arith.extui %and3A_206 : i1 to i32
      %cond3A_208 = arith.constant 0 : i32
      %cond3A_209 = arith.cmpi ne, %convert_element_type3A_207, %cond3A_208 : i32
      scf.if %cond3A_209 {
        %dma_wait3A = arith.constant 0 : i32
        %dma_wait3A_210 = arith.constant 0 : i32
        %dma_wait3A_211 = tpu.memref_slice %arg2[%dma_wait3A, %dma_wait3A_210] : memref<100000x32xf32, #tpu.memory_space<hbm>> -> memref<128x32xf32, #tpu.memory_space<hbm>>
        %dma_wait3A_212 = arith.constant 0 : i32
        %dma_wait3A_213 = arith.constant 0 : i32
        %dma_wait3A_214 = tpu.memref_slice %arg2[%dma_wait3A_212, %dma_wait3A_213] : memref<100000x32xf32, #tpu.memory_space<hbm>> -> memref<128x32xf32, #tpu.memory_space<hbm>>
        tpu.wait_dma2 semaphore(%arg32 : memref<!tpu.dma_semaphore, #tpu.memory_space<semaphore_mem>>) src(%dma_wait3A_214 : memref<128x32xf32, #tpu.memory_space<hbm>>) dst(%arg12 : memref<128x32xf32, #tpu.memory_space<vmem>>)
        %add3A_215 = arith.constant 2 : i32
        %add3A_216 = arith.addi %add3A_187, %add3A_215 : i32
        %lt3A_217 = arith.cmpi slt, %add3A_216, %select_n3A : i32
        %convert_element_type3A_218 = arith.extui %lt3A_217 : i1 to i32
        %cond3A_219 = arith.constant 0 : i32
        %cond3A_220 = arith.cmpi ne, %convert_element_type3A_218, %cond3A_219 : i32
        scf.if %cond3A_220 {
          %add3A_221 = arith.constant 2 : i32
          %add3A_222 = arith.addi %add3A_187, %add3A_221 : i32
          %add3A_223 = arith.addi %add3A, %add3A_222 : i32
          %dma_start3A = arith.constant 0 : i32
          %dma_start3A_224 = arith.constant 0 : i32
          %dma_start3A_225 = tpu.memref_slice %arg3[%add3A_223, %dma_start3A, %dma_start3A_224] : memref<6250x2x128xi32, #tpu.memory_space<hbm>> -> memref<1x2x128xi32, #tpu.memory_space<hbm>>
          %dma_start3A_226 = tpu.memref_squeeze %dma_start3A_225 : memref<1x2x128xi32, #tpu.memory_space<hbm>> -> memref<2x128xi32, #tpu.memory_space<hbm>>
          %dma_start3A_227 = arith.constant 0 : i32
          %dma_start3A_228 = arith.constant 0 : i32
          %dma_start3A_229 = tpu.memref_slice %arg3[%add3A_223, %dma_start3A_227, %dma_start3A_228] : memref<6250x2x128xi32, #tpu.memory_space<hbm>> -> memref<1x2x128xi32, #tpu.memory_space<hbm>>
          %dma_start3A_230 = tpu.memref_squeeze %dma_start3A_229 : memref<1x2x128xi32, #tpu.memory_space<hbm>> -> memref<2x128xi32, #tpu.memory_space<hbm>>
          tpu.enqueue_dma source(%dma_start3A_230 : memref<2x128xi32, #tpu.memory_space<hbm>>) target(%arg6 : memref<2x128xi32, #tpu.memory_space<vmem>>) target_semaphore(%arg20 : memref<!tpu.dma_semaphore, #tpu.memory_space<semaphore_mem>>)
        } else {
        }
      } else {
      }
    }
    %scan3A_44 = arith.constant 66 : i32
    %barrier3A_45 = arith.constant 0 : index
    tpu.barrier barrier_id(%barrier3A_45)
    %scan3A_46 = arith.constant 0 : i32
    %scan3A_47 = arith.constant 4 : i32
    %scan3A_48 = arith.addi %scan3A_46, %scan3A_47 : i32
    %scan3A_49 = arith.constant 1 : i32
    scf.for %scan3A_51 = %scan3A_46 to %scan3A_48 step %scan3A_49  : i32 {
      %mul3A_52 = arith.constant 1 : i32
      %mul3A_53 = arith.muli %scan3A_51, %mul3A_52 : i32
      %add3A_54 = arith.constant 0 : i32
      %add3A_55 = arith.addi %add3A_54, %mul3A_53 : i32
      %mul3A_56 = arith.constant 16 : i32
      %mul3A_57 = arith.muli %add3A_55, %mul3A_56 : i32
      %add3A_58 = arith.addi %arg1, %mul3A_57 : i32
      %lt3A_59 = arith.constant 50 : i32
      %lt3A_60 = arith.cmpi slt, %add3A_58, %lt3A_59 : i32
      %convert_element_type3A_61 = arith.extui %lt3A_60 : i1 to i32
      %cond3A_62 = arith.constant 0 : i32
      %cond3A_63 = arith.cmpi ne, %convert_element_type3A_61, %cond3A_62 : i32
      scf.if %cond3A_63 {
        %mul3A_64 = arith.constant 1000 : i32
        %mul3A_65 = arith.muli %add3A_58, %mul3A_64 : i32
        %mul3A_66 = arith.constant 1000 : i32
        %mul3A_67 = arith.muli %add3A_58, %mul3A_66 : i32
        "tpu.region"() ({
          %run_scoped3A = tpu.sem_alloc : memref<!tpu.dma_semaphore, #tpu.memory_space<semaphore_mem>>
          %dma_start3A = arith.constant 0 : i32
          %dma_start3A_68 = arith.constant 0 : i32
          %dma_start3A_69 = tpu.memref_slice %arg4[%arg0, %dma_start3A, %dma_start3A_68] : memref<2x50000x32xf32, #tpu.memory_space<hbm>> -> memref<1x50000x32xf32, #tpu.memory_space<hbm>>
          %dma_start3A_70 = tpu.memref_squeeze %dma_start3A_69 : memref<1x50000x32xf32, #tpu.memory_space<hbm>> -> memref<50000x32xf32, #tpu.memory_space<hbm>>
          %dma_start3A_71 = arith.constant 0 : i32
          %dma_start3A_72 = tpu.memref_slice %dma_start3A_70[%mul3A_67, %dma_start3A_71] : memref<50000x32xf32, #tpu.memory_space<hbm>> -> memref<1000x32xf32, #tpu.memory_space<hbm>>
          %dma_start3A_73 = arith.constant 0 : i32
          %dma_start3A_74 = tpu.memref_slice %arg18[%mul3A_65, %dma_start3A_73] : memref<50000x32xf32, #tpu.memory_space<vmem_shared>> -> memref<1000x32xf32, #tpu.memory_space<vmem_shared>>
          tpu.enqueue_dma source(%dma_start3A_74 : memref<1000x32xf32, #tpu.memory_space<vmem_shared>>) target(%dma_start3A_72 : memref<1000x32xf32, #tpu.memory_space<hbm>>) target_semaphore(%run_scoped3A : memref<!tpu.dma_semaphore, #tpu.memory_space<semaphore_mem>>)
          %dma_wait3A = arith.constant 0 : i32
          %dma_wait3A_75 = arith.constant 0 : i32
          %dma_wait3A_76 = tpu.memref_slice %arg4[%arg0, %dma_wait3A, %dma_wait3A_75] : memref<2x50000x32xf32, #tpu.memory_space<hbm>> -> memref<1x50000x32xf32, #tpu.memory_space<hbm>>
          %dma_wait3A_77 = tpu.memref_squeeze %dma_wait3A_76 : memref<1x50000x32xf32, #tpu.memory_space<hbm>> -> memref<50000x32xf32, #tpu.memory_space<hbm>>
          %dma_wait3A_78 = arith.constant 0 : i32
          %dma_wait3A_79 = tpu.memref_slice %dma_wait3A_77[%mul3A_67, %dma_wait3A_78] : memref<50000x32xf32, #tpu.memory_space<hbm>> -> memref<1000x32xf32, #tpu.memory_space<hbm>>
          %dma_wait3A_80 = arith.constant 0 : i32
          %dma_wait3A_81 = tpu.memref_slice %arg18[%mul3A_65, %dma_wait3A_80] : memref<50000x32xf32, #tpu.memory_space<vmem_shared>> -> memref<1000x32xf32, #tpu.memory_space<vmem_shared>>
          tpu.wait_dma2 semaphore(%run_scoped3A : memref<!tpu.dma_semaphore, #tpu.memory_space<semaphore_mem>>) src(%dma_wait3A_81 : memref<1000x32xf32, #tpu.memory_space<vmem_shared>>) dst(%dma_wait3A_79 : memref<1000x32xf32, #tpu.memory_space<hbm>>)
          tpu.yield
        }) : () -> ()
      } else {
      }
    }
    %scan3A_50 = arith.constant 4 : i32
    return
  }
}

module attributes {stable_mosaic.version = 14 : i64} {
  func.func @body(%arg0: i32, %arg1: memref<2x512x128xf32, #tpu.memory_space<vmem>>, %arg2: memref<512x128xf32, #tpu.memory_space<vmem>>, %arg3: memref<32x64xf32, #tpu.memory_space<vmem>>, %arg4: memref<1x64xf32, #tpu.memory_space<vmem>>, %arg5: memref<32x64xf32, #tpu.memory_space<vmem>>, %arg6: memref<2x512x128xf32, #tpu.memory_space<vmem>>) attributes {dimension_semantics = [#tpu.dimension_semantics<arbitrary>], iteration_bounds = array<i64: 25>, scalar_prefetch = 0 : i64, scratch_operands = 0 : i64, tpu.core_type = #tpu.core_type<tc>, window_params = [{transform_indices = @transform_0, window_bounds = array<i64: 2, 512, 128>}, {transform_indices = @transform_1, window_bounds = array<i64: 512, 128>}, {pipeline_mode = #tpu.pipeline_mode<synchronous>, transform_indices = @transform_2, window_bounds = array<i64: 32, 64>}, {pipeline_mode = #tpu.pipeline_mode<synchronous>, transform_indices = @transform_3, window_bounds = array<i64: 1, 64>}, {pipeline_mode = #tpu.pipeline_mode<synchronous>, transform_indices = @transform_4, window_bounds = array<i64: 32, 64>}, {transform_indices = @transform_5, window_bounds = array<i64: 2, 512, 128>}]} {
    %get3A = arith.constant 0 : index
    %get3A_0 = arith.constant 0 : index
    %get3A_1 = arith.constant 0 : index
    %get3A_2 = vector.load %arg1[%get3A, %get3A_0, %get3A_1] : memref<2x512x128xf32, #tpu.memory_space<vmem>>, vector<1x512x128xf32>
    %get3A_3 = vector.shape_cast %get3A_2 : vector<1x512x128xf32> to vector<512x128xf32>
    %get3A_4 = arith.constant 1 : index
    %get3A_5 = arith.constant 0 : index
    %get3A_6 = arith.constant 0 : index
    %get3A_7 = vector.load %arg1[%get3A_4, %get3A_5, %get3A_6] : memref<2x512x128xf32, #tpu.memory_space<vmem>>, vector<1x512x128xf32>
    %get3A_8 = vector.shape_cast %get3A_7 : vector<1x512x128xf32> to vector<512x128xf32>
    %add3A = arith.addf %get3A_3, %get3A_8 : vector<512x128xf32>
    %get3A_9 = arith.constant 0 : index
    %get3A_10 = arith.constant 0 : index
    %get3A_11 = vector.load %arg2[%get3A_9, %get3A_10] : memref<512x128xf32, #tpu.memory_space<vmem>>, vector<512x128xf32>
    %slice3A = vector.extract_strided_slice %add3A {offsets = [0, 0], sizes = [512, 32], strides = [1, 1]} : vector<512x128xf32> to vector<512x32xf32>
    %get3A_12 = arith.constant 0 : index
    %get3A_13 = arith.constant 0 : index
    %get3A_14 = vector.load %arg3[%get3A_12, %get3A_13] : memref<32x64xf32, #tpu.memory_space<vmem>>, vector<32x64xf32>
    %dot_general3A = arith.constant dense<0.000000e+00> : vector<512x64xf32>
    %dot_general3A_15 = tpu.matmul %slice3A, %get3A_14, %dot_general3A {dimension_numbers = #tpu.dot_dimension_numbers<[1], [0], [0], [1], [0, 0, 1, 1], [], []>, transpose_lhs_hint = false} : vector<512x32xf32>, vector<32x64xf32>, vector<512x64xf32> -> vector<512x64xf32>
    %slice3A_16 = vector.extract_strided_slice %get3A_11 {offsets = [0, 0], sizes = [512, 32], strides = [1, 1]} : vector<512x128xf32> to vector<512x32xf32>
    %get3A_17 = arith.constant 0 : index
    %get3A_18 = arith.constant 0 : index
    %get3A_19 = vector.load %arg5[%get3A_17, %get3A_18] : memref<32x64xf32, #tpu.memory_space<vmem>>, vector<32x64xf32>
    %dot_general3A_20 = arith.constant dense<0.000000e+00> : vector<512x64xf32>
    %dot_general3A_21 = tpu.matmul %slice3A_16, %get3A_19, %dot_general3A_20 {dimension_numbers = #tpu.dot_dimension_numbers<[1], [0], [0], [1], [0, 0, 1, 1], [], []>, transpose_lhs_hint = false} : vector<512x32xf32>, vector<32x64xf32>, vector<512x64xf32> -> vector<512x64xf32>
    %add3A_22 = arith.addf %dot_general3A_15, %dot_general3A_21 : vector<512x64xf32>
    %get3A_23 = arith.constant 0 : index
    %get3A_24 = arith.constant 0 : index
    %get3A_25 = vector.load %arg4[%get3A_23, %get3A_24] : memref<1x64xf32, #tpu.memory_space<vmem>>, vector<1x64xf32>
    %add3A_26 = vector.broadcast %get3A_25 : vector<1x64xf32> to vector<512x64xf32>
    %add3A_27 = arith.addf %add3A_22, %add3A_26 : vector<512x64xf32>
    %max3A = arith.constant 0.000000e+00 : f32
    %max3A_28 = vector.broadcast %max3A : f32 to vector<512x64xf32>
    %max3A_29 = arith.maximumf %add3A_27, %max3A_28 : vector<512x64xf32>
    %slice3A_30 = vector.extract_strided_slice %add3A {offsets = [0, 32], sizes = [512, 32], strides = [1, 1]} : vector<512x128xf32> to vector<512x32xf32>
    %get3A_31 = arith.constant 0 : index
    %get3A_32 = arith.constant 0 : index
    %get3A_33 = vector.load %arg3[%get3A_31, %get3A_32] : memref<32x64xf32, #tpu.memory_space<vmem>>, vector<32x64xf32>
    %dot_general3A_34 = arith.constant dense<0.000000e+00> : vector<512x64xf32>
    %dot_general3A_35 = tpu.matmul %slice3A_30, %get3A_33, %dot_general3A_34 {dimension_numbers = #tpu.dot_dimension_numbers<[1], [0], [0], [1], [0, 0, 1, 1], [], []>, transpose_lhs_hint = false} : vector<512x32xf32>, vector<32x64xf32>, vector<512x64xf32> -> vector<512x64xf32>
    %slice3A_36 = vector.extract_strided_slice %get3A_11 {offsets = [0, 32], sizes = [512, 32], strides = [1, 1]} : vector<512x128xf32> to vector<512x32xf32>
    %get3A_37 = arith.constant 0 : index
    %get3A_38 = arith.constant 0 : index
    %get3A_39 = vector.load %arg5[%get3A_37, %get3A_38] : memref<32x64xf32, #tpu.memory_space<vmem>>, vector<32x64xf32>
    %dot_general3A_40 = arith.constant dense<0.000000e+00> : vector<512x64xf32>
    %dot_general3A_41 = tpu.matmul %slice3A_36, %get3A_39, %dot_general3A_40 {dimension_numbers = #tpu.dot_dimension_numbers<[1], [0], [0], [1], [0, 0, 1, 1], [], []>, transpose_lhs_hint = false} : vector<512x32xf32>, vector<32x64xf32>, vector<512x64xf32> -> vector<512x64xf32>
    %add3A_42 = arith.addf %dot_general3A_35, %dot_general3A_41 : vector<512x64xf32>
    %get3A_43 = arith.constant 0 : index
    %get3A_44 = arith.constant 0 : index
    %get3A_45 = vector.load %arg4[%get3A_43, %get3A_44] : memref<1x64xf32, #tpu.memory_space<vmem>>, vector<1x64xf32>
    %add3A_46 = vector.broadcast %get3A_45 : vector<1x64xf32> to vector<512x64xf32>
    %add3A_47 = arith.addf %add3A_42, %add3A_46 : vector<512x64xf32>
    %max3A_48 = arith.constant 0.000000e+00 : f32
    %max3A_49 = vector.broadcast %max3A_48 : f32 to vector<512x64xf32>
    %max3A_50 = arith.maximumf %add3A_47, %max3A_49 : vector<512x64xf32>
    %slice3A_51 = vector.extract_strided_slice %add3A {offsets = [0, 64], sizes = [512, 32], strides = [1, 1]} : vector<512x128xf32> to vector<512x32xf32>
    %get3A_52 = arith.constant 0 : index
    %get3A_53 = arith.constant 0 : index
    %get3A_54 = vector.load %arg3[%get3A_52, %get3A_53] : memref<32x64xf32, #tpu.memory_space<vmem>>, vector<32x64xf32>
    %dot_general3A_55 = arith.constant dense<0.000000e+00> : vector<512x64xf32>
    %dot_general3A_56 = tpu.matmul %slice3A_51, %get3A_54, %dot_general3A_55 {dimension_numbers = #tpu.dot_dimension_numbers<[1], [0], [0], [1], [0, 0, 1, 1], [], []>, transpose_lhs_hint = false} : vector<512x32xf32>, vector<32x64xf32>, vector<512x64xf32> -> vector<512x64xf32>
    %slice3A_57 = vector.extract_strided_slice %get3A_11 {offsets = [0, 64], sizes = [512, 32], strides = [1, 1]} : vector<512x128xf32> to vector<512x32xf32>
    %get3A_58 = arith.constant 0 : index
    %get3A_59 = arith.constant 0 : index
    %get3A_60 = vector.load %arg5[%get3A_58, %get3A_59] : memref<32x64xf32, #tpu.memory_space<vmem>>, vector<32x64xf32>
    %dot_general3A_61 = arith.constant dense<0.000000e+00> : vector<512x64xf32>
    %dot_general3A_62 = tpu.matmul %slice3A_57, %get3A_60, %dot_general3A_61 {dimension_numbers = #tpu.dot_dimension_numbers<[1], [0], [0], [1], [0, 0, 1, 1], [], []>, transpose_lhs_hint = false} : vector<512x32xf32>, vector<32x64xf32>, vector<512x64xf32> -> vector<512x64xf32>
    %add3A_63 = arith.addf %dot_general3A_56, %dot_general3A_62 : vector<512x64xf32>
    %get3A_64 = arith.constant 0 : index
    %get3A_65 = arith.constant 0 : index
    %get3A_66 = vector.load %arg4[%get3A_64, %get3A_65] : memref<1x64xf32, #tpu.memory_space<vmem>>, vector<1x64xf32>
    %add3A_67 = vector.broadcast %get3A_66 : vector<1x64xf32> to vector<512x64xf32>
    %add3A_68 = arith.addf %add3A_63, %add3A_67 : vector<512x64xf32>
    %max3A_69 = arith.constant 0.000000e+00 : f32
    %max3A_70 = vector.broadcast %max3A_69 : f32 to vector<512x64xf32>
    %max3A_71 = arith.maximumf %add3A_68, %max3A_70 : vector<512x64xf32>
    %slice3A_72 = vector.extract_strided_slice %add3A {offsets = [0, 96], sizes = [512, 32], strides = [1, 1]} : vector<512x128xf32> to vector<512x32xf32>
    %get3A_73 = arith.constant 0 : index
    %get3A_74 = arith.constant 0 : index
    %get3A_75 = vector.load %arg3[%get3A_73, %get3A_74] : memref<32x64xf32, #tpu.memory_space<vmem>>, vector<32x64xf32>
    %dot_general3A_76 = arith.constant dense<0.000000e+00> : vector<512x64xf32>
    %dot_general3A_77 = tpu.matmul %slice3A_72, %get3A_75, %dot_general3A_76 {dimension_numbers = #tpu.dot_dimension_numbers<[1], [0], [0], [1], [0, 0, 1, 1], [], []>, transpose_lhs_hint = false} : vector<512x32xf32>, vector<32x64xf32>, vector<512x64xf32> -> vector<512x64xf32>
    %slice3A_78 = vector.extract_strided_slice %get3A_11 {offsets = [0, 96], sizes = [512, 32], strides = [1, 1]} : vector<512x128xf32> to vector<512x32xf32>
    %get3A_79 = arith.constant 0 : index
    %get3A_80 = arith.constant 0 : index
    %get3A_81 = vector.load %arg5[%get3A_79, %get3A_80] : memref<32x64xf32, #tpu.memory_space<vmem>>, vector<32x64xf32>
    %dot_general3A_82 = arith.constant dense<0.000000e+00> : vector<512x64xf32>
    %dot_general3A_83 = tpu.matmul %slice3A_78, %get3A_81, %dot_general3A_82 {dimension_numbers = #tpu.dot_dimension_numbers<[1], [0], [0], [1], [0, 0, 1, 1], [], []>, transpose_lhs_hint = false} : vector<512x32xf32>, vector<32x64xf32>, vector<512x64xf32> -> vector<512x64xf32>
    %add3A_84 = arith.addf %dot_general3A_77, %dot_general3A_83 : vector<512x64xf32>
    %get3A_85 = arith.constant 0 : index
    %get3A_86 = arith.constant 0 : index
    %get3A_87 = vector.load %arg4[%get3A_85, %get3A_86] : memref<1x64xf32, #tpu.memory_space<vmem>>, vector<1x64xf32>
    %add3A_88 = vector.broadcast %get3A_87 : vector<1x64xf32> to vector<512x64xf32>
    %add3A_89 = arith.addf %add3A_84, %add3A_88 : vector<512x64xf32>
    %max3A_90 = arith.constant 0.000000e+00 : f32
    %max3A_91 = vector.broadcast %max3A_90 : f32 to vector<512x64xf32>
    %max3A_92 = arith.maximumf %add3A_89, %max3A_91 : vector<512x64xf32>
    %concatenate3A = tpu.concatenate %max3A_29, %max3A_50 in 1 : vector<512x64xf32>, vector<512x64xf32> -> vector<512x128xf32>
    %swap3A = arith.constant 0 : index
    %swap3A_93 = arith.constant 0 : index
    %swap3A_94 = arith.constant 0 : index
    %swap3A_95 = vector.load %arg6[%swap3A, %swap3A_93, %swap3A_94] : memref<2x512x128xf32, #tpu.memory_space<vmem>>, vector<1x512x128xf32>
    %swap3A_96 = vector.shape_cast %swap3A_95 : vector<1x512x128xf32> to vector<512x128xf32>
    %swap3A_97 = vector.shape_cast %concatenate3A : vector<512x128xf32> to vector<1x512x128xf32>
    tpu.vector_store %arg6[%swap3A, %swap3A_93, %swap3A_94], %swap3A_97 {strides = array<i32>} : memref<2x512x128xf32, #tpu.memory_space<vmem>>, vector<1x512x128xf32>,
    %concatenate3A_98 = tpu.concatenate %max3A_71, %max3A_92 in 1 : vector<512x64xf32>, vector<512x64xf32> -> vector<512x128xf32>
    %swap3A_99 = arith.constant 1 : index
    %swap3A_100 = arith.constant 0 : index
    %swap3A_101 = arith.constant 0 : index
    %swap3A_102 = vector.load %arg6[%swap3A_99, %swap3A_100, %swap3A_101] : memref<2x512x128xf32, #tpu.memory_space<vmem>>, vector<1x512x128xf32>
    %swap3A_103 = vector.shape_cast %swap3A_102 : vector<1x512x128xf32> to vector<512x128xf32>
    %swap3A_104 = vector.shape_cast %concatenate3A_98 : vector<512x128xf32> to vector<1x512x128xf32>
    tpu.vector_store %arg6[%swap3A_99, %swap3A_100, %swap3A_101], %swap3A_104 {strides = array<i32>} : memref<2x512x128xf32, #tpu.memory_space<vmem>>, vector<1x512x128xf32>,
    return
  }
  func.func @transform_0(%arg0: i32) -> (i32, i32, i32) {
    %c0_i32 = arith.constant 0 : i32
    %c0_i32_0 = arith.constant 0 : i32
    %c0_i32_1 = arith.constant 0 : i32
    return %c0_i32, %arg0, %c0_i32_0 : i32, i32, i32
  }
  func.func @transform_1(%arg0: i32) -> (i32, i32) {
    %c0_i32 = arith.constant 0 : i32
    %c0_i32_0 = arith.constant 0 : i32
    return %arg0, %c0_i32 : i32, i32
  }
  func.func @transform_2(%arg0: i32) -> (i32, i32) {
    %c0_i32 = arith.constant 0 : i32
    %c0_i32_0 = arith.constant 0 : i32
    %c0_i32_1 = arith.constant 0 : i32
    return %c0_i32, %c0_i32_0 : i32, i32
  }
  func.func @transform_3(%arg0: i32) -> (i32, i32) {
    %c0_i32 = arith.constant 0 : i32
    %c0_i32_0 = arith.constant 0 : i32
    %c0_i32_1 = arith.constant 0 : i32
    return %c0_i32, %c0_i32_0 : i32, i32
  }
  func.func @transform_4(%arg0: i32) -> (i32, i32) {
    %c0_i32 = arith.constant 0 : i32
    %c0_i32_0 = arith.constant 0 : i32
    %c0_i32_1 = arith.constant 0 : i32
    return %c0_i32, %c0_i32_0 : i32, i32
  }
  func.func @transform_5(%arg0: i32) -> (i32, i32, i32) {
    %c0_i32 = arith.constant 0 : i32
    %c0_i32_0 = arith.constant 0 : i32
    %c0_i32_1 = arith.constant 0 : i32
    return %c0_i32, %arg0, %c0_i32_0 : i32, i32, i32
  }
}

module attributes {stable_mosaic.version = 14 : i64} {
  func.func @body(%arg0: i32, %arg1: memref<2x512x128xf32, #tpu.memory_space<vmem>>, %arg2: memref<64x64xf32, #tpu.memory_space<vmem>>, %arg3: memref<1x64xf32, #tpu.memory_space<vmem>>, %arg4: memref<2x512x128xf32, #tpu.memory_space<vmem>>) attributes {dimension_semantics = [#tpu.dimension_semantics<arbitrary>], iteration_bounds = array<i64: 25>, scalar_prefetch = 0 : i64, scratch_operands = 0 : i64, tpu.core_type = #tpu.core_type<tc>, window_params = [{transform_indices = @transform_0, window_bounds = array<i64: 2, 512, 128>}, {pipeline_mode = #tpu.pipeline_mode<synchronous>, transform_indices = @transform_1, window_bounds = array<i64: 64, 64>}, {pipeline_mode = #tpu.pipeline_mode<synchronous>, transform_indices = @transform_2, window_bounds = array<i64: 1, 64>}, {transform_indices = @transform_3, window_bounds = array<i64: 2, 512, 128>}]} {
    %get3A = arith.constant 0 : index
    %get3A_0 = arith.constant 0 : index
    %get3A_1 = arith.constant 0 : index
    %get3A_2 = vector.load %arg1[%get3A, %get3A_0, %get3A_1] : memref<2x512x128xf32, #tpu.memory_space<vmem>>, vector<1x512x128xf32>
    %get3A_3 = vector.shape_cast %get3A_2 : vector<1x512x128xf32> to vector<512x128xf32>
    %slice3A = vector.extract_strided_slice %get3A_3 {offsets = [0, 0], sizes = [512, 64], strides = [1, 1]} : vector<512x128xf32> to vector<512x64xf32>
    %get3A_4 = arith.constant 0 : index
    %get3A_5 = arith.constant 0 : index
    %get3A_6 = vector.load %arg2[%get3A_4, %get3A_5] : memref<64x64xf32, #tpu.memory_space<vmem>>, vector<64x64xf32>
    %dot_general3A = arith.constant dense<0.000000e+00> : vector<512x64xf32>
    %dot_general3A_7 = tpu.matmul %slice3A, %get3A_6, %dot_general3A {dimension_numbers = #tpu.dot_dimension_numbers<[1], [0], [0], [1], [0, 0, 1, 1], [], []>, transpose_lhs_hint = false} : vector<512x64xf32>, vector<64x64xf32>, vector<512x64xf32> -> vector<512x64xf32>
    %get3A_8 = arith.constant 0 : index
    %get3A_9 = arith.constant 0 : index
    %get3A_10 = vector.load %arg3[%get3A_8, %get3A_9] : memref<1x64xf32, #tpu.memory_space<vmem>>, vector<1x64xf32>
    %add3A = vector.broadcast %get3A_10 : vector<1x64xf32> to vector<512x64xf32>
    %add3A_11 = arith.addf %dot_general3A_7, %add3A : vector<512x64xf32>
    %get3A_12 = arith.constant 0 : index
    %get3A_13 = arith.constant 0 : index
    %get3A_14 = arith.constant 0 : index
    %get3A_15 = vector.load %arg1[%get3A_12, %get3A_13, %get3A_14] : memref<2x512x128xf32, #tpu.memory_space<vmem>>, vector<1x512x128xf32>
    %get3A_16 = vector.shape_cast %get3A_15 : vector<1x512x128xf32> to vector<512x128xf32>
    %slice3A_17 = vector.extract_strided_slice %get3A_16 {offsets = [0, 64], sizes = [512, 64], strides = [1, 1]} : vector<512x128xf32> to vector<512x64xf32>
    %get3A_18 = arith.constant 0 : index
    %get3A_19 = arith.constant 0 : index
    %get3A_20 = vector.load %arg2[%get3A_18, %get3A_19] : memref<64x64xf32, #tpu.memory_space<vmem>>, vector<64x64xf32>
    %dot_general3A_21 = arith.constant dense<0.000000e+00> : vector<512x64xf32>
    %dot_general3A_22 = tpu.matmul %slice3A_17, %get3A_20, %dot_general3A_21 {dimension_numbers = #tpu.dot_dimension_numbers<[1], [0], [0], [1], [0, 0, 1, 1], [], []>, transpose_lhs_hint = false} : vector<512x64xf32>, vector<64x64xf32>, vector<512x64xf32> -> vector<512x64xf32>
    %get3A_23 = arith.constant 0 : index
    %get3A_24 = arith.constant 0 : index
    %get3A_25 = vector.load %arg3[%get3A_23, %get3A_24] : memref<1x64xf32, #tpu.memory_space<vmem>>, vector<1x64xf32>
    %add3A_26 = vector.broadcast %get3A_25 : vector<1x64xf32> to vector<512x64xf32>
    %add3A_27 = arith.addf %dot_general3A_22, %add3A_26 : vector<512x64xf32>
    %concatenate3A = tpu.concatenate %add3A_11, %add3A_27 in 1 : vector<512x64xf32>, vector<512x64xf32> -> vector<512x128xf32>
    %swap3A = arith.constant 0 : index
    %swap3A_28 = arith.constant 0 : index
    %swap3A_29 = arith.constant 0 : index
    %swap3A_30 = vector.load %arg4[%swap3A, %swap3A_28, %swap3A_29] : memref<2x512x128xf32, #tpu.memory_space<vmem>>, vector<1x512x128xf32>
    %swap3A_31 = vector.shape_cast %swap3A_30 : vector<1x512x128xf32> to vector<512x128xf32>
    %swap3A_32 = vector.shape_cast %concatenate3A : vector<512x128xf32> to vector<1x512x128xf32>
    tpu.vector_store %arg4[%swap3A, %swap3A_28, %swap3A_29], %swap3A_32 {strides = array<i32>} : memref<2x512x128xf32, #tpu.memory_space<vmem>>, vector<1x512x128xf32>,
    %get3A_33 = arith.constant 1 : index
    %get3A_34 = arith.constant 0 : index
    %get3A_35 = arith.constant 0 : index
    %get3A_36 = vector.load %arg1[%get3A_33, %get3A_34, %get3A_35] : memref<2x512x128xf32, #tpu.memory_space<vmem>>, vector<1x512x128xf32>
    %get3A_37 = vector.shape_cast %get3A_36 : vector<1x512x128xf32> to vector<512x128xf32>
    %slice3A_38 = vector.extract_strided_slice %get3A_37 {offsets = [0, 0], sizes = [512, 64], strides = [1, 1]} : vector<512x128xf32> to vector<512x64xf32>
    %get3A_39 = arith.constant 0 : index
    %get3A_40 = arith.constant 0 : index
    %get3A_41 = vector.load %arg2[%get3A_39, %get3A_40] : memref<64x64xf32, #tpu.memory_space<vmem>>, vector<64x64xf32>
    %dot_general3A_42 = arith.constant dense<0.000000e+00> : vector<512x64xf32>
    %dot_general3A_43 = tpu.matmul %slice3A_38, %get3A_41, %dot_general3A_42 {dimension_numbers = #tpu.dot_dimension_numbers<[1], [0], [0], [1], [0, 0, 1, 1], [], []>, transpose_lhs_hint = false} : vector<512x64xf32>, vector<64x64xf32>, vector<512x64xf32> -> vector<512x64xf32>
    %get3A_44 = arith.constant 0 : index
    %get3A_45 = arith.constant 0 : index
    %get3A_46 = vector.load %arg3[%get3A_44, %get3A_45] : memref<1x64xf32, #tpu.memory_space<vmem>>, vector<1x64xf32>
    %add3A_47 = vector.broadcast %get3A_46 : vector<1x64xf32> to vector<512x64xf32>
    %add3A_48 = arith.addf %dot_general3A_43, %add3A_47 : vector<512x64xf32>
    %get3A_49 = arith.constant 1 : index
    %get3A_50 = arith.constant 0 : index
    %get3A_51 = arith.constant 0 : index
    %get3A_52 = vector.load %arg1[%get3A_49, %get3A_50, %get3A_51] : memref<2x512x128xf32, #tpu.memory_space<vmem>>, vector<1x512x128xf32>
    %get3A_53 = vector.shape_cast %get3A_52 : vector<1x512x128xf32> to vector<512x128xf32>
    %slice3A_54 = vector.extract_strided_slice %get3A_53 {offsets = [0, 64], sizes = [512, 64], strides = [1, 1]} : vector<512x128xf32> to vector<512x64xf32>
    %get3A_55 = arith.constant 0 : index
    %get3A_56 = arith.constant 0 : index
    %get3A_57 = vector.load %arg2[%get3A_55, %get3A_56] : memref<64x64xf32, #tpu.memory_space<vmem>>, vector<64x64xf32>
    %dot_general3A_58 = arith.constant dense<0.000000e+00> : vector<512x64xf32>
    %dot_general3A_59 = tpu.matmul %slice3A_54, %get3A_57, %dot_general3A_58 {dimension_numbers = #tpu.dot_dimension_numbers<[1], [0], [0], [1], [0, 0, 1, 1], [], []>, transpose_lhs_hint = false} : vector<512x64xf32>, vector<64x64xf32>, vector<512x64xf32> -> vector<512x64xf32>
    %get3A_60 = arith.constant 0 : index
    %get3A_61 = arith.constant 0 : index
    %get3A_62 = vector.load %arg3[%get3A_60, %get3A_61] : memref<1x64xf32, #tpu.memory_space<vmem>>, vector<1x64xf32>
    %add3A_63 = vector.broadcast %get3A_62 : vector<1x64xf32> to vector<512x64xf32>
    %add3A_64 = arith.addf %dot_general3A_59, %add3A_63 : vector<512x64xf32>
    %concatenate3A_65 = tpu.concatenate %add3A_48, %add3A_64 in 1 : vector<512x64xf32>, vector<512x64xf32> -> vector<512x128xf32>
    %swap3A_66 = arith.constant 1 : index
    %swap3A_67 = arith.constant 0 : index
    %swap3A_68 = arith.constant 0 : index
    %swap3A_69 = vector.load %arg4[%swap3A_66, %swap3A_67, %swap3A_68] : memref<2x512x128xf32, #tpu.memory_space<vmem>>, vector<1x512x128xf32>
    %swap3A_70 = vector.shape_cast %swap3A_69 : vector<1x512x128xf32> to vector<512x128xf32>
    %swap3A_71 = vector.shape_cast %concatenate3A_65 : vector<512x128xf32> to vector<1x512x128xf32>
    tpu.vector_store %arg4[%swap3A_66, %swap3A_67, %swap3A_68], %swap3A_71 {strides = array<i32>} : memref<2x512x128xf32, #tpu.memory_space<vmem>>, vector<1x512x128xf32>,
    return
  }
  func.func @transform_0(%arg0: i32) -> (i32, i32, i32) {
    %c0_i32 = arith.constant 0 : i32
    %c0_i32_0 = arith.constant 0 : i32
    %c0_i32_1 = arith.constant 0 : i32
    return %c0_i32, %arg0, %c0_i32_0 : i32, i32, i32
  }
  func.func @transform_1(%arg0: i32) -> (i32, i32) {
    %c0_i32 = arith.constant 0 : i32
    %c0_i32_0 = arith.constant 0 : i32
    %c0_i32_1 = arith.constant 0 : i32
    return %c0_i32, %c0_i32_0 : i32, i32
  }
  func.func @transform_2(%arg0: i32) -> (i32, i32) {
    %c0_i32 = arith.constant 0 : i32
    %c0_i32_0 = arith.constant 0 : i32
    %c0_i32_1 = arith.constant 0 : i32
    return %c0_i32, %c0_i32_0 : i32, i32
  }
  func.func @transform_3(%arg0: i32) -> (i32, i32, i32) {
    %c0_i32 = arith.constant 0 : i32
    %c0_i32_0 = arith.constant 0 : i32
    %c0_i32_1 = arith.constant 0 : i32
    return %c0_i32, %arg0, %c0_i32_0 : i32, i32, i32
  }
}

module attributes {stable_mosaic.version = 14 : i64} {
  func.func @body(%arg0: i32, %arg1: memref<2x512x128xf32, #tpu.memory_space<vmem>>, %arg2: memref<2x512x128xf32, #tpu.memory_space<vmem>>, %arg3: memref<4x512xi32, #tpu.memory_space<vmem>>, %arg4: memref<64x64xf32, #tpu.memory_space<vmem>>, %arg5: memref<256x64xf32, #tpu.memory_space<vmem>>, %arg6: memref<256x8xf32, #tpu.memory_space<vmem>>) attributes {dimension_semantics = [#tpu.dimension_semantics<arbitrary>], iteration_bounds = array<i64: 25>, scalar_prefetch = 0 : i64, scratch_operands = 0 : i64, tpu.core_type = #tpu.core_type<tc>, window_params = [{transform_indices = @transform_0, window_bounds = array<i64: 2, 512, 128>}, {transform_indices = @transform_1, window_bounds = array<i64: 2, 512, 128>}, {transform_indices = @transform_2, window_bounds = array<i64: 4, 512>}, {pipeline_mode = #tpu.pipeline_mode<synchronous>, transform_indices = @transform_3, window_bounds = array<i64: 64, 64>}, {pipeline_mode = #tpu.pipeline_mode<synchronous>, transform_indices = @transform_4, window_bounds = array<i64: 256, 64>}, {pipeline_mode = #tpu.pipeline_mode<synchronous>, transform_indices = @transform_5, window_bounds = array<i64: 256, 8>}]} {
    %iota3A = tpu.iota {dimensions = array<i32: 0>} : vector<512x1xi32>
    %mul3A = arith.constant 512 : i32
    %mul3A_0 = arith.muli %arg0, %mul3A : i32
    %add3A = vector.broadcast %mul3A_0 : i32 to vector<512x1xi32>
    %add3A_1 = arith.addi %iota3A, %add3A : vector<512x1xi32>
    %lt3A = arith.constant 12500 : i32
    %lt3A_2 = vector.broadcast %lt3A : i32 to vector<512x1xi32>
    %lt3A_3 = arith.cmpi slt, %add3A_1, %lt3A_2 : vector<512x1xi32>
    %broadcast_in_dim3A = arith.constant 0.000000e+00 : f32
    %broadcast_in_dim3A_4 = vector.broadcast %broadcast_in_dim3A : f32 to vector<256x64xf32>
    %broadcast_in_dim3A_5 = arith.constant 0.000000e+00 : f32
    %broadcast_in_dim3A_6 = vector.broadcast %broadcast_in_dim3A_5 : f32 to vector<256x8xf32>
    %broadcast_in_dim3A_7 = arith.constant 1.000000e+00 : bf16
    %broadcast_in_dim3A_8 = vector.broadcast %broadcast_in_dim3A_7 : bf16 to vector<512x8xbf16>
    %get3A = arith.constant 0 : index
    %get3A_9 = arith.constant 0 : index
    %get3A_10 = arith.constant 0 : index
    %get3A_11 = vector.load %arg1[%get3A, %get3A_9, %get3A_10] : memref<2x512x128xf32, #tpu.memory_space<vmem>>, vector<1x512x128xf32>
    %get3A_12 = vector.shape_cast %get3A_11 : vector<1x512x128xf32> to vector<512x128xf32>
    %slice3A = vector.extract_strided_slice %get3A_12 {offsets = [0, 0], sizes = [512, 32], strides = [1, 1]} : vector<512x128xf32> to vector<512x32xf32>
    %get3A_13 = arith.constant 1 : index
    %get3A_14 = arith.constant 0 : index
    %get3A_15 = arith.constant 0 : index
    %get3A_16 = vector.load %arg1[%get3A_13, %get3A_14, %get3A_15] : memref<2x512x128xf32, #tpu.memory_space<vmem>>, vector<1x512x128xf32>
    %get3A_17 = vector.shape_cast %get3A_16 : vector<1x512x128xf32> to vector<512x128xf32>
    %slice3A_18 = vector.extract_strided_slice %get3A_17 {offsets = [0, 0], sizes = [512, 32], strides = [1, 1]} : vector<512x128xf32> to vector<512x32xf32>
    %concatenate3A = tpu.concatenate %slice3A, %slice3A_18 in 1 : vector<512x32xf32>, vector<512x32xf32> -> vector<512x64xf32>
    %get3A_19 = arith.constant 0 : index
    %get3A_20 = arith.constant 0 : index
    %get3A_21 = arith.constant 0 : index
    %get3A_22 = vector.load %arg2[%get3A_19, %get3A_20, %get3A_21] : memref<2x512x128xf32, #tpu.memory_space<vmem>>, vector<1x512x128xf32>
    %get3A_23 = vector.shape_cast %get3A_22 : vector<1x512x128xf32> to vector<512x128xf32>
    %slice3A_24 = vector.extract_strided_slice %get3A_23 {offsets = [0, 0], sizes = [512, 64], strides = [1, 1]} : vector<512x128xf32> to vector<512x64xf32>
    %get3A_25 = arith.constant 0 : index
    %get3A_26 = arith.constant 0 : index
    %get3A_27 = vector.load %arg4[%get3A_25, %get3A_26] : memref<64x64xf32, #tpu.memory_space<vmem>>, vector<64x64xf32>
    %dot_general3A = arith.constant dense<0.000000e+00> : vector<512x64xf32>
    %dot_general3A_28 = tpu.matmul %concatenate3A, %get3A_27, %dot_general3A {dimension_numbers = #tpu.dot_dimension_numbers<[1], [0], [0], [1], [0, 0, 1, 1], [], []>, transpose_lhs_hint = false} : vector<512x64xf32>, vector<64x64xf32>, vector<512x64xf32> -> vector<512x64xf32>
    %add3A_29 = arith.addf %dot_general3A_28, %slice3A_24 : vector<512x64xf32>
    %max3A = arith.constant 0.000000e+00 : f32
    %max3A_30 = vector.broadcast %max3A : f32 to vector<512x64xf32>
    %max3A_31 = arith.maximumf %add3A_29, %max3A_30 : vector<512x64xf32>
    %jit3A = arith.constant 0.000000e+00 : f32
    %broadcast_in_dim3A_32 = vector.shape_cast %lt3A_3 : vector<512x1xi1> to vector<512x1xi1>
    %broadcast_in_dim3A_33 = vector.broadcast %broadcast_in_dim3A_32 : vector<512x1xi1> to vector<512x64xi1>
    %broadcast_in_dim3A_34 = vector.broadcast %jit3A : f32 to vector<512x64xf32>
    %select_n3A = arith.select %broadcast_in_dim3A_33, %max3A_31, %broadcast_in_dim3A_34 : vector<512x64xi1>, vector<512x64xf32>
    %get3A_35 = arith.constant 0 : index
    %get3A_36 = arith.constant 0 : index
    %get3A_37 = vector.load %arg3[%get3A_35, %get3A_36] : memref<4x512xi32, #tpu.memory_space<vmem>>, vector<1x512xi32>
    %get3A_38 = vector.shape_cast %get3A_37 : vector<1x512xi32> to vector<512xi32>
    %broadcast_in_dim3A_39 = vector.shape_cast %get3A_38 : vector<512xi32> to vector<512x1xi32>
    %iota3A_40 = tpu.iota {dimensions = array<i32: 1>} : vector<512x256xi32>
    %eq3A = vector.broadcast %broadcast_in_dim3A_39 : vector<512x1xi32> to vector<512x256xi32>
    %eq3A_41 = arith.cmpi eq, %eq3A, %iota3A_40 : vector<512x256xi32>
    %and3A = vector.broadcast %lt3A_3 : vector<512x1xi1> to vector<512x256xi1>
    %and3A_42 = arith.andi %eq3A_41, %and3A : vector<512x256xi1>
    %convert_element_type3A = arith.extui %and3A_42 : vector<512x256xi1> to vector<512x256xi32>
    %convert_element_type3A_43 = arith.sitofp %convert_element_type3A : vector<512x256xi32> to vector<512x256xf32>
    %convert_element_type3A_44 = arith.truncf %convert_element_type3A_43 : vector<512x256xf32> to vector<512x256xbf16>
    %convert_element_type3A_45 = arith.truncf %select_n3A : vector<512x64xf32> to vector<512x64xbf16>
    %dot_general3A_46 = arith.constant dense<0.000000e+00> : vector<256x64xf32>
    %dot_general3A_47 = tpu.matmul %convert_element_type3A_44, %convert_element_type3A_45, %dot_general3A_46 {dimension_numbers = #tpu.dot_dimension_numbers<[0], [0], [1], [1], [0, 1, 1, 1], [], []>, transpose_lhs_hint = false} : vector<512x256xbf16>, vector<512x64xbf16>, vector<256x64xf32> -> vector<256x64xf32>
    %add3A_48 = arith.addf %broadcast_in_dim3A_4, %dot_general3A_47 : vector<256x64xf32>
    %dot_general3A_49 = arith.constant dense<0.000000e+00> : vector<256x8xf32>
    %dot_general3A_50 = tpu.matmul %convert_element_type3A_44, %broadcast_in_dim3A_8, %dot_general3A_49 {dimension_numbers = #tpu.dot_dimension_numbers<[0], [0], [1], [1], [0, 1, 1, 1], [], []>, transpose_lhs_hint = false} : vector<512x256xbf16>, vector<512x8xbf16>, vector<256x8xf32> -> vector<256x8xf32>
    %add3A_51 = arith.addf %broadcast_in_dim3A_6, %dot_general3A_50 : vector<256x8xf32>
    %get3A_52 = arith.constant 0 : index
    %get3A_53 = arith.constant 0 : index
    %get3A_54 = arith.constant 0 : index
    %get3A_55 = vector.load %arg1[%get3A_52, %get3A_53, %get3A_54] : memref<2x512x128xf32, #tpu.memory_space<vmem>>, vector<1x512x128xf32>
    %get3A_56 = vector.shape_cast %get3A_55 : vector<1x512x128xf32> to vector<512x128xf32>
    %slice3A_57 = vector.extract_strided_slice %get3A_56 {offsets = [0, 32], sizes = [512, 32], strides = [1, 1]} : vector<512x128xf32> to vector<512x32xf32>
    %get3A_58 = arith.constant 1 : index
    %get3A_59 = arith.constant 0 : index
    %get3A_60 = arith.constant 0 : index
    %get3A_61 = vector.load %arg1[%get3A_58, %get3A_59, %get3A_60] : memref<2x512x128xf32, #tpu.memory_space<vmem>>, vector<1x512x128xf32>
    %get3A_62 = vector.shape_cast %get3A_61 : vector<1x512x128xf32> to vector<512x128xf32>
    %slice3A_63 = vector.extract_strided_slice %get3A_62 {offsets = [0, 32], sizes = [512, 32], strides = [1, 1]} : vector<512x128xf32> to vector<512x32xf32>
    %concatenate3A_64 = tpu.concatenate %slice3A_57, %slice3A_63 in 1 : vector<512x32xf32>, vector<512x32xf32> -> vector<512x64xf32>
    %get3A_65 = arith.constant 0 : index
    %get3A_66 = arith.constant 0 : index
    %get3A_67 = arith.constant 0 : index
    %get3A_68 = vector.load %arg2[%get3A_65, %get3A_66, %get3A_67] : memref<2x512x128xf32, #tpu.memory_space<vmem>>, vector<1x512x128xf32>
    %get3A_69 = vector.shape_cast %get3A_68 : vector<1x512x128xf32> to vector<512x128xf32>
    %slice3A_70 = vector.extract_strided_slice %get3A_69 {offsets = [0, 64], sizes = [512, 64], strides = [1, 1]} : vector<512x128xf32> to vector<512x64xf32>
    %get3A_71 = arith.constant 0 : index
    %get3A_72 = arith.constant 0 : index
    %get3A_73 = vector.load %arg4[%get3A_71, %get3A_72] : memref<64x64xf32, #tpu.memory_space<vmem>>, vector<64x64xf32>
    %dot_general3A_74 = arith.constant dense<0.000000e+00> : vector<512x64xf32>
    %dot_general3A_75 = tpu.matmul %concatenate3A_64, %get3A_73, %dot_general3A_74 {dimension_numbers = #tpu.dot_dimension_numbers<[1], [0], [0], [1], [0, 0, 1, 1], [], []>, transpose_lhs_hint = false} : vector<512x64xf32>, vector<64x64xf32>, vector<512x64xf32> -> vector<512x64xf32>
    %add3A_76 = arith.addf %dot_general3A_75, %slice3A_70 : vector<512x64xf32>
    %max3A_77 = arith.constant 0.000000e+00 : f32
    %max3A_78 = vector.broadcast %max3A_77 : f32 to vector<512x64xf32>
    %max3A_79 = arith.maximumf %add3A_76, %max3A_78 : vector<512x64xf32>
    %jit3A_80 = arith.constant 0.000000e+00 : f32
    %broadcast_in_dim3A_81 = vector.shape_cast %lt3A_3 : vector<512x1xi1> to vector<512x1xi1>
    %broadcast_in_dim3A_82 = vector.broadcast %broadcast_in_dim3A_81 : vector<512x1xi1> to vector<512x64xi1>
    %broadcast_in_dim3A_83 = vector.broadcast %jit3A_80 : f32 to vector<512x64xf32>
    %select_n3A_84 = arith.select %broadcast_in_dim3A_82, %max3A_79, %broadcast_in_dim3A_83 : vector<512x64xi1>, vector<512x64xf32>
    %get3A_85 = arith.constant 1 : index
    %get3A_86 = arith.constant 0 : index
    %get3A_87 = vector.load %arg3[%get3A_85, %get3A_86] : memref<4x512xi32, #tpu.memory_space<vmem>>, vector<1x512xi32>
    %get3A_88 = vector.shape_cast %get3A_87 : vector<1x512xi32> to vector<512xi32>
    %broadcast_in_dim3A_89 = vector.shape_cast %get3A_88 : vector<512xi32> to vector<512x1xi32>
    %iota3A_90 = tpu.iota {dimensions = array<i32: 1>} : vector<512x256xi32>
    %eq3A_91 = vector.broadcast %broadcast_in_dim3A_89 : vector<512x1xi32> to vector<512x256xi32>
    %eq3A_92 = arith.cmpi eq, %eq3A_91, %iota3A_90 : vector<512x256xi32>
    %and3A_93 = vector.broadcast %lt3A_3 : vector<512x1xi1> to vector<512x256xi1>
    %and3A_94 = arith.andi %eq3A_92, %and3A_93 : vector<512x256xi1>
    %convert_element_type3A_95 = arith.extui %and3A_94 : vector<512x256xi1> to vector<512x256xi32>
    %convert_element_type3A_96 = arith.sitofp %convert_element_type3A_95 : vector<512x256xi32> to vector<512x256xf32>
    %convert_element_type3A_97 = arith.truncf %convert_element_type3A_96 : vector<512x256xf32> to vector<512x256xbf16>
    %convert_element_type3A_98 = arith.truncf %select_n3A_84 : vector<512x64xf32> to vector<512x64xbf16>
    %dot_general3A_99 = arith.constant dense<0.000000e+00> : vector<256x64xf32>
    %dot_general3A_100 = tpu.matmul %convert_element_type3A_97, %convert_element_type3A_98, %dot_general3A_99 {dimension_numbers = #tpu.dot_dimension_numbers<[0], [0], [1], [1], [0, 1, 1, 1], [], []>, transpose_lhs_hint = false} : vector<512x256xbf16>, vector<512x64xbf16>, vector<256x64xf32> -> vector<256x64xf32>
    %add3A_101 = arith.addf %add3A_48, %dot_general3A_100 : vector<256x64xf32>
    %dot_general3A_102 = arith.constant dense<0.000000e+00> : vector<256x8xf32>
    %dot_general3A_103 = tpu.matmul %convert_element_type3A_97, %broadcast_in_dim3A_8, %dot_general3A_102 {dimension_numbers = #tpu.dot_dimension_numbers<[0], [0], [1], [1], [0, 1, 1, 1], [], []>, transpose_lhs_hint = false} : vector<512x256xbf16>, vector<512x8xbf16>, vector<256x8xf32> -> vector<256x8xf32>
    %add3A_104 = arith.addf %add3A_51, %dot_general3A_103 : vector<256x8xf32>
    %get3A_105 = arith.constant 0 : index
    %get3A_106 = arith.constant 0 : index
    %get3A_107 = arith.constant 0 : index
    %get3A_108 = vector.load %arg1[%get3A_105, %get3A_106, %get3A_107] : memref<2x512x128xf32, #tpu.memory_space<vmem>>, vector<1x512x128xf32>
    %get3A_109 = vector.shape_cast %get3A_108 : vector<1x512x128xf32> to vector<512x128xf32>
    %slice3A_110 = vector.extract_strided_slice %get3A_109 {offsets = [0, 64], sizes = [512, 32], strides = [1, 1]} : vector<512x128xf32> to vector<512x32xf32>
    %get3A_111 = arith.constant 1 : index
    %get3A_112 = arith.constant 0 : index
    %get3A_113 = arith.constant 0 : index
    %get3A_114 = vector.load %arg1[%get3A_111, %get3A_112, %get3A_113] : memref<2x512x128xf32, #tpu.memory_space<vmem>>, vector<1x512x128xf32>
    %get3A_115 = vector.shape_cast %get3A_114 : vector<1x512x128xf32> to vector<512x128xf32>
    %slice3A_116 = vector.extract_strided_slice %get3A_115 {offsets = [0, 64], sizes = [512, 32], strides = [1, 1]} : vector<512x128xf32> to vector<512x32xf32>
    %concatenate3A_117 = tpu.concatenate %slice3A_110, %slice3A_116 in 1 : vector<512x32xf32>, vector<512x32xf32> -> vector<512x64xf32>
    %get3A_118 = arith.constant 1 : index
    %get3A_119 = arith.constant 0 : index
    %get3A_120 = arith.constant 0 : index
    %get3A_121 = vector.load %arg2[%get3A_118, %get3A_119, %get3A_120] : memref<2x512x128xf32, #tpu.memory_space<vmem>>, vector<1x512x128xf32>
    %get3A_122 = vector.shape_cast %get3A_121 : vector<1x512x128xf32> to vector<512x128xf32>
    %slice3A_123 = vector.extract_strided_slice %get3A_122 {offsets = [0, 0], sizes = [512, 64], strides = [1, 1]} : vector<512x128xf32> to vector<512x64xf32>
    %get3A_124 = arith.constant 0 : index
    %get3A_125 = arith.constant 0 : index
    %get3A_126 = vector.load %arg4[%get3A_124, %get3A_125] : memref<64x64xf32, #tpu.memory_space<vmem>>, vector<64x64xf32>
    %dot_general3A_127 = arith.constant dense<0.000000e+00> : vector<512x64xf32>
    %dot_general3A_128 = tpu.matmul %concatenate3A_117, %get3A_126, %dot_general3A_127 {dimension_numbers = #tpu.dot_dimension_numbers<[1], [0], [0], [1], [0, 0, 1, 1], [], []>, transpose_lhs_hint = false} : vector<512x64xf32>, vector<64x64xf32>, vector<512x64xf32> -> vector<512x64xf32>
    %add3A_129 = arith.addf %dot_general3A_128, %slice3A_123 : vector<512x64xf32>
    %max3A_130 = arith.constant 0.000000e+00 : f32
    %max3A_131 = vector.broadcast %max3A_130 : f32 to vector<512x64xf32>
    %max3A_132 = arith.maximumf %add3A_129, %max3A_131 : vector<512x64xf32>
    %jit3A_133 = arith.constant 0.000000e+00 : f32
    %broadcast_in_dim3A_134 = vector.shape_cast %lt3A_3 : vector<512x1xi1> to vector<512x1xi1>
    %broadcast_in_dim3A_135 = vector.broadcast %broadcast_in_dim3A_134 : vector<512x1xi1> to vector<512x64xi1>
    %broadcast_in_dim3A_136 = vector.broadcast %jit3A_133 : f32 to vector<512x64xf32>
    %select_n3A_137 = arith.select %broadcast_in_dim3A_135, %max3A_132, %broadcast_in_dim3A_136 : vector<512x64xi1>, vector<512x64xf32>
    %get3A_138 = arith.constant 2 : index
    %get3A_139 = arith.constant 0 : index
    %get3A_140 = vector.load %arg3[%get3A_138, %get3A_139] : memref<4x512xi32, #tpu.memory_space<vmem>>, vector<1x512xi32>
    %get3A_141 = vector.shape_cast %get3A_140 : vector<1x512xi32> to vector<512xi32>
    %broadcast_in_dim3A_142 = vector.shape_cast %get3A_141 : vector<512xi32> to vector<512x1xi32>
    %iota3A_143 = tpu.iota {dimensions = array<i32: 1>} : vector<512x256xi32>
    %eq3A_144 = vector.broadcast %broadcast_in_dim3A_142 : vector<512x1xi32> to vector<512x256xi32>
    %eq3A_145 = arith.cmpi eq, %eq3A_144, %iota3A_143 : vector<512x256xi32>
    %and3A_146 = vector.broadcast %lt3A_3 : vector<512x1xi1> to vector<512x256xi1>
    %and3A_147 = arith.andi %eq3A_145, %and3A_146 : vector<512x256xi1>
    %convert_element_type3A_148 = arith.extui %and3A_147 : vector<512x256xi1> to vector<512x256xi32>
    %convert_element_type3A_149 = arith.sitofp %convert_element_type3A_148 : vector<512x256xi32> to vector<512x256xf32>
    %convert_element_type3A_150 = arith.truncf %convert_element_type3A_149 : vector<512x256xf32> to vector<512x256xbf16>
    %convert_element_type3A_151 = arith.truncf %select_n3A_137 : vector<512x64xf32> to vector<512x64xbf16>
    %dot_general3A_152 = arith.constant dense<0.000000e+00> : vector<256x64xf32>
    %dot_general3A_153 = tpu.matmul %convert_element_type3A_150, %convert_element_type3A_151, %dot_general3A_152 {dimension_numbers = #tpu.dot_dimension_numbers<[0], [0], [1], [1], [0, 1, 1, 1], [], []>, transpose_lhs_hint = false} : vector<512x256xbf16>, vector<512x64xbf16>, vector<256x64xf32> -> vector<256x64xf32>
    %add3A_154 = arith.addf %add3A_101, %dot_general3A_153 : vector<256x64xf32>
    %dot_general3A_155 = arith.constant dense<0.000000e+00> : vector<256x8xf32>
    %dot_general3A_156 = tpu.matmul %convert_element_type3A_150, %broadcast_in_dim3A_8, %dot_general3A_155 {dimension_numbers = #tpu.dot_dimension_numbers<[0], [0], [1], [1], [0, 1, 1, 1], [], []>, transpose_lhs_hint = false} : vector<512x256xbf16>, vector<512x8xbf16>, vector<256x8xf32> -> vector<256x8xf32>
    %add3A_157 = arith.addf %add3A_104, %dot_general3A_156 : vector<256x8xf32>
    %get3A_158 = arith.constant 0 : index
    %get3A_159 = arith.constant 0 : index
    %get3A_160 = arith.constant 0 : index
    %get3A_161 = vector.load %arg1[%get3A_158, %get3A_159, %get3A_160] : memref<2x512x128xf32, #tpu.memory_space<vmem>>, vector<1x512x128xf32>
    %get3A_162 = vector.shape_cast %get3A_161 : vector<1x512x128xf32> to vector<512x128xf32>
    %slice3A_163 = vector.extract_strided_slice %get3A_162 {offsets = [0, 96], sizes = [512, 32], strides = [1, 1]} : vector<512x128xf32> to vector<512x32xf32>
    %get3A_164 = arith.constant 1 : index
    %get3A_165 = arith.constant 0 : index
    %get3A_166 = arith.constant 0 : index
    %get3A_167 = vector.load %arg1[%get3A_164, %get3A_165, %get3A_166] : memref<2x512x128xf32, #tpu.memory_space<vmem>>, vector<1x512x128xf32>
    %get3A_168 = vector.shape_cast %get3A_167 : vector<1x512x128xf32> to vector<512x128xf32>
    %slice3A_169 = vector.extract_strided_slice %get3A_168 {offsets = [0, 96], sizes = [512, 32], strides = [1, 1]} : vector<512x128xf32> to vector<512x32xf32>
    %concatenate3A_170 = tpu.concatenate %slice3A_163, %slice3A_169 in 1 : vector<512x32xf32>, vector<512x32xf32> -> vector<512x64xf32>
    %get3A_171 = arith.constant 1 : index
    %get3A_172 = arith.constant 0 : index
    %get3A_173 = arith.constant 0 : index
    %get3A_174 = vector.load %arg2[%get3A_171, %get3A_172, %get3A_173] : memref<2x512x128xf32, #tpu.memory_space<vmem>>, vector<1x512x128xf32>
    %get3A_175 = vector.shape_cast %get3A_174 : vector<1x512x128xf32> to vector<512x128xf32>
    %slice3A_176 = vector.extract_strided_slice %get3A_175 {offsets = [0, 64], sizes = [512, 64], strides = [1, 1]} : vector<512x128xf32> to vector<512x64xf32>
    %get3A_177 = arith.constant 0 : index
    %get3A_178 = arith.constant 0 : index
    %get3A_179 = vector.load %arg4[%get3A_177, %get3A_178] : memref<64x64xf32, #tpu.memory_space<vmem>>, vector<64x64xf32>
    %dot_general3A_180 = arith.constant dense<0.000000e+00> : vector<512x64xf32>
    %dot_general3A_181 = tpu.matmul %concatenate3A_170, %get3A_179, %dot_general3A_180 {dimension_numbers = #tpu.dot_dimension_numbers<[1], [0], [0], [1], [0, 0, 1, 1], [], []>, transpose_lhs_hint = false} : vector<512x64xf32>, vector<64x64xf32>, vector<512x64xf32> -> vector<512x64xf32>
    %add3A_182 = arith.addf %dot_general3A_181, %slice3A_176 : vector<512x64xf32>
    %max3A_183 = arith.constant 0.000000e+00 : f32
    %max3A_184 = vector.broadcast %max3A_183 : f32 to vector<512x64xf32>
    %max3A_185 = arith.maximumf %add3A_182, %max3A_184 : vector<512x64xf32>
    %jit3A_186 = arith.constant 0.000000e+00 : f32
    %broadcast_in_dim3A_187 = vector.shape_cast %lt3A_3 : vector<512x1xi1> to vector<512x1xi1>
    %broadcast_in_dim3A_188 = vector.broadcast %broadcast_in_dim3A_187 : vector<512x1xi1> to vector<512x64xi1>
    %broadcast_in_dim3A_189 = vector.broadcast %jit3A_186 : f32 to vector<512x64xf32>
    %select_n3A_190 = arith.select %broadcast_in_dim3A_188, %max3A_185, %broadcast_in_dim3A_189 : vector<512x64xi1>, vector<512x64xf32>
    %get3A_191 = arith.constant 3 : index
    %get3A_192 = arith.constant 0 : index
    %get3A_193 = vector.load %arg3[%get3A_191, %get3A_192] : memref<4x512xi32, #tpu.memory_space<vmem>>, vector<1x512xi32>
    %get3A_194 = vector.shape_cast %get3A_193 : vector<1x512xi32> to vector<512xi32>
    %broadcast_in_dim3A_195 = vector.shape_cast %get3A_194 : vector<512xi32> to vector<512x1xi32>
    %iota3A_196 = tpu.iota {dimensions = array<i32: 1>} : vector<512x256xi32>
    %eq3A_197 = vector.broadcast %broadcast_in_dim3A_195 : vector<512x1xi32> to vector<512x256xi32>
    %eq3A_198 = arith.cmpi eq, %eq3A_197, %iota3A_196 : vector<512x256xi32>
    %and3A_199 = vector.broadcast %lt3A_3 : vector<512x1xi1> to vector<512x256xi1>
    %and3A_200 = arith.andi %eq3A_198, %and3A_199 : vector<512x256xi1>
    %convert_element_type3A_201 = arith.extui %and3A_200 : vector<512x256xi1> to vector<512x256xi32>
    %convert_element_type3A_202 = arith.sitofp %convert_element_type3A_201 : vector<512x256xi32> to vector<512x256xf32>
    %convert_element_type3A_203 = arith.truncf %convert_element_type3A_202 : vector<512x256xf32> to vector<512x256xbf16>
    %convert_element_type3A_204 = arith.truncf %select_n3A_190 : vector<512x64xf32> to vector<512x64xbf16>
    %dot_general3A_205 = arith.constant dense<0.000000e+00> : vector<256x64xf32>
    %dot_general3A_206 = tpu.matmul %convert_element_type3A_203, %convert_element_type3A_204, %dot_general3A_205 {dimension_numbers = #tpu.dot_dimension_numbers<[0], [0], [1], [1], [0, 1, 1, 1], [], []>, transpose_lhs_hint = false} : vector<512x256xbf16>, vector<512x64xbf16>, vector<256x64xf32> -> vector<256x64xf32>
    %add3A_207 = arith.addf %add3A_154, %dot_general3A_206 : vector<256x64xf32>
    %dot_general3A_208 = arith.constant dense<0.000000e+00> : vector<256x8xf32>
    %dot_general3A_209 = tpu.matmul %convert_element_type3A_203, %broadcast_in_dim3A_8, %dot_general3A_208 {dimension_numbers = #tpu.dot_dimension_numbers<[0], [0], [1], [1], [0, 1, 1, 1], [], []>, transpose_lhs_hint = false} : vector<512x256xbf16>, vector<512x8xbf16>, vector<256x8xf32> -> vector<256x8xf32>
    %add3A_210 = arith.addf %add3A_157, %dot_general3A_209 : vector<256x8xf32>
    %eq3A_211 = arith.constant 0 : i32
    %eq3A_212 = arith.cmpi eq, %arg0, %eq3A_211 : i32
    %convert_element_type3A_213 = arith.extui %eq3A_212 : i1 to i32
    %cond3A = arith.constant 0 : i32
    %cond3A_214 = arith.cmpi ne, %convert_element_type3A_213, %cond3A : i32
    scf.if %cond3A_214 {
      %broadcast_in_dim3A_228 = arith.constant 0.000000e+00 : f32
      %broadcast_in_dim3A_229 = vector.broadcast %broadcast_in_dim3A_228 : f32 to vector<256x64xf32>
      %swap3A_230 = arith.constant 0 : index
      %swap3A_231 = arith.constant 0 : index
      %swap3A_232 = vector.load %arg5[%swap3A_230, %swap3A_231] : memref<256x64xf32, #tpu.memory_space<vmem>>, vector<256x64xf32>
      tpu.vector_store %arg5[%swap3A_230, %swap3A_231], %broadcast_in_dim3A_229 {strides = array<i32>} : memref<256x64xf32, #tpu.memory_space<vmem>>, vector<256x64xf32>,
      %broadcast_in_dim3A_233 = arith.constant 0.000000e+00 : f32
      %broadcast_in_dim3A_234 = vector.broadcast %broadcast_in_dim3A_233 : f32 to vector<256x8xf32>
      %swap3A_235 = arith.constant 0 : index
      %swap3A_236 = arith.constant 0 : index
      %swap3A_237 = vector.load %arg6[%swap3A_235, %swap3A_236] : memref<256x8xf32, #tpu.memory_space<vmem>>, vector<256x8xf32>
      tpu.vector_store %arg6[%swap3A_235, %swap3A_236], %broadcast_in_dim3A_234 {strides = array<i32>} : memref<256x8xf32, #tpu.memory_space<vmem>>, vector<256x8xf32>,
    } else {
    }
    %get3A_215 = arith.constant 0 : index
    %get3A_216 = arith.constant 0 : index
    %get3A_217 = vector.load %arg5[%get3A_215, %get3A_216] : memref<256x64xf32, #tpu.memory_space<vmem>>, vector<256x64xf32>
    %add3A_218 = arith.addf %get3A_217, %add3A_207 : vector<256x64xf32>
    %swap3A = arith.constant 0 : index
    %swap3A_219 = arith.constant 0 : index
    %swap3A_220 = vector.load %arg5[%swap3A, %swap3A_219] : memref<256x64xf32, #tpu.memory_space<vmem>>, vector<256x64xf32>
    tpu.vector_store %arg5[%swap3A, %swap3A_219], %add3A_218 {strides = array<i32>} : memref<256x64xf32, #tpu.memory_space<vmem>>, vector<256x64xf32>,
    %get3A_221 = arith.constant 0 : index
    %get3A_222 = arith.constant 0 : index
    %get3A_223 = vector.load %arg6[%get3A_221, %get3A_222] : memref<256x8xf32, #tpu.memory_space<vmem>>, vector<256x8xf32>
    %add3A_224 = arith.addf %get3A_223, %add3A_210 : vector<256x8xf32>
    %swap3A_225 = arith.constant 0 : index
    %swap3A_226 = arith.constant 0 : index
    %swap3A_227 = vector.load %arg6[%swap3A_225, %swap3A_226] : memref<256x8xf32, #tpu.memory_space<vmem>>, vector<256x8xf32>
    tpu.vector_store %arg6[%swap3A_225, %swap3A_226], %add3A_224 {strides = array<i32>} : memref<256x8xf32, #tpu.memory_space<vmem>>, vector<256x8xf32>,
    return
  }
  func.func @transform_0(%arg0: i32) -> (i32, i32, i32) {
    %c0_i32 = arith.constant 0 : i32
    %c0_i32_0 = arith.constant 0 : i32
    %c0_i32_1 = arith.constant 0 : i32
    return %c0_i32, %arg0, %c0_i32_0 : i32, i32, i32
  }
  func.func @transform_1(%arg0: i32) -> (i32, i32, i32) {
    %c0_i32 = arith.constant 0 : i32
    %c0_i32_0 = arith.constant 0 : i32
    %c0_i32_1 = arith.constant 0 : i32
    return %c0_i32, %arg0, %c0_i32_0 : i32, i32, i32
  }
  func.func @transform_2(%arg0: i32) -> (i32, i32) {
    %c0_i32 = arith.constant 0 : i32
    %c0_i32_0 = arith.constant 0 : i32
    return %c0_i32, %arg0 : i32, i32
  }
  func.func @transform_3(%arg0: i32) -> (i32, i32) {
    %c0_i32 = arith.constant 0 : i32
    %c0_i32_0 = arith.constant 0 : i32
    %c0_i32_1 = arith.constant 0 : i32
    return %c0_i32, %c0_i32_0 : i32, i32
  }
  func.func @transform_4(%arg0: i32) -> (i32, i32) {
    %c0_i32 = arith.constant 0 : i32
    %c0_i32_0 = arith.constant 0 : i32
    %c0_i32_1 = arith.constant 0 : i32
    return %c0_i32, %c0_i32_0 : i32, i32
  }
  func.func @transform_5(%arg0: i32) -> (i32, i32) {
    %c0_i32 = arith.constant 0 : i32
    %c0_i32_0 = arith.constant 0 : i32
    %c0_i32_1 = arith.constant 0 : i32
    return %c0_i32, %c0_i32_0 : i32, i32
  }
}

module attributes {stable_mosaic.version = 14 : i64} {
  func.func @body(%arg0: memref<256x64xf32, #tpu.memory_space<vmem>>, %arg1: memref<256x8xf32, #tpu.memory_space<vmem>>, %arg2: memref<128x64xf32, #tpu.memory_space<vmem>>, %arg3: memref<1x64xf32, #tpu.memory_space<vmem>>, %arg4: memref<64x1xf32, #tpu.memory_space<vmem>>, %arg5: memref<1x1xf32, #tpu.memory_space<vmem>>, %arg6: memref<256x1xf32, #tpu.memory_space<vmem>>) attributes {dimension_semantics = [], scalar_prefetch = 0 : i64, scratch_operands = 0 : i64, tpu.core_type = #tpu.core_type<tc>} {
    %get3A = arith.constant 0 : index
    %get3A_0 = arith.constant 0 : index
    %get3A_1 = vector.load %arg0[%get3A, %get3A_0] : memref<256x64xf32, #tpu.memory_space<vmem>>, vector<256x64xf32>
    %get3A_2 = arith.constant 0 : index
    %get3A_3 = arith.constant 0 : index
    %get3A_4 = vector.load %arg1[%get3A_2, %get3A_3] : memref<256x8xf32, #tpu.memory_space<vmem>>, vector<256x1xf32>
    %max3A = arith.constant 1.000000e+00 : f32
    %max3A_5 = vector.broadcast %max3A : f32 to vector<256x1xf32>
    %max3A_6 = arith.maximumf %get3A_4, %max3A_5 : vector<256x1xf32>
    %div3A = vector.broadcast %max3A_6 : vector<256x1xf32> to vector<256x64xf32>
    %div3A_7 = arith.divf %get3A_1, %div3A : vector<256x64xf32>
    %concatenate3A = tpu.concatenate %div3A_7, %get3A_1 in 1 : vector<256x64xf32>, vector<256x64xf32> -> vector<256x128xf32>
    %get3A_8 = arith.constant 0 : index
    %get3A_9 = arith.constant 0 : index
    %get3A_10 = vector.load %arg2[%get3A_8, %get3A_9] : memref<128x64xf32, #tpu.memory_space<vmem>>, vector<128x64xf32>
    %dot_general3A = arith.constant dense<0.000000e+00> : vector<256x64xf32>
    %dot_general3A_11 = tpu.matmul %concatenate3A, %get3A_10, %dot_general3A {dimension_numbers = #tpu.dot_dimension_numbers<[1], [0], [0], [1], [0, 0, 1, 1], [], []>, transpose_lhs_hint = false} : vector<256x128xf32>, vector<128x64xf32>, vector<256x64xf32> -> vector<256x64xf32>
    %get3A_12 = arith.constant 0 : index
    %get3A_13 = arith.constant 0 : index
    %get3A_14 = vector.load %arg3[%get3A_12, %get3A_13] : memref<1x64xf32, #tpu.memory_space<vmem>>, vector<1x64xf32>
    %add3A = vector.broadcast %get3A_14 : vector<1x64xf32> to vector<256x64xf32>
    %add3A_15 = arith.addf %dot_general3A_11, %add3A : vector<256x64xf32>
    %max3A_16 = arith.constant 0.000000e+00 : f32
    %max3A_17 = vector.broadcast %max3A_16 : f32 to vector<256x64xf32>
    %max3A_18 = arith.maximumf %add3A_15, %max3A_17 : vector<256x64xf32>
    %get3A_19 = arith.constant 0 : index
    %get3A_20 = arith.constant 0 : index
    %get3A_21 = vector.load %arg4[%get3A_19, %get3A_20] : memref<64x1xf32, #tpu.memory_space<vmem>>, vector<64x1xf32>
    %dot_general3A_22 = arith.constant dense<0.000000e+00> : vector<256x1xf32>
    %dot_general3A_23 = tpu.matmul %max3A_18, %get3A_21, %dot_general3A_22 {dimension_numbers = #tpu.dot_dimension_numbers<[1], [0], [0], [1], [0, 0, 1, 1], [], []>, transpose_lhs_hint = false} : vector<256x64xf32>, vector<64x1xf32>, vector<256x1xf32> -> vector<256x1xf32>
    %get3A_24 = arith.constant 0 : index
    %get3A_25 = arith.constant 0 : index
    %get3A_26 = vector.load %arg5[%get3A_24, %get3A_25] : memref<1x1xf32, #tpu.memory_space<vmem>>, vector<1x1xf32>
    %add3A_27 = vector.broadcast %get3A_26 : vector<1x1xf32> to vector<256x1xf32>
    %add3A_28 = arith.addf %dot_general3A_23, %add3A_27 : vector<256x1xf32>
    %swap3A = arith.constant 0 : index
    %swap3A_29 = arith.constant 0 : index
    %swap3A_30 = vector.load %arg6[%swap3A, %swap3A_29] : memref<256x1xf32, #tpu.memory_space<vmem>>, vector<256x1xf32>
    tpu.vector_store %arg6[%swap3A, %swap3A_29], %add3A_28 {strides = array<i32>} : memref<256x1xf32, #tpu.memory_space<vmem>>, vector<256x1xf32>,
    return
  }
}

</mosaic_0001>

<sc_bundles>
// kernel: kernel.11.cloned.1.call-start
scs
__scs_entry_jumppad:
0x0: {  	(pc) =	sbr.rel $0x88, $3  }
0x1: {  	(tag) =	ssettag $0x0;
	lr =	simm.s32 $0x1  }
0x2: {  	[smem:$0x3F94] =	sst lr;
	_ =	strace $0xD0000000  }
0x3: {  	_ = 	snop  }
0x4: {  	_ = 	snop  }
0x5: {  	_ = 	snop  }
0x6: {  	_ = 	snop  }
0x7: {  	_ = 	snop  }
__scs_overlays_trampoline_lowered:
0x8: {  	[smem:$0x3FA3] =	sst s0  }
0x9: {  	[smem:$0x3FA4] =	sst s1  }
0xa: {  	[smem:$0x3FA5] =	sst s2  }
0xb: {  	[smem:$0x3FA6] =	sst s3  }
0xc: {  	[smem:$0x3FA7] =	sst s4  }
0xd: {  	[smem:$0x3FA8] =	sst s5  }
0xe: {  	[smem:$0x3FA9] =	sst s6  }
0xf: {  	[smem:$0x3FAA] =	sst s7  }
0x10: {  	[smem:$0x3FAB] =	sst s8  }
0x11: {  	[smem:$0x3FAC] =	sst s9;
	s0 =	simm.s32 @!p0 $0x0  }
0x12: {  	s1 =	sld [smem:$0x3F92];
	s0 =	simm.s32 @p0 $0x1  }
0x13: {  	[smem:$0x3FAD] =	sst s0;
	s0 =	simm.s32 @!p1 $0x0  }
0x14: {  	s2 =	sld [smem:$0x3F91];
	s0 =	simm.s32 @p1 $0x1  }
0x15: {  	[smem:$0x3FAE] =	sst s0;
	s0 =	simm.s32 @!p2 $0x0  }
0x16: {  	s3 =	sld [smem:$0x3FDB];
	s0 =	simm.s32 @p2 $0x1  }
0x17: {  	s4 =	simm.s32 $0x1BF5;
	[smem:$0x3FB0] =	sst s0  }
0x18: {  	s0 =	sld [smem:$0x3F93];
	_ =	swait.ge [sflag:s4], $0x0  }
0x19: {  	s7 =	sld [smem:$0x3F94]  }
0x1a: {  	s8 =	sadd.s32 $0xFFFFE003, lr  }
0x1b: {  	s9 =	sadd.s32 $0xFFFFFEF7, lr;
	s5 =	simm.s32 $0xFFFFFFFF;
	p2 =	slt.u32 s8, $0xFFFFF086  }
0x1c: {  	p1 =	slt.u32 s9, $0xF7A;
	s5 =	simm.s32 @!p2 $0x0  }
0x1d: {  	s5 =	simm.s32 @p1 $0x1;
	p0 =	seq.s32 s7, s2  }
0x1e: {  	s7 =	smul.u32 @!p0 $0xF7A, s2;
	p2 =	seq.s32 @!p0 s5, $0x0  }
0x1f: {  	s9 =	smul.u32 $0xF7A, s1;
	s8 =	simm.s32 @!p0 $0x1BF5;
	p2 =	por !p2, p0  }
0x20: {  	[sflag:s8] =	ssyncset.s32 @!p0 $0xFFFFF086;
	s6 =	sadd.s32 @!p0 s3, s7;
	s7 =	simm.s32 @!p0 $0x108  }
0x21: {  	s3 =	sadd.s32 s3, s9;
	s6 =	sadd.s32 @!p0 $0x88, s6;
	s7 =	simm.s32 @p2 $0x1082  }
0x22: {  	[simem:s7], [sflag:s8] =	dma.local @!p0 [hbm:s6], $0xF7A  }
0x23: {  	s9 =	sor.u32 $0xD0000000, s2;
	s6 =	simm.s32 $0x108;
	_ =	swait.ge @!p0 [sflag:s8], $0x0  }
0x24: {  	s3 =	sadd.s32 $0x88, s3;
	s6 =	simm.s32 @!p1 $0x1082;
	[sflag:s4] =	ssyncset.s32 $0xFFFFF086  }
0x25: {  	[simem:s6], [sflag:s4] =	dma.local [hbm:s3], $0xF7A  }
0x26: {  	[smem:$0x3F94] =	sst s1;
	(tag) =	ssettag s2;
	_ =	strace s9  }
0x27: {  	s1 =	sld [smem:$0x3FA4]  }
0x28: {  	s2 =	sld [smem:$0x3FA5]  }
0x29: {  	s4 =	sld [smem:$0x3FA7]  }
0x2a: {  	p0 =	seq.s32 s5, $0x0;
	s5 =	sld [smem:$0x3FA8]  }
0x2b: {  	s6 =	sld [smem:$0x3FA9]  }
0x2c: {  	s7 =	sld [smem:$0x3FAA]  }
0x2d: {  	s3 =	simm.s32 $0x108;
	s8 =	sld [smem:$0x3FAB]  }
0x2e: {  	s3 =	simm.s32 @!p0 $0x1082;
	s9 =	sld [smem:$0x3FAC]  }
0x2f: {  	lr =	sadd.s32 s0, s3;
	s0 =	sld [smem:$0x3FA3]  }
0x30: {  	s3 =	sld [smem:$0x3FA6]  }
0x31: {  	[smem:$0x3FAF] =	sst s10  }
0x32: {  	s10 =	sld [smem:$0x3FAD];
	_ =	sdelay $0x3  }
0x33: {  	p0 =	seq.s32 s10, $0x1;
	s10 =	sld [smem:$0x3FAF];
	_ =	sdelay $0x3  }
0x34: {  	[smem:$0x3FAF] =	sst s10  }
0x35: {  	s10 =	sld [smem:$0x3FAE];
	_ =	sdelay $0x3  }
0x36: {  	p1 =	seq.s32 s10, $0x1;
	s10 =	sld [smem:$0x3FAF];
	_ =	sdelay $0x3  }
0x37: {  	[smem:$0x3FAF] =	sst s10  }
0x38: {  	s10 =	sld [smem:$0x3FB0]  }
0x39: {  	_ = 	snop;
	(pc) =	sbr.ind lr, $3  }
0x3a: {  	_ = 	snop  }
0x3b: {  	_ = 	snop  }
0x3c: {  	p2 =	seq.s32 s10, $0x1;
	s10 =	sld [smem:$0x3FAF]  }
0x3d: {  	_ =	shalt  }
0x3e: {  	_ =	shalt  }
0x3f: {  	_ =	shalt  }
0x40: {  	_ =	shalt  }
0x41: {  	_ =	shalt  }
0x42: {  	_ =	shalt  }
0x43: {  	_ =	shalt  }
0x44: {  	_ =	shalt  }
0x45: {  	_ =	shalt  }
0x46: {  	_ =	shalt  }
0x47: {  	_ =	shalt  }
0x48: {  	_ =	shalt  }
0x49: {  	_ =	shalt  }
0x4a: {  	_ =	shalt  }
0x4b: {  	_ =	shalt  }
0x4c: {  	_ =	shalt  }
0x4d: {  	_ =	shalt  }
0x4e: {  	_ =	shalt  }
0x4f: {  	_ =	shalt  }
0x50: {  	_ =	shalt  }
0x51: {  	_ =	shalt  }
0x52: {  	_ =	shalt  }
0x53: {  	_ =	shalt  }
0x54: {  	_ =	shalt  }
0x55: {  	_ =	shalt  }
0x56: {  	_ =	shalt  }
0x57: {  	_ =	shalt  }
0x58: {  	_ =	shalt  }
0x59: {  	_ =	shalt  }
0x5a: {  	_ =	shalt  }
0x5b: {  	_ =	shalt  }
0x5c: {  	_ =	shalt  }
0x5d: {  	_ =	shalt  }
0x5e: {  	_ =	shalt  }
0x5f: {  	_ =	shalt  }
0x60: {  	_ =	shalt  }
0x61: {  	_ =	shalt  }
0x62: {  	_ =	shalt  }
0x63: {  	_ =	shalt  }
0x64: {  	_ =	shalt  }
0x65: {  	_ =	shalt  }
0x66: {  	_ =	shalt  }
0x67: {  	_ =	shalt  }
0x68: {  	_ =	shalt  }
0x69: {  	_ =	shalt  }
0x6a: {  	_ =	shalt  }
0x6b: {  	_ =	shalt  }
0x6c: {  	_ =	shalt  }
0x6d: {  	_ =	shalt  }
0x6e: {  	_ =	shalt  }
0x6f: {  	_ =	shalt  }
0x70: {  	_ =	shalt  }
0x71: {  	_ =	shalt  }
0x72: {  	_ =	shalt  }
0x73: {  	_ =	shalt  }
0x74: {  	_ =	shalt  }
0x75: {  	_ =	shalt  }
0x76: {  	_ =	shalt  }
0x77: {  	_ =	shalt  }
0x78: {  	_ =	shalt  }
0x79: {  	_ =	shalt  }
0x7a: {  	_ =	shalt  }
0x7b: {  	_ =	shalt  }
0x7c: {  	_ =	shalt  }
0x7d: {  	_ =	shalt  }
0x7e: {  	_ =	shalt  }
0x7f: {  	_ =	shalt  }
0x80: {  	_ =	shalt  }
0x81: {  	_ =	shalt  }
0x82: {  	_ =	shalt  }
0x83: {  	_ =	shalt  }
0x84: {  	_ =	shalt  }
0x85: {  	_ =	shalt  }
0x86: {  	_ =	shalt  }
0x87: {  	_ =	shalt  }
.Lfunc_end0:
.L_simem_size_0:
called_computation.1_lowered:
.L_overlay_start_0:
0x88: {  	s2 =	sld [smem:$0x3FD9]  }
0x89: {  	s3 =	sld [smem:$0x3FFE];
	_ =	sdelay $0x1  }
0x8a: {  	s1 =	srdreg.scid  }
0x8b: {  	s0 =	sand.u32 $0x1, s1  }
0x8c: {  	s16 =	sshll.u32 s0, $0xA;
	s2 =	sadd.s32 s3, s2  }
0x8d: {  	s2 =	sadd.s32 s2, s16  }
0x8e: {  	[smem:$0x3FBB] =	sst s2  }
0x8f: {  	_ = 	snop  }
0x90: {  	(tm) =	ssettm $0x1  }
0x91: {  	s17 =	sld [smem:$0x3FFB];
	_ =	sdelay $0x3  }
0x92: {  	_ =	strace s17  }
0x93: {  	s2 =	sld [smem:$0x3FFC];
	_ =	sdelay $0x3  }
0x94: {  	_ =	strace s2  }
0x95: {  	s2 =	sld [smem:$0x3FFD];
	_ =	sdelay $0x3  }
0x96: {  	_ =	strace s2  }
0x97: {  	_ =	strace $0x8FFFFFFF  }
0x98: {  	s18 =	sld [smem:$0x3FDB];
	_ =	sdelay $0x1  }
0x99: {  	s19 =	simm.s32 $_scs_section_size  }
0x9a: {  	s4 =	simm.s32 $_size__tile_overlayer_lowered;
	s5 =	simm.s32 $_tile_overlayer_lowered  }
0x9b: {  	s22 =	simm.s32 $0x1BFF;
	s21 =	sshll.u32 s5, $0x1;
	s2 =	sadd.s32 s19, s18  }
0x9c: {  	s6 =	simm.s32 $0x0;
	s20 =	sshll.u32 s4, $0x1;
	s4 =	sadd.s32 s21, s2  }
0x9d: {  	[timem:s6], [sflag:s22] =	dma.local [hbm:s4], s20  }
0x9e: {  	_ =	swait.ge [sflag:s22], s20  }
0x9f: {  	s3 =	ssub.s32 $0x0, s20;
	[sflag:s22] =	ssyncset.done $0x0  }
0xa0: {  	[sflag:s22] =	ssyncadd.s32 s3;
	_ =	sdelay $0x1  }
0xa1: {  	s23 =	simm.s32 $0x1B8B  }
0xa2: {  	_ =	swait.ge [sflag:s23], $0x1  }
0xa3: {  	[sflag:s23] =	ssyncset.done $0x0  }
0xa4: {  	s25 =	simm.s32 $0x1B8E;
	s24 =	sld [smem:$0x3FFE];
	[sflag:s23] =	ssyncadd.s32 $0xFFFFFFFF  }
0xa5: {  	s26 =	simm.s32 $execute0_lowered;
	[smem:$0x3FD2] =	sst s25  }
0xa6: {  	s4 =	sshll.u32 s26, $0x1;
	_ =	strace $0x80000049;
	[dreg:$0x1] =	wrdreg $0xFFFFFFFF  }
0xa7: {  	s28 =	simm.s32 $_size_execute0_lowered;
	s2 =	sadd.s32 s2, s4;
	[dreg:$0x0] =	wrdreg $0x0  }
0xa8: {  	s4 =	sshll.u32 s28, $0x1;
	[dreg:$0x2] =	wrdreg s2  }
0xa9: {  	[dreg:$0x3] =	wrdreg s4  }
0xaa: {  	[dreg:$0x4] =	wrdreg $0xC0  }
0xab: {  	_ =	task [dreg:s6], $0x5FFFF  }
0xac: {  	[dreg:$0x1] =	wrdreg $0xFFFFFFFF  }
0xad: {  	[dreg:$0x0] =	wrdreg $0x60  }
0xae: {  	[dreg:$0x2] =	wrdreg s24  }
0xaf: {  	[dreg:$0x3] =	wrdreg $0x70000  }
0xb0: {  	[dreg:$0x4] =	wrdreg $0x9  }
0xb1: {  	_ =	task.clear_ibuf [dreg:s6], $0x5FFFF;
	_ =	strace $0x90000049  }
0xb2: {  	s29 =	simm.s32 $0x9;
	_ =	strace $0x8000004B  }
0xb3: {  	_ =	swait.ge [sflag:s29], $0x1  }
0xb4: {  	[sflag:s29] =	ssyncadd.s32 $0xFFFFFFFF  }
0xb5: {  	_ =	strace $0x9000004B  }
0xb6: {  	_ =	sfence  }
0xb7: {  	s30 =	sld [smem:$0x0];
	_ =	sdelay $0x2  }
0xb8: {  	s31 =	sshll.u32 s1, $0xD;
	s1 =	sshrl.u32 s1, $0x2  }
0xb9: {  	s3 =	sand.u32 $0x4000, s31;
	s1 =	sadd.s32 s1, s30  }
0xba: {  	s0 =	sor.u32 s3, s0;
	s1 =	sshll.u32 s1, $0x11  }
0xbb: {  	s0 =	sor.u32 s1, s0  }
0xbc: {  	s0 =	sadd.s32 $0x8F2B, s0  }
0xbd: {  	[sflag:s0] =	ssyncadd.remote.s32 $0x1  }
0xbe: {  	_ =	sfence.sel $0xFFFF  }
0xbf: {  	[dreg:$0x0] =	wrdreg $0xFFFFFFFF;
	(pc) =	sbr.abs _section_cstart, $3  }
0xc0: {  	[dreg:$0x1] =	wrdreg $0xFFFFFFFF  }
0xc1: {  	_ =	task.clear_ibuf [dreg:s6], $0x2FFFF;
	_ =	strace $0x9FFFFFFF  }
0xc2: {  	(tm) =	ssettm $0x7FFFFFFF  }
0xc3: {  	_ =	shalt  }
tec
execute0_lowered:
.L_overlay_start_1:
0x0: {  	(tag) =	ssettag $0x1  }
0x1: {  	s0 =	rddreg [dreg:$0x0]  }
0x2: {  	s1 =	rddreg [dreg:$0x1];
	s2 =	simm.s32 $0x0;
	s4 =	srdreg.scid  }
0x3: {  	s28 =	simm.s32 $0x100;
	s29 =	simm.s32 $0x200;
	s30 =	simm.s32 $0x300  }
0x4: {  	s31 =	simm.s32 $0x400;
	[smem:$0x7FF] =	sst s2;
	s2 =	stileid.u32  }
0x5: {  	s6 =	sand.u32 $0x1, s4;
	s4 =	sadd.s32 $0xC5E00, s0;
	s5 =	smul.u32 $0x186, s2  }
0x6: {  	s9 =	sadd.s32 $0x33400, s0;
	_ =	strace $0x8000004A;
	s7 =	smul.u32 $0x30D40, s6  }
0x7: {  	s8 =	smin.u32 s2, $0xA;
	s10 =	ssub.s32 $0x2, s6;
	s21 =	smul.u32 $0x7D00, s2  }
0x8: {  	p0 =	slt.u32 s2, $0xA;
	s13 =	smul.u32 $0x30C0, s2;
	s16 =	sor.u32 $0x30, s2  }
0x9: {  	s24 =	smul.u32 $0x2800, s2;
	s17 =	sshrl.u32 s10, $0x1;
	s5 =	sadd.s32 s8, s5  }
0xa: {  	s0 =	sadd.s32 s7, s0;
	s7 =	ssub.s32 s10, s17;
	s22 =	sshrl.u32 s21, $0x3  }
0xb: {  	s14 =	sadd.s32 $0x7D000, s21;
	s15 =	sadd.s32 $0xFA000, s21;
	s8 =	sshll.u32 s8, $0x5  }
0xc: {  	s10 =	simm.s32 $0x2;
	s11 =	sshll.u32 s5, $0x5;
	s5 =	simm.s32 $0x187  }
0xd: {  	s0 =	sadd.s32 $0x127A00, s0;
	s23 =	sshrl.u32 s14, $0x3;
	s17 =	sshrl.u32 s15, $0x3  }
0xe: {  	s3 =	sadd.s32 s9, s11;
	s5 =	simm.s32 @!p0 $0x186;
	s9 =	sadd.s32 s13, s9  }
0xf: {  	p0 =	sgt.u32 s16, $0x31;
	s25 =	sadd.s32 s22, s0;
	[dreg:$0x3] =	wrdreg s3  }
0x10: {  	s26 =	sadd.s32 s23, s0;
	s13 =	smax.u32 s7, $0x1;
	[dreg:$0x9] =	wrdreg s25  }
0x11: {  	s22 =	sadd.s32 s15, s1;
	s7 =	simm.s32 $0x1;
	[dreg:$0xa] =	wrdreg s26  }
0x12: {  	s15 =	simm.s32 $0x4;
	s18 =	sadd.s32 $0x20, s3;
	[dreg:$0xd] =	wrdreg s13  }
0x13: {  	s19 =	sadd.s32 $0x40, s3;
	s20 =	sadd.s32 $0x60, s3;
	[dreg:$0x4] =	wrdreg s18  }
0x14: {  	s11 =	sadd.s32 $0x80, s3;
	s3 =	sadd.s32 $0xA0, s3;
	[dreg:$0x5] =	wrdreg s19  }
0x15: {  	s12 =	sadd.s32 $0x2, s5;
	s8 =	sadd.s32 s8, s9;
	[dreg:$0x6] =	wrdreg s20  }
0x16: {  	s26 =	sshrl.u32 s22, $0x3;
	s13 =	simm.s32 $0x3;
	[dreg:$0x7] =	wrdreg s11  }
0x17: {  	s22 =	simm.s32 $0x6;
	[dreg:$0x8] =	wrdreg s3;
	s18 =	smul.u32 $0x7D00, s16  }
0x18: {  	s11 =	sadd.s32 s17, s0;
	s17 =	sadd.s32 $0x4, s5;
	s19 =	sadd.s32 s21, s1  }
0x19: {  	s20 =	sadd.s32 s14, s1;
	s21 =	sshrl.u32 s24, $0x2;
	s24 =	sadd.s32 $0xE0, s8  }
0x1a: {  	[dreg:$0x12] =	wrdreg s26;
	s26 =	sadd.s32 $0xFFFFFFFE, s5;
	s8 =	simm.s32 $0x80  }
0x1b: {  	s14 =	simm.s32 $0x2600;
	s16 =	simm.s32 $0x3600;
	[dreg:$0xb] =	wrdreg s11  }
0x1c: {  	s23 =	sadd.s32 s21, s1;
	[dreg:$0xf] =	wrdreg s24;
	s25 =	sshrl.u32 s20, $0x3  }
0x1d: {  	s21 =	simm.s32 $0x4600;
	s9 =	sshrl.u32 s18, $0x3;
	[dreg:$0xe] =	wrdreg s23  }
.Ltmp0:
0x1e: {  	s11 =	sadd.s32 s18, s1;
	[dreg:$0x11] =	wrdreg s25;
	(pc) =	sbr.rel .LBB2_1-.Ltmp0, $4  }
0x1f: {  	s25 =	sadd.s32 $0xFFFFFFFF, s5;
	s18 =	simm.s32 $0x5;
	s0 =	sadd.s32 @!p0 s9, s0  }
0x20: {  	s23 =	simm.s32 $0x5600;
	[dreg:$0xc] =	wrdreg s0;
	s0 =	sshrl.u32 s19, $0x3  }
0x21: {  	s9 =	simm.s32 $0x0;
	[dreg:$0x10] =	wrdreg s0;
	s0 =	sshrl.u32 @!p0 s11, $0x3  }
0x22: {  	v1 =	vimm.f32 $0.0e+00;
	v2 =	vimm.s32 $0xC350;
	v0 =	vmov s6;
	s11 =	simm.s32 $0x1600;
	[dreg:$0x13] =	wrdreg s0;
	s0 =	simm.s32 $0x500  }
.LBB2_19:
0x23: {  	[bflag:$0x0] =	sbarrier.arrive $0xFFFF  }
0x24: {  	s3 =	sshll.u32 s2, $0x6;
	s6 =	rddreg [dreg:$0x9]  }
0x25: {  	s19 =	simm.s32 $0x13;
	s3 =	sor.u32 $0x1C13, s3;
	s9 =	rddreg [dreg:$0x10]  }
0x26: {  	[hbm:s6], [sflag:s3] =	dma.local [spmem:s9], $0xFA0  }
0x27: {  	_ =	swait.ge [sflag:s19], $0xFA0  }
0x28: {  	[sflag:s19] =	ssyncset.done $0x0;
	s20 =	rddreg [dreg:$0xa]  }
0x29: {  	s24 =	rddreg [dreg:$0x11];
	[sflag:s19] =	ssyncadd.s32 $0xFFFFF060  }
0x2a: {  	[hbm:s20], [sflag:s3] =	dma.local [spmem:s24], $0xFA0  }
0x2b: {  	_ =	swait.ge [sflag:s19], $0xFA0  }
0x2c: {  	[sflag:s19] =	ssyncset.done $0x0;
	s20 =	rddreg [dreg:$0xb]  }
0x2d: {  	s24 =	rddreg [dreg:$0x12];
	[sflag:s19] =	ssyncadd.s32 $0xFFFFF060  }
0x2e: {  	[hbm:s20], [sflag:s3] =	dma.local [spmem:s24], $0xFA0  }
0x2f: {  	_ =	swait.ge [sflag:s19], $0xFA0  }
0x30: {  	[sflag:s19] =	ssyncset.done $0x0;
	s6 =	rddreg [dreg:$0xc]  }
0x31: {  	s9 =	rddreg [dreg:$0x13];
	[sflag:s19] =	ssyncadd.s32 $0xFFFFF060  }
0x32: {  	[hbm:s6], [sflag:s3] =	dma.local @!p0 [spmem:s9], $0xFA0  }
0x33: {  	s3 =	simm.s32 @!p0 $0x13  }
0x34: {  	_ =	swait.ge @!p0 [sflag:s3], $0xFA0  }
0x35: {  	s20 =	rddreg [dreg:$0x14]  }
0x36: {  	s24 =	rddreg [dreg:$0xd];
	s9 =	sadd.s32 $0x1, s20  }
0x37: {  	p1 =	sne.s32 s9, s24  }
.Ltmp1:
0x38: {  	_ = 	snop;
	(pc) =	sbr.rel @!p1 .LBB2_20-.Ltmp1, $3  }
0x39: {  	_ =	sdelay $0x1  }
0x3a: {  	[sflag:s3] =	ssyncset.done @!p0 $0x0  }
0x3b: {  	[sflag:s3] =	ssyncadd.s32 @!p0 $0xFFFFF060  }
.LBB2_1:
0x3c: {  	s6 =	simm.s32 $0x0  }
.LBB2_2:
0x3d: {  	p1 =	sne.s32 s6, $0x2780  }
.Ltmp2:
0x3e: {  	_ = 	snop;
	(pc) =	sbr.rel @p1 .LBB2_2-.Ltmp2, $4  }
0x3f: {  	_ = 	snop  }
0x40: {  	s19 =	sshra.s32 s6, $0x2  }
0x41: {  	[tilespmem:s19+$0x6600] =	vst v1  }
0x42: {  	s6 =	sadd.s32 $0x80, s6;
	[tilespmem:s19+$0x6610] =	vst v1  }
0x43: {  	s6 =	sadd.s32 $0x0, s2  }
0x44: {  	p1 =	sgt.u32 s6, $0x270  }
0x45: {  	s3 =	rddreg [dreg:$0xe];
	s6 =	simm.s32 @!p1 $0x6600;
	s20 =	simm.s32 @!p1 $0x13  }
0x46: {  	[spmem:s3] =	stream.linear.scatter @!p1 [tilespmem:s6], [sflag:$0x13], $0xA00, $0x38;
	[tilespmem:$0x1F6A0] =	vst v63  }
0x47: {  	s19 =	simm.s32 $0x10;
	_ =	swait.ge @!p1 [sflag:s20], $0xA00  }
0x48: {  	s24 =	simm.s32 $0x20;
	s6 =	sadd.s32 $0xA000, s3;
	[sflag:s20] =	ssyncset.done @!p1 $0x0  }
.LBB2_4:
0x49: {  	s3 =	sadd.s32 s19, s2;
	s19 =	smov.u32 s24;
	s24 =	sadd.s32 $0x10, s24  }
0x4a: {  	[sflag:s20] =	ssyncadd.s32 @!p1 $0xFFFFF600;
	p2 =	sne.s32 s24, $0x280  }
.Ltmp3:
0x4b: {  	p1 =	sgt.u32 s3, $0x270;
	(pc) =	sbr.rel @p2 .LBB2_4-.Ltmp3, $4  }
0x4c: {  	s3 =	simm.s32 @!p1 $0x6600;
	s20 =	simm.s32 @!p1 $0x13  }
0x4d: {  	[spmem:s6] =	stream.linear.scatter @!p1 [tilespmem:s3], [sflag:$0x13], $0xA00, $0x38;
	[tilespmem:$0x1F6A0] =	vst v63  }
0x4e: {  	_ =	swait.ge @!p1 [sflag:s20], $0xA00  }
0x4f: {  	s6 =	sadd.s32 $0xA000, s6;
	[sflag:s20] =	ssyncset.done @!p1 $0x0  }
0x50: {  	s3 =	sadd.s32 s19, s2  }
0x51: {  	[dreg:$0x14] =	wrdreg s9;
	p2 =	sgt.u32 s3, $0x270  }
0x52: {  	[sflag:s20] =	ssyncadd.s32 @!p1 $0xFFFFF600;
	s3 =	simm.s32 @!p2 $0x6600;
	s19 =	simm.s32 @!p2 $0x13  }
0x53: {  	[spmem:s6] =	stream.linear.scatter @!p2 [tilespmem:s3], [sflag:$0x13], $0xA00, $0x38;
	[tilespmem:$0x1F6A0] =	vst v63  }
0x54: {  	_ =	swait.ge @!p2 [sflag:s19], $0xA00  }
0x55: {  	[sflag:s19] =	ssyncset.done @!p2 $0x0  }
0x56: {  	[sflag:s19] =	ssyncadd.s32 @!p2 $0xFFFFF600  }
0x57: {  	[bflag:$0x0] =	sbarrier.arrive $0xFFFF  }
0x58: {  	s6 =	simm.s32 $0x0;
	s20 =	rddreg [dreg:$0x3]  }
0x59: {  	[tilespmem:s6], [sflag:$0x1] =	stream.linear.gather [hbm4b:s20+s6], $0x100, $0x38;
	[tilespmem:$0x1F6A0] =	vst v63  }
0x5a: {  	s24 =	rddreg [dreg:$0x4]  }
0x5b: {  	[tilespmem:s28], [sflag:$0x2] =	stream.linear.gather [hbm4b:s24+s6], $0x100, $0x38;
	[tilespmem:$0x1F6A0] =	vst v63  }
0x5c: {  	s9 =	rddreg [dreg:$0x5]  }
0x5d: {  	[tilespmem:s29], [sflag:$0x3] =	stream.linear.gather [hbm4b:s9+s6], $0x100, $0x38;
	[tilespmem:$0x1F6A0] =	vst v63  }
0x5e: {  	s19 =	rddreg [dreg:$0x6]  }
0x5f: {  	[tilespmem:s30], [sflag:$0x4] =	stream.linear.gather [hbm4b:s19+s6], $0x100, $0x38;
	[tilespmem:$0x1F6A0] =	vst v63  }
.Ltmp4:
0x60: {  	s20 =	rddreg [dreg:$0x7];
	(pc) =	sbr.rel .LBB2_6-.Ltmp4, $4  }
0x61: {  	s24 =	rddreg [dreg:$0x8]  }
0x62: {  	[tilespmem:s31], [sflag:$0x5] =	stream.linear.gather [hbm4b:s20+s6], $0x100, $0x38;
	[tilespmem:$0x1F6A0] =	vst v63  }
0x63: {  	s19 =	rddreg [dreg:$0xf]  }
0x64: {  	[tilespmem:s0], [sflag:$0x6] =	stream.linear.gather [hbm4b:s24+s6], $0x100, $0x38;
	[tilespmem:$0x1F6A0] =	vst v63  }
.LBB2_18:
0x65: {  	p1 =	sge.u32 s24, s12  }
0x66: {  	s3 =	simm.s32 @!p1 $0xA  }
0x67: {  	_ =	swait.ge @!p1 [sflag:s3], $0x1000  }
0x68: {  	s9 =	simm.s32 @!p1 $0x380;
	[sflag:s3] =	ssyncset.done @!p1 $0x0  }
0x69: {  	s20 =	simm.s32 @!p1 $0x3600;
	[sflag:s3] =	ssyncadd.s32 @!p1 $0xFFFFF000;
	s3 =	simm.s32 @!p1 $0x80  }
0x6a: {  	[spmem:s1] =	stream.indirect.scatter.add.f32 @!p1 [tilespmem:s20], [sflag:$0x10], $0x20, s9, s3, $0xb8;
	[tilespmem:$0x1F6A0] =	vst v63  }
0x6b: {  	p1 =	sge.u32 s24, s17  }
0x6c: {  	s3 =	simm.s32 @!p1 $0xE  }
0x6d: {  	s9 =	sadd.s32 @!p1 $0x7, s6;
	_ =	swait.ge @!p1 [sflag:s3], $0x1000  }
0x6e: {  	s6 =	sadd.s32 $0x6, s6;
	p2 =	sge.u32 @!p1 s9, s5;
	[sflag:s3] =	ssyncset.done @!p1 $0x0  }
0x6f: {  	p2 =	por p2, p1;
	[sflag:s3] =	ssyncadd.s32 @!p1 $0xFFFFF000;
	p1 =	sne.s32 s6, $0x18C  }
.Ltmp5:
0x70: {  	_ = 	snop;
	(pc) =	sbr.rel @!p1 .LBB2_19-.Ltmp5, $4  }
0x71: {  	_ = 	snop  }
0x72: {  	s3 =	simm.s32 @!p2 $0x0;
	s9 =	simm.s32 @!p2 $0x100  }
0x73: {  	[tilespmem:s9], [sflag:$0x2] =	stream.linear.gather @!p2 [hbm4b:s19+s3], $0x100, $0x38;
	[tilespmem:$0x1F6A0] =	vst v63  }
0x74: {  	s19 =	sadd.s32 $0xC0, s19  }
.LBB2_6:
0x75: {  	p1 =	sge.u32 s6, s5  }
.Ltmp6:
0x76: {  	_ = 	snop;
	(pc) =	sbr.rel @p1 .LBB2_8-.Ltmp6, $1  }
0x77: {  	_ =	sdelay $0x3  }
0x78: {  	_ =	swait.ge [sflag:s7], $0x100  }
0x79: {  	[sflag:s7] =	ssyncset.done $0x0  }
0x7a: {  	[sflag:s7] =	ssyncadd.s32 $0xFFFFFF00  }
0x7b: {  	v3 =	vld [tilespmem:$0x0]  }
0x7c: {  	v4 =	vld [tilespmem:$0x10]  }
0x7d: {  	v6 =	vld [tilespmem:$0x20]  }
0x7e: {  	v9 =	vld [tilespmem:$0x30]  }
0x7f: {  	v39 =	vld [tilespmem:$0x40]  }
0x80: {  	v41 =	vld [tilespmem:$0x50]  }
0x81: {  	v47 =	vld [tilespmem:$0x60];
	v5 =	vand.u32 $0x2, v3;
	v7 =	vand.u32 $0xFFFFFFFC, v3;
	v3 =	vshll.u32 v3, $0x1  }
0x82: {  	v51 =	vld [tilespmem:$0x70];
	v8 =	vand.u32 $0x2, v4;
	v37 =	vand.u32 $0x2, v6;
	v38 =	vand.u32 $0xFFFFFFFC, v4  }
0x83: {  	v4 =	vshll.u32 v4, $0x1;
	v10 =	vand.u32 $0xFFFFFFFC, v6;
	v6 =	vshll.u32 v6, $0x1  }
0x84: {  	v11 =	vand.u32 $0x2, v9;
	v44 =	vand.u32 $0xFFFFFFFC, v9;
	v9 =	vshll.u32 v9, $0x1  }
0x85: {  	v45 =	vand.u32 $0x2, v39;
	v12 =	vand.u32 $0xFFFFFFFC, v39;
	v48 =	vand.u32 $0x2, v41  }
0x86: {  	v50 =	vand.u32 $0xFFFFFFFC, v41;
	v52 =	vand.u32 $0x2, v47;
	v54 =	vand.u32 $0xFFFFFFFC, v47  }
0x87: {  	v56 =	vand.u32 $0x2, v51;
	v60 =	vand.u32 $0xFFFFFFFC, v51;
	v61 =	vshll.u32 v51, $0x1  }
0x88: {  	vm0 =	veq.s32 v5, $0x0;
	v3 =	vand.u32 $0x2, v3;
	vm9 =	veq.s32 v8, $0x0  }
0x89: {  	vm10 =	veq.s32 v37, $0x0;
	v4 =	vand.u32 $0x2, v4;
	v6 =	vand.u32 $0x2, v6  }
0x8a: {  	vm11 =	veq.s32 v11, $0x0;
	v46 =	vand.u32 $0x2, v9;
	vm12 =	veq.s32 v45, $0x0  }
0x8b: {  	vm13 =	veq.s32 v48, $0x0;
	vm14 =	veq.s32 v52, $0x0;
	v9 =	vshll.u32 v47, $0x1  }
0x8c: {  	vm15 =	veq.s32 v56, $0x0;
	v63 =	vand.u32 $0x2, v61;
	v5 =	vsel vm0, $0x0, v2  }
0x8d: {  	v36 =	vsel vm9, $0x0, v2;
	v40 =	vsel vm10, $0x0, v2;
	v43 =	vsel vm11, $0x0, v2  }
0x8e: {  	v11 =	vsel vm12, $0x0, v2;
	v49 =	vsel vm13, $0x0, v2;
	v53 =	vsel vm14, $0x0, v2  }
0x8f: {  	v9 =	vand.u32 $0x2, v9;
	v59 =	vsel vm15, $0x0, v2;
	v5 =	vadd.s32 v7, v5  }
0x90: {  	v8 =	vadd.s32 v10, v40;
	v7 =	vshll.u32 v39, $0x1;
	v11 =	vadd.s32 v12, v11  }
0x91: {  	v10 =	vshll.u32 v41, $0x1;
	v3 =	vor.u32 v3, v5;
	v5 =	vadd.s32 v38, v36  }
0x92: {  	v42 =	vor.u32 v6, v8;
	v6 =	vadd.s32 v44, v43;
	v3 =	vor.u32 v0, v3  }
0x93: {  	v7 =	vand.u32 $0x2, v7;
	v4 =	vor.u32 v4, v5;
	v55 =	vor.u32 v0, v42;
	[tilespmem:$0x0] =	vst v3  }
0x94: {  	v8 =	vadd.s32 v50, v49;
	v6 =	vor.u32 v46, v6;
	v4 =	vor.u32 v0, v4;
	[tilespmem:$0x20] =	vst v55  }
0x95: {  	v10 =	vand.u32 $0x2, v10;
	v7 =	vor.u32 v7, v11;
	v57 =	vor.u32 v0, v6;
	[tilespmem:$0x10] =	vst v4  }
0x96: {  	v8 =	vor.u32 v10, v8;
	v3 =	vadd.s32 v54, v53;
	v58 =	vor.u32 v0, v7;
	[tilespmem:$0x30] =	vst v57  }
0x97: {  	v62 =	vor.u32 v0, v8;
	v3 =	vor.u32 v9, v3;
	[tilespmem:$0x40] =	vst v58;
	v4 =	vadd.s32 v60, v59  }
0x98: {  	[tilespmem:$0x50] =	vst v62;
	v3 =	vor.u32 v0, v3;
	v4 =	vor.u32 v63, v4  }
0x99: {  	[tilespmem:$0x60] =	vst v3;
	v3 =	vor.u32 v0, v4  }
0x9a: {  	s3 =	simm.s32 $0x0;
	s9 =	simm.s32 $0x600;
	[tilespmem:$0x70] =	vst v3  }
0x9b: {  	[tilespmem:s9], [sflag:$0x7] =	stream.indirect.gather [hbm4b:s4+s8], $0x20, s3, s8, $0xb8;
	[tilespmem:$0x1F6A0] =	vst v63  }
.LBB2_8:
0x9c: {  	p2 =	seq.s32 s6, $0x0  }
0x9d: {  	s3 =	simm.s32 @!p2 $0xB  }
0x9e: {  	_ =	swait.ge @!p2 [sflag:s3], $0x1000  }
0x9f: {  	s24 =	simm.s32 @!p2 $0x80;
	[sflag:s3] =	ssyncset.done @!p2 $0x0  }
0xa0: {  	s20 =	simm.s32 @!p2 $0x4600;
	[sflag:s3] =	ssyncadd.s32 @!p2 $0xFFFFF000;
	s3 =	simm.s32 @!p2 $0x480  }
0xa1: {  	[spmem:s1] =	stream.indirect.scatter.add.f32 @!p2 [tilespmem:s20], [sflag:$0x11], $0x20, s3, s24, $0xb8;
	[tilespmem:$0x1F6A0] =	vst v63  }
0xa2: {  	s3 =	simm.s32 @!p2 $0xF  }
0xa3: {  	s20 =	sadd.s32 @!p2 $0x2, s6;
	_ =	swait.ge @!p2 [sflag:s3], $0x1000  }
0xa4: {  	p3 =	sge.u32 @!p2 s20, s5;
	[sflag:s3] =	ssyncset.done @!p2 $0x0  }
0xa5: {  	p3 =	por p3, p2;
	[sflag:s3] =	ssyncadd.s32 @!p2 $0xFFFFF000  }
0xa6: {  	s3 =	sadd.s32 @!p3 $0xFFFFFF60, s19;
	s20 =	simm.s32 @!p3 $0x0;
	s9 =	simm.s32 @!p3 $0x200  }
0xa7: {  	[tilespmem:s9], [sflag:$0x3] =	stream.linear.gather @!p3 [hbm4b:s3+s20], $0x100, $0x38;
	[tilespmem:$0x1F6A0] =	vst v63  }
0xa8: {  	p3 =	sge.u32 s6, s25  }
.Ltmp7:
0xa9: {  	_ = 	snop;
	(pc) =	sbr.rel @p3 .LBB2_10-.Ltmp7, $1  }
0xaa: {  	_ =	sdelay $0x3  }
0xab: {  	_ =	swait.ge [sflag:s10], $0x100  }
0xac: {  	[sflag:s10] =	ssyncset.done $0x0  }
0xad: {  	[sflag:s10] =	ssyncadd.s32 $0xFFFFFF00  }
0xae: {  	v3 =	vld [tilespmem:$0x100]  }
0xaf: {  	v4 =	vld [tilespmem:$0x110]  }
0xb0: {  	v6 =	vld [tilespmem:$0x120]  }
0xb1: {  	v9 =	vld [tilespmem:$0x130]  }
0xb2: {  	v39 =	vld [tilespmem:$0x140]  }
0xb3: {  	v41 =	vld [tilespmem:$0x150]  }
0xb4: {  	v47 =	vld [tilespmem:$0x160];
	v5 =	vand.u32 $0x2, v3;
	v7 =	vand.u32 $0xFFFFFFFC, v3;
	v3 =	vshll.u32 v3, $0x1  }
0xb5: {  	v51 =	vld [tilespmem:$0x170];
	v8 =	vand.u32 $0x2, v4;
	v37 =	vand.u32 $0x2, v6;
	v38 =	vand.u32 $0xFFFFFFFC, v4  }
0xb6: {  	v4 =	vshll.u32 v4, $0x1;
	v10 =	vand.u32 $0xFFFFFFFC, v6;
	v6 =	vshll.u32 v6, $0x1  }
0xb7: {  	v11 =	vand.u32 $0x2, v9;
	v44 =	vand.u32 $0xFFFFFFFC, v9;
	v9 =	vshll.u32 v9, $0x1  }
0xb8: {  	v45 =	vand.u32 $0x2, v39;
	v12 =	vand.u32 $0xFFFFFFFC, v39;
	v48 =	vand.u32 $0x2, v41  }
0xb9: {  	v50 =	vand.u32 $0xFFFFFFFC, v41;
	v52 =	vand.u32 $0x2, v47;
	v54 =	vand.u32 $0xFFFFFFFC, v47  }
0xba: {  	v56 =	vand.u32 $0x2, v51;
	v60 =	vand.u32 $0xFFFFFFFC, v51;
	v61 =	vshll.u32 v51, $0x1  }
0xbb: {  	vm0 =	veq.s32 v5, $0x0;
	v3 =	vand.u32 $0x2, v3;
	vm9 =	veq.s32 v8, $0x0  }
0xbc: {  	vm10 =	veq.s32 v37, $0x0;
	v4 =	vand.u32 $0x2, v4;
	v6 =	vand.u32 $0x2, v6  }
0xbd: {  	vm11 =	veq.s32 v11, $0x0;
	v46 =	vand.u32 $0x2, v9;
	vm12 =	veq.s32 v45, $0x0  }
0xbe: {  	vm13 =	veq.s32 v48, $0x0;
	vm14 =	veq.s32 v52, $0x0;
	v9 =	vshll.u32 v47, $0x1  }
0xbf: {  	vm15 =	veq.s32 v56, $0x0;
	v63 =	vand.u32 $0x2, v61;
	v5 =	vsel vm0, $0x0, v2  }
0xc0: {  	v36 =	vsel vm9, $0x0, v2;
	v40 =	vsel vm10, $0x0, v2;
	v43 =	vsel vm11, $0x0, v2  }
0xc1: {  	v11 =	vsel vm12, $0x0, v2;
	v49 =	vsel vm13, $0x0, v2;
	v53 =	vsel vm14, $0x0, v2  }
0xc2: {  	v9 =	vand.u32 $0x2, v9;
	v59 =	vsel vm15, $0x0, v2;
	v5 =	vadd.s32 v7, v5  }
0xc3: {  	v8 =	vadd.s32 v10, v40;
	v7 =	vshll.u32 v39, $0x1;
	v11 =	vadd.s32 v12, v11  }
0xc4: {  	v10 =	vshll.u32 v41, $0x1;
	v3 =	vor.u32 v3, v5;
	v5 =	vadd.s32 v38, v36  }
0xc5: {  	v42 =	vor.u32 v6, v8;
	v6 =	vadd.s32 v44, v43;
	v3 =	vor.u32 v0, v3  }
0xc6: {  	v7 =	vand.u32 $0x2, v7;
	v4 =	vor.u32 v4, v5;
	v55 =	vor.u32 v0, v42;
	[tilespmem:$0x100] =	vst v3  }
0xc7: {  	v8 =	vadd.s32 v50, v49;
	v6 =	vor.u32 v46, v6;
	v4 =	vor.u32 v0, v4;
	[tilespmem:$0x120] =	vst v55  }
0xc8: {  	v10 =	vand.u32 $0x2, v10;
	v7 =	vor.u32 v7, v11;
	v57 =	vor.u32 v0, v6;
	[tilespmem:$0x110] =	vst v4  }
0xc9: {  	v8 =	vor.u32 v10, v8;
	v3 =	vadd.s32 v54, v53;
	v58 =	vor.u32 v0, v7;
	[tilespmem:$0x130] =	vst v57  }
0xca: {  	v62 =	vor.u32 v0, v8;
	v3 =	vor.u32 v9, v3;
	[tilespmem:$0x140] =	vst v58;
	v4 =	vadd.s32 v60, v59  }
0xcb: {  	[tilespmem:$0x150] =	vst v62;
	v3 =	vor.u32 v0, v3;
	v4 =	vor.u32 v63, v4  }
0xcc: {  	[tilespmem:$0x160] =	vst v3;
	v3 =	vor.u32 v0, v4  }
0xcd: {  	[tilespmem:$0x170] =	vst v3  }
0xce: {  	[tilespmem:s11], [sflag:$0x8] =	stream.indirect.gather [hbm4b:s4+s8], $0x20, s28, s8, $0xb8;
	[tilespmem:$0x1F6A0] =	vst v63  }
.LBB2_10:
0xcf: {  	s3 =	simm.s32 @!p2 $0xC  }
0xd0: {  	_ =	swait.ge @!p2 [sflag:s3], $0x1000  }
0xd1: {  	[sflag:s3] =	ssyncset.done @!p2 $0x0  }
0xd2: {  	s9 =	simm.s32 @!p2 $0x5600;
	[sflag:s3] =	ssyncadd.s32 @!p2 $0xFFFFF000;
	s3 =	simm.s32 @!p2 $0x580  }
0xd3: {  	[spmem:s1] =	stream.indirect.scatter.add.f32 @!p2 [tilespmem:s9], [sflag:$0x12], $0x20, s3, s24, $0xb8;
	[tilespmem:$0x1F6A0] =	vst v63  }
0xd4: {  	s3 =	simm.s32 @!p2 $0x10  }
0xd5: {  	s9 =	sadd.s32 @!p2 $0x3, s6;
	_ =	swait.ge @!p2 [sflag:s3], $0x1000  }
0xd6: {  	p3 =	sge.u32 @!p2 s9, s5;
	[sflag:s3] =	ssyncset.done @!p2 $0x0  }
0xd7: {  	p3 =	por p3, p2;
	[sflag:s3] =	ssyncadd.s32 @!p2 $0xFFFFF000  }
0xd8: {  	s3 =	sadd.s32 @!p3 $0xFFFFFF80, s19;
	s9 =	simm.s32 @!p3 $0x0;
	s20 =	simm.s32 @!p3 $0x300  }
0xd9: {  	[tilespmem:s20], [sflag:$0x4] =	stream.linear.gather @!p3 [hbm4b:s3+s9], $0x100, $0x38;
	[tilespmem:$0x1F6A0] =	vst v63  }
0xda: {  	p3 =	sge.u32 s6, s26  }
.Ltmp8:
0xdb: {  	_ = 	snop;
	(pc) =	sbr.rel @p3 .LBB2_12-.Ltmp8, $1  }
0xdc: {  	_ =	sdelay $0x3  }
0xdd: {  	_ =	swait.ge [sflag:s13], $0x100  }
0xde: {  	[sflag:s13] =	ssyncset.done $0x0  }
0xdf: {  	[sflag:s13] =	ssyncadd.s32 $0xFFFFFF00  }
0xe0: {  	v3 =	vld [tilespmem:$0x200]  }
0xe1: {  	v4 =	vld [tilespmem:$0x210]  }
0xe2: {  	v6 =	vld [tilespmem:$0x220]  }
0xe3: {  	v9 =	vld [tilespmem:$0x230]  }
0xe4: {  	v39 =	vld [tilespmem:$0x240]  }
0xe5: {  	v41 =	vld [tilespmem:$0x250]  }
0xe6: {  	v47 =	vld [tilespmem:$0x260];
	v5 =	vand.u32 $0x2, v3;
	v7 =	vand.u32 $0xFFFFFFFC, v3;
	v3 =	vshll.u32 v3, $0x1  }
0xe7: {  	v51 =	vld [tilespmem:$0x270];
	v8 =	vand.u32 $0x2, v4;
	v37 =	vand.u32 $0x2, v6;
	v38 =	vand.u32 $0xFFFFFFFC, v4  }
0xe8: {  	v4 =	vshll.u32 v4, $0x1;
	v10 =	vand.u32 $0xFFFFFFFC, v6;
	v6 =	vshll.u32 v6, $0x1  }
0xe9: {  	v11 =	vand.u32 $0x2, v9;
	v44 =	vand.u32 $0xFFFFFFFC, v9;
	v9 =	vshll.u32 v9, $0x1  }
0xea: {  	v45 =	vand.u32 $0x2, v39;
	v12 =	vand.u32 $0xFFFFFFFC, v39;
	v48 =	vand.u32 $0x2, v41  }
0xeb: {  	v50 =	vand.u32 $0xFFFFFFFC, v41;
	v52 =	vand.u32 $0x2, v47;
	v54 =	vand.u32 $0xFFFFFFFC, v47  }
0xec: {  	v56 =	vand.u32 $0x2, v51;
	v60 =	vand.u32 $0xFFFFFFFC, v51;
	v61 =	vshll.u32 v51, $0x1  }
0xed: {  	vm0 =	veq.s32 v5, $0x0;
	v3 =	vand.u32 $0x2, v3;
	vm9 =	veq.s32 v8, $0x0  }
0xee: {  	vm10 =	veq.s32 v37, $0x0;
	v4 =	vand.u32 $0x2, v4;
	v6 =	vand.u32 $0x2, v6  }
0xef: {  	vm11 =	veq.s32 v11, $0x0;
	v46 =	vand.u32 $0x2, v9;
	vm12 =	veq.s32 v45, $0x0  }
0xf0: {  	vm13 =	veq.s32 v48, $0x0;
	vm14 =	veq.s32 v52, $0x0;
	v9 =	vshll.u32 v47, $0x1  }
0xf1: {  	vm15 =	veq.s32 v56, $0x0;
	v63 =	vand.u32 $0x2, v61;
	v5 =	vsel vm0, $0x0, v2  }
0xf2: {  	v36 =	vsel vm9, $0x0, v2;
	v40 =	vsel vm10, $0x0, v2;
	v43 =	vsel vm11, $0x0, v2  }
0xf3: {  	v11 =	vsel vm12, $0x0, v2;
	v49 =	vsel vm13, $0x0, v2;
	v53 =	vsel vm14, $0x0, v2  }
0xf4: {  	v9 =	vand.u32 $0x2, v9;
	v59 =	vsel vm15, $0x0, v2;
	v5 =	vadd.s32 v7, v5  }
0xf5: {  	v8 =	vadd.s32 v10, v40;
	v7 =	vshll.u32 v39, $0x1;
	v11 =	vadd.s32 v12, v11  }
0xf6: {  	v10 =	vshll.u32 v41, $0x1;
	v3 =	vor.u32 v3, v5;
	v5 =	vadd.s32 v38, v36  }
0xf7: {  	v42 =	vor.u32 v6, v8;
	v6 =	vadd.s32 v44, v43;
	v3 =	vor.u32 v0, v3  }
0xf8: {  	v7 =	vand.u32 $0x2, v7;
	v4 =	vor.u32 v4, v5;
	v55 =	vor.u32 v0, v42;
	[tilespmem:$0x200] =	vst v3  }
0xf9: {  	v8 =	vadd.s32 v50, v49;
	v6 =	vor.u32 v46, v6;
	v4 =	vor.u32 v0, v4;
	[tilespmem:$0x220] =	vst v55  }
0xfa: {  	v10 =	vand.u32 $0x2, v10;
	v7 =	vor.u32 v7, v11;
	v57 =	vor.u32 v0, v6;
	[tilespmem:$0x210] =	vst v4  }
0xfb: {  	v8 =	vor.u32 v10, v8;
	v3 =	vadd.s32 v54, v53;
	v58 =	vor.u32 v0, v7;
	[tilespmem:$0x230] =	vst v57  }
0xfc: {  	v62 =	vor.u32 v0, v8;
	v3 =	vor.u32 v9, v3;
	[tilespmem:$0x240] =	vst v58;
	v4 =	vadd.s32 v60, v59  }
0xfd: {  	[tilespmem:$0x250] =	vst v62;
	v3 =	vor.u32 v0, v3;
	v4 =	vor.u32 v63, v4  }
0xfe: {  	[tilespmem:$0x260] =	vst v3;
	v3 =	vor.u32 v0, v4  }
0xff: {  	[tilespmem:$0x270] =	vst v3  }
0x100: {  	[tilespmem:s14], [sflag:$0x9] =	stream.indirect.gather [hbm4b:s4+s8], $0x20, s29, s8, $0xb8;
	[tilespmem:$0x1F6A0] =	vst v63  }
.LBB2_12:
0x101: {  	s3 =	simm.s32 @!p1 $0x7  }
0x102: {  	_ =	swait.ge @!p1 [sflag:s3], $0x1000  }
0x103: {  	[sflag:s3] =	ssyncset.done @!p1 $0x0  }
0x104: {  	s9 =	simm.s32 @!p1 $0x600;
	[sflag:s3] =	ssyncadd.s32 @!p1 $0xFFFFF000;
	s3 =	simm.s32 @!p1 $0x80  }
0x105: {  	[spmem:s1] =	stream.indirect.scatter.add.f32 @!p1 [tilespmem:s9], [sflag:$0xD], $0x20, s3, s3, $0xb8;
	[tilespmem:$0x1F6A0] =	vst v63  }
0x106: {  	s3 =	simm.s32 @!p2 $0x11  }
0x107: {  	s9 =	sadd.s32 @!p2 $0x4, s6;
	_ =	swait.ge @!p2 [sflag:s3], $0x1000  }
0x108: {  	p3 =	sge.u32 @!p2 s9, s5;
	[sflag:s3] =	ssyncset.done @!p2 $0x0  }
0x109: {  	s24 =	sadd.s32 $0x3, s6;
	p3 =	por p3, p2;
	[sflag:s3] =	ssyncadd.s32 @!p2 $0xFFFFF000  }
0x10a: {  	s3 =	sadd.s32 @!p3 $0xFFFFFFA0, s19;
	s9 =	simm.s32 @!p3 $0x0;
	s20 =	simm.s32 @!p3 $0x400  }
0x10b: {  	[tilespmem:s20], [sflag:$0x5] =	stream.linear.gather @!p3 [hbm4b:s3+s9], $0x100, $0x38;
	[tilespmem:$0x1F6A0] =	vst v63  }
0x10c: {  	p3 =	sge.u32 s24, s5  }
.Ltmp9:
0x10d: {  	_ = 	snop;
	(pc) =	sbr.rel @p3 .LBB2_14-.Ltmp9, $1  }
0x10e: {  	_ =	sdelay $0x3  }
0x10f: {  	_ =	swait.ge [sflag:s15], $0x100  }
0x110: {  	[sflag:s15] =	ssyncset.done $0x0  }
0x111: {  	[sflag:s15] =	ssyncadd.s32 $0xFFFFFF00  }
0x112: {  	v3 =	vld [tilespmem:$0x300]  }
0x113: {  	v4 =	vld [tilespmem:$0x310]  }
0x114: {  	v6 =	vld [tilespmem:$0x320]  }
0x115: {  	v9 =	vld [tilespmem:$0x330]  }
0x116: {  	v39 =	vld [tilespmem:$0x340]  }
0x117: {  	v41 =	vld [tilespmem:$0x350]  }
0x118: {  	v47 =	vld [tilespmem:$0x360];
	v5 =	vand.u32 $0x2, v3;
	v7 =	vand.u32 $0xFFFFFFFC, v3;
	v3 =	vshll.u32 v3, $0x1  }
0x119: {  	v51 =	vld [tilespmem:$0x370];
	v8 =	vand.u32 $0x2, v4;
	v37 =	vand.u32 $0x2, v6;
	v38 =	vand.u32 $0xFFFFFFFC, v4  }
0x11a: {  	v4 =	vshll.u32 v4, $0x1;
	v10 =	vand.u32 $0xFFFFFFFC, v6;
	v6 =	vshll.u32 v6, $0x1  }
0x11b: {  	v11 =	vand.u32 $0x2, v9;
	v44 =	vand.u32 $0xFFFFFFFC, v9;
	v9 =	vshll.u32 v9, $0x1  }
0x11c: {  	v45 =	vand.u32 $0x2, v39;
	v12 =	vand.u32 $0xFFFFFFFC, v39;
	v48 =	vand.u32 $0x2, v41  }
0x11d: {  	v50 =	vand.u32 $0xFFFFFFFC, v41;
	v52 =	vand.u32 $0x2, v47;
	v54 =	vand.u32 $0xFFFFFFFC, v47  }
0x11e: {  	v56 =	vand.u32 $0x2, v51;
	v60 =	vand.u32 $0xFFFFFFFC, v51;
	v61 =	vshll.u32 v51, $0x1  }
0x11f: {  	vm0 =	veq.s32 v5, $0x0;
	v3 =	vand.u32 $0x2, v3;
	vm9 =	veq.s32 v8, $0x0  }
0x120: {  	vm10 =	veq.s32 v37, $0x0;
	v4 =	vand.u32 $0x2, v4;
	v6 =	vand.u32 $0x2, v6  }
0x121: {  	vm11 =	veq.s32 v11, $0x0;
	v46 =	vand.u32 $0x2, v9;
	vm12 =	veq.s32 v45, $0x0  }
0x122: {  	vm13 =	veq.s32 v48, $0x0;
	vm14 =	veq.s32 v52, $0x0;
	v9 =	vshll.u32 v47, $0x1  }
0x123: {  	vm15 =	veq.s32 v56, $0x0;
	v63 =	vand.u32 $0x2, v61;
	v5 =	vsel vm0, $0x0, v2  }
0x124: {  	v36 =	vsel vm9, $0x0, v2;
	v40 =	vsel vm10, $0x0, v2;
	v43 =	vsel vm11, $0x0, v2  }
0x125: {  	v11 =	vsel vm12, $0x0, v2;
	v49 =	vsel vm13, $0x0, v2;
	v53 =	vsel vm14, $0x0, v2  }
0x126: {  	v9 =	vand.u32 $0x2, v9;
	v59 =	vsel vm15, $0x0, v2;
	v5 =	vadd.s32 v7, v5  }
0x127: {  	v8 =	vadd.s32 v10, v40;
	v7 =	vshll.u32 v39, $0x1;
	v11 =	vadd.s32 v12, v11  }
0x128: {  	v10 =	vshll.u32 v41, $0x1;
	v3 =	vor.u32 v3, v5;
	v5 =	vadd.s32 v38, v36  }
0x129: {  	v42 =	vor.u32 v6, v8;
	v6 =	vadd.s32 v44, v43;
	v3 =	vor.u32 v0, v3  }
0x12a: {  	v7 =	vand.u32 $0x2, v7;
	v4 =	vor.u32 v4, v5;
	v55 =	vor.u32 v0, v42;
	[tilespmem:$0x300] =	vst v3  }
0x12b: {  	v8 =	vadd.s32 v50, v49;
	v6 =	vor.u32 v46, v6;
	v4 =	vor.u32 v0, v4;
	[tilespmem:$0x320] =	vst v55  }
0x12c: {  	v10 =	vand.u32 $0x2, v10;
	v7 =	vor.u32 v7, v11;
	v57 =	vor.u32 v0, v6;
	[tilespmem:$0x310] =	vst v4  }
0x12d: {  	v8 =	vor.u32 v10, v8;
	v3 =	vadd.s32 v54, v53;
	v58 =	vor.u32 v0, v7;
	[tilespmem:$0x330] =	vst v57  }
0x12e: {  	v62 =	vor.u32 v0, v8;
	v3 =	vor.u32 v9, v3;
	[tilespmem:$0x340] =	vst v58;
	v4 =	vadd.s32 v60, v59  }
0x12f: {  	[tilespmem:$0x350] =	vst v62;
	v3 =	vor.u32 v0, v3;
	v4 =	vor.u32 v63, v4  }
0x130: {  	[tilespmem:$0x360] =	vst v3;
	v3 =	vor.u32 v0, v4  }
0x131: {  	[tilespmem:$0x370] =	vst v3  }
0x132: {  	[tilespmem:s16], [sflag:$0xA] =	stream.indirect.gather [hbm4b:s4+s8], $0x20, s30, s8, $0xb8;
	[tilespmem:$0x1F6A0] =	vst v63  }
.LBB2_14:
0x133: {  	p3 =	sge.u32 s24, s12  }
0x134: {  	s3 =	simm.s32 @!p3 $0x8  }
0x135: {  	_ =	swait.ge @!p3 [sflag:s3], $0x1000  }
0x136: {  	s9 =	simm.s32 @!p3 $0x180;
	[sflag:s3] =	ssyncset.done @!p3 $0x0  }
0x137: {  	s20 =	simm.s32 @!p3 $0x1600;
	[sflag:s3] =	ssyncadd.s32 @!p3 $0xFFFFF000;
	s3 =	simm.s32 @!p3 $0x80  }
0x138: {  	[spmem:s1] =	stream.indirect.scatter.add.f32 @!p3 [tilespmem:s20], [sflag:$0xE], $0x20, s9, s3, $0xb8;
	[tilespmem:$0x1F6A0] =	vst v63  }
0x139: {  	s3 =	simm.s32 @!p2 $0x12  }
0x13a: {  	s9 =	sadd.s32 @!p2 $0x5, s6;
	_ =	swait.ge @!p2 [sflag:s3], $0x1000  }
0x13b: {  	p3 =	sge.u32 @!p2 s9, s5;
	[sflag:s3] =	ssyncset.done @!p2 $0x0  }
0x13c: {  	s24 =	sadd.s32 $0x4, s6;
	[sflag:s3] =	ssyncadd.s32 @!p2 $0xFFFFF000;
	p2 =	por p3, p2  }
0x13d: {  	s3 =	sadd.s32 @!p2 $0xFFFFFFC0, s19;
	s9 =	simm.s32 @!p2 $0x0;
	s20 =	simm.s32 @!p2 $0x500  }
0x13e: {  	[tilespmem:s20], [sflag:$0x6] =	stream.linear.gather @!p2 [hbm4b:s3+s9], $0x100, $0x38;
	[tilespmem:$0x1F6A0] =	vst v63  }
0x13f: {  	p2 =	sge.u32 s24, s5  }
.Ltmp10:
0x140: {  	_ = 	snop;
	(pc) =	sbr.rel @p2 .LBB2_16-.Ltmp10, $1  }
0x141: {  	_ =	sdelay $0x3  }
0x142: {  	_ =	swait.ge [sflag:s18], $0x100  }
0x143: {  	[sflag:s18] =	ssyncset.done $0x0  }
0x144: {  	[sflag:s18] =	ssyncadd.s32 $0xFFFFFF00  }
0x145: {  	v3 =	vld [tilespmem:$0x400]  }
0x146: {  	v4 =	vld [tilespmem:$0x410]  }
0x147: {  	v6 =	vld [tilespmem:$0x420]  }
0x148: {  	v9 =	vld [tilespmem:$0x430]  }
0x149: {  	v39 =	vld [tilespmem:$0x440]  }
0x14a: {  	v41 =	vld [tilespmem:$0x450]  }
0x14b: {  	v47 =	vld [tilespmem:$0x460];
	v5 =	vand.u32 $0x2, v3;
	v7 =	vand.u32 $0xFFFFFFFC, v3;
	v3 =	vshll.u32 v3, $0x1  }
0x14c: {  	v51 =	vld [tilespmem:$0x470];
	v8 =	vand.u32 $0x2, v4;
	v37 =	vand.u32 $0x2, v6;
	v38 =	vand.u32 $0xFFFFFFFC, v4  }
0x14d: {  	v4 =	vshll.u32 v4, $0x1;
	v10 =	vand.u32 $0xFFFFFFFC, v6;
	v6 =	vshll.u32 v6, $0x1  }
0x14e: {  	v11 =	vand.u32 $0x2, v9;
	v44 =	vand.u32 $0xFFFFFFFC, v9;
	v9 =	vshll.u32 v9, $0x1  }
0x14f: {  	v45 =	vand.u32 $0x2, v39;
	v12 =	vand.u32 $0xFFFFFFFC, v39;
	v48 =	vand.u32 $0x2, v41  }
0x150: {  	v50 =	vand.u32 $0xFFFFFFFC, v41;
	v52 =	vand.u32 $0x2, v47;
	v54 =	vand.u32 $0xFFFFFFFC, v47  }
0x151: {  	v56 =	vand.u32 $0x2, v51;
	v60 =	vand.u32 $0xFFFFFFFC, v51;
	v61 =	vshll.u32 v51, $0x1  }
0x152: {  	vm0 =	veq.s32 v5, $0x0;
	v3 =	vand.u32 $0x2, v3;
	vm9 =	veq.s32 v8, $0x0  }
0x153: {  	vm10 =	veq.s32 v37, $0x0;
	v4 =	vand.u32 $0x2, v4;
	v6 =	vand.u32 $0x2, v6  }
0x154: {  	vm11 =	veq.s32 v11, $0x0;
	v46 =	vand.u32 $0x2, v9;
	vm12 =	veq.s32 v45, $0x0  }
0x155: {  	vm13 =	veq.s32 v48, $0x0;
	vm14 =	veq.s32 v52, $0x0;
	v9 =	vshll.u32 v47, $0x1  }
0x156: {  	vm15 =	veq.s32 v56, $0x0;
	v63 =	vand.u32 $0x2, v61;
	v5 =	vsel vm0, $0x0, v2  }
0x157: {  	v36 =	vsel vm9, $0x0, v2;
	v40 =	vsel vm10, $0x0, v2;
	v43 =	vsel vm11, $0x0, v2  }
0x158: {  	v11 =	vsel vm12, $0x0, v2;
	v49 =	vsel vm13, $0x0, v2;
	v53 =	vsel vm14, $0x0, v2  }
0x159: {  	v9 =	vand.u32 $0x2, v9;
	v59 =	vsel vm15, $0x0, v2;
	v5 =	vadd.s32 v7, v5  }
0x15a: {  	v8 =	vadd.s32 v10, v40;
	v7 =	vshll.u32 v39, $0x1;
	v11 =	vadd.s32 v12, v11  }
0x15b: {  	v10 =	vshll.u32 v41, $0x1;
	v3 =	vor.u32 v3, v5;
	v5 =	vadd.s32 v38, v36  }
0x15c: {  	v42 =	vor.u32 v6, v8;
	v6 =	vadd.s32 v44, v43;
	v3 =	vor.u32 v0, v3  }
0x15d: {  	v7 =	vand.u32 $0x2, v7;
	v4 =	vor.u32 v4, v5;
	v55 =	vor.u32 v0, v42;
	[tilespmem:$0x400] =	vst v3  }
0x15e: {  	v8 =	vadd.s32 v50, v49;
	v6 =	vor.u32 v46, v6;
	v4 =	vor.u32 v0, v4;
	[tilespmem:$0x420] =	vst v55  }
0x15f: {  	v10 =	vand.u32 $0x2, v10;
	v7 =	vor.u32 v7, v11;
	v57 =	vor.u32 v0, v6;
	[tilespmem:$0x410] =	vst v4  }
0x160: {  	v8 =	vor.u32 v10, v8;
	v3 =	vadd.s32 v54, v53;
	v58 =	vor.u32 v0, v7;
	[tilespmem:$0x430] =	vst v57  }
0x161: {  	v62 =	vor.u32 v0, v8;
	v3 =	vor.u32 v9, v3;
	[tilespmem:$0x440] =	vst v58;
	v4 =	vadd.s32 v60, v59  }
0x162: {  	[tilespmem:$0x450] =	vst v62;
	v3 =	vor.u32 v0, v3;
	v4 =	vor.u32 v63, v4  }
0x163: {  	[tilespmem:$0x460] =	vst v3;
	v3 =	vor.u32 v0, v4  }
0x164: {  	[tilespmem:$0x470] =	vst v3  }
0x165: {  	[tilespmem:s21], [sflag:$0xB] =	stream.indirect.gather [hbm4b:s4+s8], $0x20, s31, s8, $0xb8;
	[tilespmem:$0x1F6A0] =	vst v63  }
.LBB2_16:
0x166: {  	p2 =	sge.u32 s24, s12  }
0x167: {  	s3 =	simm.s32 @!p2 $0x9  }
0x168: {  	_ =	swait.ge @!p2 [sflag:s3], $0x1000  }
0x169: {  	s9 =	simm.s32 @!p2 $0x280;
	[sflag:s3] =	ssyncset.done @!p2 $0x0  }
0x16a: {  	s20 =	simm.s32 @!p2 $0x2600;
	[sflag:s3] =	ssyncadd.s32 @!p2 $0xFFFFF000;
	s3 =	simm.s32 @!p2 $0x80  }
0x16b: {  	[spmem:s1] =	stream.indirect.scatter.add.f32 @!p2 [tilespmem:s20], [sflag:$0xF], $0x20, s9, s3, $0xb8;
	[tilespmem:$0x1F6A0] =	vst v63  }
0x16c: {  	s3 =	simm.s32 @!p1 $0xD  }
0x16d: {  	s9 =	sadd.s32 @!p1 $0x6, s6;
	_ =	swait.ge @!p1 [sflag:s3], $0x1000  }
0x16e: {  	s24 =	sadd.s32 $0x5, s6;
	p2 =	sge.u32 @!p1 s9, s5;
	[sflag:s3] =	ssyncset.done @!p1 $0x0  }
0x16f: {  	p2 =	por p2, p1;
	[sflag:s3] =	ssyncadd.s32 @!p1 $0xFFFFF000;
	p1 =	sge.u32 s24, s5  }
.Ltmp11:
0x170: {  	_ = 	snop;
	(pc) =	sbr.rel @p1 .LBB2_18-.Ltmp11, $3  }
0x171: {  	_ =	sdelay $0x1  }
0x172: {  	s3 =	sadd.s32 @!p2 $0xFFFFFFE0, s19;
	s9 =	simm.s32 @!p2 $0x0  }
0x173: {  	[tilespmem:s9], [sflag:$0x1] =	stream.linear.gather @!p2 [hbm4b:s3+s9], $0x100, $0x38;
	[tilespmem:$0x1F6A0] =	vst v63  }
0x174: {  	_ =	swait.ge [sflag:s22], $0x100  }
0x175: {  	[sflag:s22] =	ssyncset.done $0x0  }
0x176: {  	[sflag:s22] =	ssyncadd.s32 $0xFFFFFF00  }
0x177: {  	v3 =	vld [tilespmem:$0x500]  }
0x178: {  	v4 =	vld [tilespmem:$0x510]  }
0x179: {  	v6 =	vld [tilespmem:$0x520]  }
0x17a: {  	v9 =	vld [tilespmem:$0x530]  }
0x17b: {  	v39 =	vld [tilespmem:$0x540]  }
0x17c: {  	v41 =	vld [tilespmem:$0x550]  }
0x17d: {  	v47 =	vld [tilespmem:$0x560];
	v5 =	vand.u32 $0x2, v3;
	v7 =	vand.u32 $0xFFFFFFFC, v3;
	v3 =	vshll.u32 v3, $0x1  }
0x17e: {  	v51 =	vld [tilespmem:$0x570];
	v8 =	vand.u32 $0x2, v4;
	v37 =	vand.u32 $0x2, v6;
	v38 =	vand.u32 $0xFFFFFFFC, v4  }
0x17f: {  	v4 =	vshll.u32 v4, $0x1;
	v10 =	vand.u32 $0xFFFFFFFC, v6;
	v6 =	vshll.u32 v6, $0x1  }
0x180: {  	v11 =	vand.u32 $0x2, v9;
	v44 =	vand.u32 $0xFFFFFFFC, v9;
	v9 =	vshll.u32 v9, $0x1  }
0x181: {  	v45 =	vand.u32 $0x2, v39;
	v12 =	vand.u32 $0xFFFFFFFC, v39;
	v48 =	vand.u32 $0x2, v41  }
0x182: {  	v50 =	vand.u32 $0xFFFFFFFC, v41;
	v52 =	vand.u32 $0x2, v47;
	v54 =	vand.u32 $0xFFFFFFFC, v47  }
0x183: {  	v56 =	vand.u32 $0x2, v51;
	v60 =	vand.u32 $0xFFFFFFFC, v51;
	v61 =	vshll.u32 v51, $0x1  }
0x184: {  	vm0 =	veq.s32 v5, $0x0;
	v3 =	vand.u32 $0x2, v3;
	vm9 =	veq.s32 v8, $0x0  }
0x185: {  	vm10 =	veq.s32 v37, $0x0;
	v4 =	vand.u32 $0x2, v4;
	v6 =	vand.u32 $0x2, v6  }
0x186: {  	vm11 =	veq.s32 v11, $0x0;
	v46 =	vand.u32 $0x2, v9;
	vm12 =	veq.s32 v45, $0x0  }
0x187: {  	vm13 =	veq.s32 v48, $0x0;
	vm14 =	veq.s32 v52, $0x0;
	v9 =	vshll.u32 v47, $0x1  }
0x188: {  	vm15 =	veq.s32 v56, $0x0;
	v63 =	vand.u32 $0x2, v61;
	v5 =	vsel vm0, $0x0, v2  }
0x189: {  	v36 =	vsel vm9, $0x0, v2;
	v40 =	vsel vm10, $0x0, v2;
	v43 =	vsel vm11, $0x0, v2  }
0x18a: {  	v11 =	vsel vm12, $0x0, v2;
	v49 =	vsel vm13, $0x0, v2;
	v53 =	vsel vm14, $0x0, v2  }
0x18b: {  	v9 =	vand.u32 $0x2, v9;
	v59 =	vsel vm15, $0x0, v2;
	v5 =	vadd.s32 v7, v5  }
0x18c: {  	v8 =	vadd.s32 v10, v40;
	v7 =	vshll.u32 v39, $0x1;
	v11 =	vadd.s32 v12, v11  }
0x18d: {  	v10 =	vshll.u32 v41, $0x1;
	v3 =	vor.u32 v3, v5;
	v5 =	vadd.s32 v38, v36  }
0x18e: {  	v42 =	vor.u32 v6, v8;
	v6 =	vadd.s32 v44, v43;
	v3 =	vor.u32 v0, v3  }
0x18f: {  	v7 =	vand.u32 $0x2, v7;
	v4 =	vor.u32 v4, v5;
	v55 =	vor.u32 v0, v42;
	[tilespmem:$0x500] =	vst v3  }
0x190: {  	v8 =	vadd.s32 v50, v49;
	v6 =	vor.u32 v46, v6;
	v4 =	vor.u32 v0, v4;
	[tilespmem:$0x520] =	vst v55  }
0x191: {  	v10 =	vand.u32 $0x2, v10;
	v7 =	vor.u32 v7, v11;
	v57 =	vor.u32 v0, v6;
	[tilespmem:$0x510] =	vst v4  }
0x192: {  	v8 =	vor.u32 v10, v8;
	v3 =	vadd.s32 v54, v53;
	v58 =	vor.u32 v0, v7;
	[tilespmem:$0x530] =	vst v57  }
.Ltmp12:
0x193: {  	v62 =	vor.u32 v0, v8;
	v3 =	vor.u32 v9, v3;
	[tilespmem:$0x540] =	vst v58;
	v4 =	vadd.s32 v60, v59;
	(pc) =	sbr.rel .LBB2_18-.Ltmp12, $4  }
0x194: {  	[tilespmem:$0x550] =	vst v62;
	v3 =	vor.u32 v0, v3;
	v4 =	vor.u32 v63, v4  }
0x195: {  	[tilespmem:$0x560] =	vst v3;
	v3 =	vor.u32 v0, v4  }
0x196: {  	[tilespmem:$0x570] =	vst v3  }
0x197: {  	[tilespmem:s23], [sflag:$0xC] =	stream.indirect.gather [hbm4b:s4+s8], $0x20, s0, s8, $0xb8;
	[tilespmem:$0x1F6A0] =	vst v63  }
.LBB2_20:
0x198: {  	_ =	sfence.sel $0x180000  }
0x199: {  	[bflag:$0x0] =	sbarrier.arrive $0xFFFF  }
0x19a: {  	_ =	strace $0x9000004A  }
0x19b: {  	[bflag:$0x2] =	sbarrier.arrive $0xFFFF  }
0x19c: {  	p0 =	sne.s32 s2, $0x0;
	s0 =	rddreg [dreg:$0x2]  }
0x19d: {  	s0 =	sadd.s32 @!p0 $0x100000, s0  }
0x19e: {  	[sflag:s0] =	ssyncadd.tile.s32 @!p0 $0x1;
	_ =	shalt  }
.Lfunc_end2:
_tile_overlayer_lowered:
.L_overlay_start_2:
0x19f: {  	(tag) =	ssettag $0x2  }
0x1a0: {  	s0 =	rddreg [dreg:$0x0];
	s2 =	stileid.u32  }
0x1a1: {  	s1 =	rddreg [dreg:$0x1];
	p0 =	sne.s32 s2, $0x0  }
0x1a2: {  	s3 =	rddreg [dreg:$0x2];
	[bflag:$0x3] =	sbarrier.arrive $0xFFFF;
	s2 =	simm.s32 @!p0 $0x1C13  }
0x1a3: {  	[timem:s3], [sflag:s2] =	dma.local @!p0 [hbm:s0], s1  }
0x1a4: {  	s0 =	simm.s32 @!p0 $0x13  }
0x1a5: {  	_ =	swait.ge @!p0 [sflag:s0], s1  }
0x1a6: {  	s1 =	ssub.s32 @!p0 $0x0, s1;
	[sflag:s0] =	ssyncset.done @!p0 $0x0  }
0x1a7: {  	[sflag:s0] =	ssyncadd.s32 @!p0 s1  }
0x1a8: {  	[bflag:$0x3] =	sbarrier.arrive $0xFFFF  }
0x1a9: {  	_ =	shalt  }

// kernel: kernel.8.cloned.1.call-start
scs
__scs_entry_jumppad:
0x0: {  	(pc) =	sbr.rel $0x88, $3  }
0x1: {  	(tag) =	ssettag $0x0;
	lr =	simm.s32 $0x1  }
0x2: {  	[smem:$0x3F94] =	sst lr;
	_ =	strace $0xD0000000  }
0x3: {  	_ = 	snop  }
0x4: {  	_ = 	snop  }
0x5: {  	_ = 	snop  }
0x6: {  	_ = 	snop  }
0x7: {  	_ = 	snop  }
__scs_overlays_trampoline_lowered:
0x8: {  	[smem:$0x3FA3] =	sst s0  }
0x9: {  	[smem:$0x3FA4] =	sst s1  }
0xa: {  	[smem:$0x3FA5] =	sst s2  }
0xb: {  	[smem:$0x3FA6] =	sst s3  }
0xc: {  	[smem:$0x3FA7] =	sst s4  }
0xd: {  	[smem:$0x3FA8] =	sst s5  }
0xe: {  	[smem:$0x3FA9] =	sst s6  }
0xf: {  	[smem:$0x3FAA] =	sst s7  }
0x10: {  	[smem:$0x3FAB] =	sst s8  }
0x11: {  	[smem:$0x3FAC] =	sst s9;
	s0 =	simm.s32 @!p0 $0x0  }
0x12: {  	s1 =	sld [smem:$0x3F92];
	s0 =	simm.s32 @p0 $0x1  }
0x13: {  	[smem:$0x3FAD] =	sst s0;
	s0 =	simm.s32 @!p1 $0x0  }
0x14: {  	s2 =	sld [smem:$0x3F91];
	s0 =	simm.s32 @p1 $0x1  }
0x15: {  	[smem:$0x3FAE] =	sst s0;
	s0 =	simm.s32 @!p2 $0x0  }
0x16: {  	s3 =	sld [smem:$0x3FDB];
	s0 =	simm.s32 @p2 $0x1  }
0x17: {  	s4 =	simm.s32 $0x1BF5;
	[smem:$0x3FB0] =	sst s0  }
0x18: {  	s0 =	sld [smem:$0x3F93];
	_ =	swait.ge [sflag:s4], $0x0  }
0x19: {  	s7 =	sld [smem:$0x3F94]  }
0x1a: {  	s8 =	sadd.s32 $0xFFFFE003, lr  }
0x1b: {  	s9 =	sadd.s32 $0xFFFFFEF7, lr;
	s5 =	simm.s32 $0xFFFFFFFF;
	p2 =	slt.u32 s8, $0xFFFFF086  }
0x1c: {  	p1 =	slt.u32 s9, $0xF7A;
	s5 =	simm.s32 @!p2 $0x0  }
0x1d: {  	s5 =	simm.s32 @p1 $0x1;
	p0 =	seq.s32 s7, s2  }
0x1e: {  	s7 =	smul.u32 @!p0 $0xF7A, s2;
	p2 =	seq.s32 @!p0 s5, $0x0  }
0x1f: {  	s9 =	smul.u32 $0xF7A, s1;
	s8 =	simm.s32 @!p0 $0x1BF5;
	p2 =	por !p2, p0  }
0x20: {  	[sflag:s8] =	ssyncset.s32 @!p0 $0xFFFFF086;
	s6 =	sadd.s32 @!p0 s3, s7;
	s7 =	simm.s32 @!p0 $0x108  }
0x21: {  	s3 =	sadd.s32 s3, s9;
	s6 =	sadd.s32 @!p0 $0x88, s6;
	s7 =	simm.s32 @p2 $0x1082  }
0x22: {  	[simem:s7], [sflag:s8] =	dma.local @!p0 [hbm:s6], $0xF7A  }
0x23: {  	s9 =	sor.u32 $0xD0000000, s2;
	s6 =	simm.s32 $0x108;
	_ =	swait.ge @!p0 [sflag:s8], $0x0  }
0x24: {  	s3 =	sadd.s32 $0x88, s3;
	s6 =	simm.s32 @!p1 $0x1082;
	[sflag:s4] =	ssyncset.s32 $0xFFFFF086  }
0x25: {  	[simem:s6], [sflag:s4] =	dma.local [hbm:s3], $0xF7A  }
0x26: {  	[smem:$0x3F94] =	sst s1;
	(tag) =	ssettag s2;
	_ =	strace s9  }
0x27: {  	s1 =	sld [smem:$0x3FA4]  }
0x28: {  	s2 =	sld [smem:$0x3FA5]  }
0x29: {  	s4 =	sld [smem:$0x3FA7]  }
0x2a: {  	p0 =	seq.s32 s5, $0x0;
	s5 =	sld [smem:$0x3FA8]  }
0x2b: {  	s6 =	sld [smem:$0x3FA9]  }
0x2c: {  	s7 =	sld [smem:$0x3FAA]  }
0x2d: {  	s3 =	simm.s32 $0x108;
	s8 =	sld [smem:$0x3FAB]  }
0x2e: {  	s3 =	simm.s32 @!p0 $0x1082;
	s9 =	sld [smem:$0x3FAC]  }
0x2f: {  	lr =	sadd.s32 s0, s3;
	s0 =	sld [smem:$0x3FA3]  }
0x30: {  	s3 =	sld [smem:$0x3FA6]  }
0x31: {  	[smem:$0x3FAF] =	sst s10  }
0x32: {  	s10 =	sld [smem:$0x3FAD];
	_ =	sdelay $0x3  }
0x33: {  	p0 =	seq.s32 s10, $0x1;
	s10 =	sld [smem:$0x3FAF];
	_ =	sdelay $0x3  }
0x34: {  	[smem:$0x3FAF] =	sst s10  }
0x35: {  	s10 =	sld [smem:$0x3FAE];
	_ =	sdelay $0x3  }
0x36: {  	p1 =	seq.s32 s10, $0x1;
	s10 =	sld [smem:$0x3FAF];
	_ =	sdelay $0x3  }
0x37: {  	[smem:$0x3FAF] =	sst s10  }
0x38: {  	s10 =	sld [smem:$0x3FB0]  }
0x39: {  	_ = 	snop;
	(pc) =	sbr.ind lr, $3  }
0x3a: {  	_ = 	snop  }
0x3b: {  	_ = 	snop  }
0x3c: {  	p2 =	seq.s32 s10, $0x1;
	s10 =	sld [smem:$0x3FAF]  }
0x3d: {  	_ =	shalt  }
0x3e: {  	_ =	shalt  }
0x3f: {  	_ =	shalt  }
0x40: {  	_ =	shalt  }
0x41: {  	_ =	shalt  }
0x42: {  	_ =	shalt  }
0x43: {  	_ =	shalt  }
0x44: {  	_ =	shalt  }
0x45: {  	_ =	shalt  }
0x46: {  	_ =	shalt  }
0x47: {  	_ =	shalt  }
0x48: {  	_ =	shalt  }
0x49: {  	_ =	shalt  }
0x4a: {  	_ =	shalt  }
0x4b: {  	_ =	shalt  }
0x4c: {  	_ =	shalt  }
0x4d: {  	_ =	shalt  }
0x4e: {  	_ =	shalt  }
0x4f: {  	_ =	shalt  }
0x50: {  	_ =	shalt  }
0x51: {  	_ =	shalt  }
0x52: {  	_ =	shalt  }
0x53: {  	_ =	shalt  }
0x54: {  	_ =	shalt  }
0x55: {  	_ =	shalt  }
0x56: {  	_ =	shalt  }
0x57: {  	_ =	shalt  }
0x58: {  	_ =	shalt  }
0x59: {  	_ =	shalt  }
0x5a: {  	_ =	shalt  }
0x5b: {  	_ =	shalt  }
0x5c: {  	_ =	shalt  }
0x5d: {  	_ =	shalt  }
0x5e: {  	_ =	shalt  }
0x5f: {  	_ =	shalt  }
0x60: {  	_ =	shalt  }
0x61: {  	_ =	shalt  }
0x62: {  	_ =	shalt  }
0x63: {  	_ =	shalt  }
0x64: {  	_ =	shalt  }
0x65: {  	_ =	shalt  }
0x66: {  	_ =	shalt  }
0x67: {  	_ =	shalt  }
0x68: {  	_ =	shalt  }
0x69: {  	_ =	shalt  }
0x6a: {  	_ =	shalt  }
0x6b: {  	_ =	shalt  }
0x6c: {  	_ =	shalt  }
0x6d: {  	_ =	shalt  }
0x6e: {  	_ =	shalt  }
0x6f: {  	_ =	shalt  }
0x70: {  	_ =	shalt  }
0x71: {  	_ =	shalt  }
0x72: {  	_ =	shalt  }
0x73: {  	_ =	shalt  }
0x74: {  	_ =	shalt  }
0x75: {  	_ =	shalt  }
0x76: {  	_ =	shalt  }
0x77: {  	_ =	shalt  }
0x78: {  	_ =	shalt  }
0x79: {  	_ =	shalt  }
0x7a: {  	_ =	shalt  }
0x7b: {  	_ =	shalt  }
0x7c: {  	_ =	shalt  }
0x7d: {  	_ =	shalt  }
0x7e: {  	_ =	shalt  }
0x7f: {  	_ =	shalt  }
0x80: {  	_ =	shalt  }
0x81: {  	_ =	shalt  }
0x82: {  	_ =	shalt  }
0x83: {  	_ =	shalt  }
0x84: {  	_ =	shalt  }
0x85: {  	_ =	shalt  }
0x86: {  	_ =	shalt  }
0x87: {  	_ =	shalt  }
.Lfunc_end0:
.L_simem_size_0:
called_computation_lowered:
.L_overlay_start_0:
0x88: {  	s2 =	sld [smem:$0x3FD9]  }
0x89: {  	s3 =	sld [smem:$0x3FFE];
	_ =	sdelay $0x1  }
0x8a: {  	s1 =	srdreg.scid  }
0x8b: {  	s0 =	sand.u32 $0x1, s1  }
0x8c: {  	s16 =	sshll.u32 s0, $0xA;
	s2 =	sadd.s32 s3, s2  }
0x8d: {  	s2 =	sadd.s32 s2, s16  }
0x8e: {  	[smem:$0x3FBB] =	sst s2  }
0x8f: {  	_ = 	snop  }
0x90: {  	(tm) =	ssettm $0x1  }
0x91: {  	s17 =	sld [smem:$0x3FFB];
	_ =	sdelay $0x3  }
0x92: {  	_ =	strace s17  }
0x93: {  	s2 =	sld [smem:$0x3FFC];
	_ =	sdelay $0x3  }
0x94: {  	_ =	strace s2  }
0x95: {  	s2 =	sld [smem:$0x3FFD];
	_ =	sdelay $0x3  }
0x96: {  	_ =	strace s2  }
0x97: {  	_ =	strace $0x8FFFFFFF  }
0x98: {  	s18 =	sld [smem:$0x3FDB];
	_ =	sdelay $0x1  }
0x99: {  	s19 =	simm.s32 $_scs_section_size  }
0x9a: {  	s4 =	simm.s32 $_size__tile_overlayer_lowered;
	s5 =	simm.s32 $_tile_overlayer_lowered  }
0x9b: {  	s22 =	simm.s32 $0x1BFF;
	s21 =	sshll.u32 s5, $0x1;
	s2 =	sadd.s32 s19, s18  }
0x9c: {  	s6 =	simm.s32 $0x0;
	s20 =	sshll.u32 s4, $0x1;
	s4 =	sadd.s32 s21, s2  }
0x9d: {  	[timem:s6], [sflag:s22] =	dma.local [hbm:s4], s20  }
0x9e: {  	_ =	swait.ge [sflag:s22], s20  }
0x9f: {  	s3 =	ssub.s32 $0x0, s20;
	[sflag:s22] =	ssyncset.done $0x0  }
0xa0: {  	[sflag:s22] =	ssyncadd.s32 s3;
	_ =	sdelay $0x1  }
0xa1: {  	s23 =	simm.s32 $0x1B8B  }
0xa2: {  	_ =	swait.ge [sflag:s23], $0x1  }
0xa3: {  	[sflag:s23] =	ssyncset.done $0x0  }
0xa4: {  	s25 =	simm.s32 $0x1B8E;
	s24 =	sld [smem:$0x3FFE];
	[sflag:s23] =	ssyncadd.s32 $0xFFFFFFFF  }
0xa5: {  	s26 =	simm.s32 $execute0_lowered;
	[smem:$0x3FD2] =	sst s25  }
0xa6: {  	s4 =	sshll.u32 s26, $0x1;
	_ =	strace $0x80000046;
	[dreg:$0x1] =	wrdreg $0xFFFFFFFF  }
0xa7: {  	s28 =	simm.s32 $_size_execute0_lowered;
	s2 =	sadd.s32 s2, s4;
	[dreg:$0x0] =	wrdreg $0x0  }
0xa8: {  	s4 =	sshll.u32 s28, $0x1;
	[dreg:$0x2] =	wrdreg s2  }
0xa9: {  	[dreg:$0x3] =	wrdreg s4  }
0xaa: {  	[dreg:$0x4] =	wrdreg $0xC0  }
0xab: {  	_ =	task [dreg:s6], $0x5FFFF  }
0xac: {  	[dreg:$0x1] =	wrdreg $0xFFFFFFFF  }
0xad: {  	[dreg:$0x0] =	wrdreg $0x60  }
0xae: {  	[dreg:$0x2] =	wrdreg s24  }
0xaf: {  	[dreg:$0x3] =	wrdreg $0x70000  }
0xb0: {  	[dreg:$0x4] =	wrdreg $0x9  }
0xb1: {  	_ =	task.clear_ibuf [dreg:s6], $0x5FFFF;
	_ =	strace $0x90000046  }
0xb2: {  	s29 =	simm.s32 $0x9;
	_ =	strace $0x80000048  }
0xb3: {  	_ =	swait.ge [sflag:s29], $0x1  }
0xb4: {  	[sflag:s29] =	ssyncadd.s32 $0xFFFFFFFF  }
0xb5: {  	_ =	strace $0x90000048  }
0xb6: {  	_ =	sfence  }
0xb7: {  	s30 =	sld [smem:$0x0];
	_ =	sdelay $0x2  }
0xb8: {  	s31 =	sshll.u32 s1, $0xD;
	s1 =	sshrl.u32 s1, $0x2  }
0xb9: {  	s3 =	sand.u32 $0x4000, s31;
	s1 =	sadd.s32 s1, s30  }
0xba: {  	s0 =	sor.u32 s3, s0;
	s1 =	sshll.u32 s1, $0x11  }
0xbb: {  	s0 =	sor.u32 s1, s0  }
0xbc: {  	s0 =	sadd.s32 $0x8F2B, s0  }
0xbd: {  	[sflag:s0] =	ssyncadd.remote.s32 $0x1  }
0xbe: {  	_ =	sfence.sel $0xFFFF  }
0xbf: {  	[dreg:$0x0] =	wrdreg $0xFFFFFFFF;
	(pc) =	sbr.abs _section_cstart, $3  }
0xc0: {  	[dreg:$0x1] =	wrdreg $0xFFFFFFFF  }
0xc1: {  	_ =	task.clear_ibuf [dreg:s6], $0x2FFFF;
	_ =	strace $0x9FFFFFFF  }
0xc2: {  	(tm) =	ssettm $0x7FFFFFFF  }
0xc3: {  	_ =	shalt  }
tec
execute0_lowered:
.L_overlay_start_1:
0x0: {  	(tag) =	ssettag $0x1  }
0x1: {  	s0 =	rddreg [dreg:$0x0];
	s2 =	srdreg.scid  }
0x2: {  	s1 =	rddreg [dreg:$0x1];
	s7 =	sand.u32 $0x1, s2  }
0x3: {  	s3 =	simm.s32 $0x0;
	s2 =	stileid.u32;
	s8 =	smul.u32 $0x30D40, s7  }
0x4: {  	s31 =	simm.s32 $0x0;
	[smem:$0x7FF] =	sst s3;
	s14 =	smul.u32 $0x7D00, s2  }
0x5: {  	s4 =	sshll.u32 s7, $0x4;
	s9 =	ssub.s32 $0x2, s7;
	s7 =	smul.u32 $0xC30, s7  }
0x6: {  	s11 =	sadd.s32 $0x33400, s0;
	s18 =	sor.u32 $0x30, s2;
	s26 =	smul.u32 $0x2800, s2  }
0x7: {  	_ =	strace $0x80000047;
	s5 =	sor.u32 s2, s4;
	s25 =	smul.u32 $0x7D00, s18  }
0x8: {  	s4 =	sadd.s32 $0x2600, s0;
	s12 =	sshrl.u32 s9, $0x1;
	s6 =	smul.u32 $0xC3, s5  }
0x9: {  	s10 =	smin.u32 s5, $0xA;
	s0 =	sadd.s32 s8, s0;
	s28 =	ssub.s32 s9, s12  }
0xa: {  	p0 =	slt.u32 s5, $0xA;
	s5 =	simm.s32 $0xC4;
	s21 =	sshrl.u32 s14, $0x3  }
0xb: {  	s15 =	sadd.s32 s14, s1;
	s24 =	sadd.s32 $0x7D000, s14;
	s9 =	sadd.s32 $0xFA000, s14  }
0xc: {  	s0 =	sadd.s32 $0x64200, s0;
	s8 =	smax.u32 s28, $0x1;
	s28 =	sshrl.u32 s26, $0x2  }
0xd: {  	s16 =	sshrl.u32 s24, $0x3;
	[dreg:$0x7] =	wrdreg s8;
	s12 =	sadd.s32 s28, s1  }
0xe: {  	s17 =	sadd.s32 s24, s1;
	s8 =	sadd.s32 s21, s0;
	[dreg:$0x8] =	wrdreg s12  }
0xf: {  	s6 =	sadd.s32 s10, s6;
	s16 =	sadd.s32 s16, s0;
	[dreg:$0xb] =	wrdreg s8  }
0x10: {  	s24 =	sshrl.u32 s17, $0x3;
	s6 =	sshll.u32 s6, $0x5;
	[dreg:$0xc] =	wrdreg s16  }
0x11: {  	s5 =	simm.s32 @!p0 $0xC3;
	[dreg:$0x10] =	wrdreg s24;
	s6 =	sadd.s32 s11, s6  }
0x12: {  	s23 =	sadd.s32 s25, s1;
	s13 =	sadd.s32 $0x20, s6;
	[dreg:$0x3] =	wrdreg s6  }
0x13: {  	p0 =	sgt.u32 s18, $0x31;
	s19 =	sadd.s32 $0x40, s6;
	[dreg:$0x4] =	wrdreg s13  }
0x14: {  	s29 =	sadd.s32 $0x2, s5;
	s20 =	sadd.s32 $0x60, s6;
	[dreg:$0x5] =	wrdreg s19  }
0x15: {  	s26 =	sadd.s32 $0x80, s6;
	s28 =	sadd.s32 $0xA0, s6;
	[dreg:$0x6] =	wrdreg s20  }
0x16: {  	s13 =	smul.u32 $0xC3, s2;
	s19 =	sshrl.u32 s9, $0x3;
	[dreg:$0x13] =	wrdreg s26  }
0x17: {  	s30 =	sadd.s32 $0x4, s5;
	[dreg:$0x14] =	wrdreg s28;
	s18 =	sadd.s32 s19, s0  }
0x18: {  	s19 =	sshrl.u32 s15, $0x3;
	s7 =	sadd.s32 s13, s7;
	[dreg:$0xd] =	wrdreg s18  }
0x19: {  	s9 =	sadd.s32 s9, s1;
	[dreg:$0xf] =	wrdreg s19;
	s7 =	sadd.s32 s10, s7  }
0x1a: {  	s10 =	sshrl.u32 s25, $0x3;
	s25 =	sshrl.u32 s9, $0x3;
	s7 =	sshll.u32 s7, $0x5  }
0x1b: {  	s0 =	sadd.s32 @!p0 s10, s0;
	[dreg:$0x11] =	wrdreg s25;
	s7 =	sadd.s32 s7, s11  }
0x1c: {  	[dreg:$0xe] =	wrdreg s0;
	s0 =	simm.s32 @!p0 $0x0;
	s13 =	sadd.s32 $0xC0, s7  }
0x1d: {  	s14 =	sadd.s32 $0x40, s7;
	s22 =	sadd.s32 $0xE0, s7;
	[dreg:$0x9] =	wrdreg s13  }
0x1e: {  	s20 =	sadd.s32 $0xA0, s7;
	s0 =	simm.s32 @p0 $0x1;
	[dreg:$0xa] =	wrdreg s14  }
0x1f: {  	s21 =	sadd.s32 $0x80, s7;
	[smem:$0x7FD] =	sst s0;
	s0 =	sshrl.u32 @!p0 s23, $0x3  }
0x20: {  	v0 =	vimm.f32 $0.0e+00;
	s14 =	sadd.s32 $0x60, s7;
	[dreg:$0x12] =	wrdreg s0;
	s0 =	simm.s32 $0x13  }
.LBB2_1:
0x21: {  	s7 =	simm.s32 $0x0  }
.LBB2_2:
0x22: {  	p0 =	sne.s32 s7, $0x2780  }
.Ltmp0:
0x23: {  	_ = 	snop;
	(pc) =	sbr.rel @p0 .LBB2_2-.Ltmp0, $4  }
0x24: {  	_ = 	snop  }
0x25: {  	s8 =	sshra.s32 s7, $0x2  }
0x26: {  	[tilespmem:s8+$0x6600] =	vst v0  }
0x27: {  	s7 =	sadd.s32 $0x80, s7;
	[tilespmem:s8+$0x6610] =	vst v0  }
0x28: {  	s7 =	sadd.s32 $0x0, s2  }
0x29: {  	p0 =	sgt.u32 s7, $0x270  }
0x2a: {  	s6 =	rddreg [dreg:$0x8];
	s7 =	simm.s32 @!p0 $0x6600;
	s10 =	simm.s32 @!p0 $0x13  }
0x2b: {  	[spmem:s6] =	stream.linear.scatter @!p0 [tilespmem:s7], [sflag:$0x13], $0xA00, $0x38;
	[tilespmem:$0x1F6A0] =	vst v63  }
0x2c: {  	s8 =	simm.s32 $0x10;
	_ =	swait.ge @!p0 [sflag:s10], $0xA00  }
0x2d: {  	s9 =	simm.s32 $0x20;
	s7 =	sadd.s32 $0xA000, s6;
	[sflag:s10] =	ssyncset.done @!p0 $0x0  }
.LBB2_4:
0x2e: {  	s15 =	sadd.s32 s8, s2;
	s8 =	smov.u32 s9;
	s9 =	sadd.s32 $0x10, s9  }
0x2f: {  	[sflag:s10] =	ssyncadd.s32 @!p0 $0xFFFFF600;
	p1 =	sne.s32 s9, $0x280  }
.Ltmp1:
0x30: {  	p0 =	sgt.u32 s15, $0x270;
	(pc) =	sbr.rel @p1 .LBB2_4-.Ltmp1, $4  }
0x31: {  	s15 =	simm.s32 @!p0 $0x6600;
	s10 =	simm.s32 @!p0 $0x13  }
0x32: {  	[spmem:s7] =	stream.linear.scatter @!p0 [tilespmem:s15], [sflag:$0x13], $0xA00, $0x38;
	[tilespmem:$0x1F6A0] =	vst v63  }
0x33: {  	_ =	swait.ge @!p0 [sflag:s10], $0xA00  }
0x34: {  	s7 =	sadd.s32 $0xA000, s7;
	[sflag:s10] =	ssyncset.done @!p0 $0x0  }
0x35: {  	s8 =	sadd.s32 s8, s2  }
0x36: {  	p1 =	sgt.u32 s8, $0x270  }
0x37: {  	[sflag:s10] =	ssyncadd.s32 @!p0 $0xFFFFF600;
	s8 =	simm.s32 @!p1 $0x6600;
	s9 =	simm.s32 @!p1 $0x13  }
0x38: {  	[spmem:s7] =	stream.linear.scatter @!p1 [tilespmem:s8], [sflag:$0x13], $0xA00, $0x38;
	[tilespmem:$0x1F6A0] =	vst v63  }
0x39: {  	_ =	swait.ge @!p1 [sflag:s9], $0xA00  }
0x3a: {  	[sflag:s9] =	ssyncset.done @!p1 $0x0  }
0x3b: {  	[sflag:s9] =	ssyncadd.s32 @!p1 $0xFFFFF600  }
0x3c: {  	[bflag:$0x0] =	sbarrier.arrive $0xFFFF  }
0x3d: {  	s6 =	rddreg [dreg:$0x3]  }
0x3e: {  	[tilespmem:s3], [sflag:$0x1] =	stream.linear.gather [hbm4b:s6+s3], $0x100, $0x38;
	[tilespmem:$0x1F6A0] =	vst v63  }
0x3f: {  	s16 =	simm.s32 $0x100;
	s18 =	simm.s32 $0x200;
	s15 =	rddreg [dreg:$0x4]  }
0x40: {  	[tilespmem:s16], [sflag:$0x2] =	stream.linear.gather [hbm4b:s15+s3], $0x100, $0x38;
	[tilespmem:$0x1F6A0] =	vst v63  }
0x41: {  	s23 =	simm.s32 $0x300;
	s25 =	simm.s32 $0x400;
	s17 =	rddreg [dreg:$0x5]  }
0x42: {  	[tilespmem:s18], [sflag:$0x3] =	stream.linear.gather [hbm4b:s17+s3], $0x100, $0x38;
	[tilespmem:$0x1F6A0] =	vst v63  }
0x43: {  	s28 =	simm.s32 $0x500;
	p2 =	por $0x1, $0x1;
	s19 =	rddreg [dreg:$0x6]  }
0x44: {  	[tilespmem:s23], [sflag:$0x4] =	stream.linear.gather [hbm4b:s19+s3], $0x100, $0x38;
	[tilespmem:$0x1F6A0] =	vst v63  }
0x45: {  	p0 =	sle.u32 @!p2 s29, $0x0;
	p1 =	sle.u32 s5, $0x0;
	s24 =	rddreg [dreg:$0x13]  }
0x46: {  	[tilespmem:s25], [sflag:$0x5] =	stream.linear.gather [hbm4b:s24+s3], $0x100, $0x38;
	[tilespmem:$0x1F6A0] =	vst v63  }
0x47: {  	p4 =	sle.u32 @!p2 s30, $0x0;
	s8 =	simm.s32 @!p1 $0x1;
	s26 =	rddreg [dreg:$0x14]  }
0x48: {  	[tilespmem:s28], [sflag:$0x6] =	stream.linear.gather [hbm4b:s26+s3], $0x100, $0x38;
	[tilespmem:$0x1F6A0] =	vst v63  }
0x49: {  	p3 =	por p0, p2;
	p0 =	por p4, p2;
	_ =	swait.ge @!p1 [sflag:s8], $0x100  }
0x4a: {  	s9 =	simm.s32 @!p3 $0xB;
	s7 =	simm.s32 @!p1 $0x80;
	[sflag:s8] =	ssyncset.done @!p1 $0x0  }
0x4b: {  	s10 =	simm.s32 @!p1 $0x0;
	[sflag:s8] =	ssyncadd.s32 @!p1 $0xFFFFFF00;
	s8 =	simm.s32 @!p1 $0x600  }
0x4c: {  	[tilespmem:s8], [sflag:$0x7] =	stream.indirect.gather @!p1 [hbm4b:s4+s7], $0x20, s10, s7, $0xb8;
	[tilespmem:$0x1F6A0] =	vst v63  }
0x4d: {  	p5 =	sle.u32 @!p0 s5, $0x2;
	_ =	swait.ge @!p3 [sflag:s9], $0x1000  }
0x4e: {  	p5 =	por @!p2 p5, p4;
	s15 =	simm.s32 @!p3 $0x480;
	[sflag:s9] =	ssyncset.done @!p3 $0x0  }
0x4f: {  	s10 =	simm.s32 @!p3 $0x80;
	[sflag:s9] =	ssyncadd.s32 @!p3 $0xFFFFF000;
	s9 =	simm.s32 @!p3 $0x4600  }
0x50: {  	[spmem:s1] =	stream.indirect.scatter.add.f32 @!p3 [tilespmem:s9], [sflag:$0x11], $0x20, s15, s10, $0xb8;
	[tilespmem:$0x1F6A0] =	vst v63  }
0x51: {  	p4 =	sle.u32 s5, $0x1;
	p5 =	por p5, p2;
	s9 =	simm.s32 @!p0 $0xF  }
0x52: {  	s16 =	simm.s32 @!p5 $0x200;
	s17 =	simm.s32 @!p4 $0x100;
	_ =	swait.ge @!p0 [sflag:s9], $0x1000  }
0x53: {  	p3 =	sle.u32 @!p2 s29, $0x1;
	s10 =	simm.s32 @!p4 $0x2;
	[sflag:s9] =	ssyncset.done @!p0 $0x0  }
0x54: {  	s15 =	simm.s32 @!p5 $0x0;
	s6 =	rddreg [dreg:$0xa];
	[sflag:s9] =	ssyncadd.s32 @!p0 $0xFFFFF000  }
0x55: {  	[tilespmem:s16], [sflag:$0x3] =	stream.linear.gather @!p5 [hbm4b:s6+s15], $0x100, $0x38;
	[tilespmem:$0x1F6A0] =	vst v63  }
0x56: {  	p3 =	por p3, p2;
	s9 =	simm.s32 @!p4 $0x1600;
	_ =	swait.ge @!p4 [sflag:s10], $0x100  }
0x57: {  	p5 =	sle.u32 @!p2 s30, $0x1;
	s15 =	simm.s32 @!p3 $0xC;
	[sflag:s10] =	ssyncset.done @!p4 $0x0  }
0x58: {  	s16 =	simm.s32 @!p3 $0x580;
	[sflag:s10] =	ssyncadd.s32 @!p4 $0xFFFFFF00;
	s10 =	simm.s32 @!p4 $0x80  }
0x59: {  	[tilespmem:s9], [sflag:$0x8] =	stream.indirect.gather @!p4 [hbm4b:s4+s10], $0x20, s17, s10, $0xb8;
	[tilespmem:$0x1F6A0] =	vst v63  }
0x5a: {  	p0 =	por p5, p2;
	s9 =	simm.s32 @!p3 $0x5600;
	_ =	swait.ge @!p3 [sflag:s15], $0x1000  }
0x5b: {  	s10 =	simm.s32 @!p0 $0x10;
	p4 =	sle.u32 @!p0 s5, $0x3;
	[sflag:s15] =	ssyncset.done @!p3 $0x0  }
0x5c: {  	p4 =	por @!p2 p4, p5;
	[sflag:s15] =	ssyncadd.s32 @!p3 $0xFFFFF000;
	s15 =	simm.s32 @!p3 $0x80  }
0x5d: {  	[spmem:s1] =	stream.indirect.scatter.add.f32 @!p3 [tilespmem:s9], [sflag:$0x12], $0x20, s16, s15, $0xb8;
	[tilespmem:$0x1F6A0] =	vst v63  }
0x5e: {  	p3 =	por p4, p2;
	_ =	swait.ge @!p0 [sflag:s10], $0x1000  }
0x5f: {  	p4 =	sle.u32 s5, $0x2;
	s9 =	simm.s32 @!p3 $0x0;
	[sflag:s10] =	ssyncset.done @!p0 $0x0  }
0x60: {  	s15 =	simm.s32 @!p3 $0x300;
	[sflag:s10] =	ssyncadd.s32 @!p0 $0xFFFFF000;
	s10 =	simm.s32 @!p4 $0x3  }
0x61: {  	[tilespmem:s15], [sflag:$0x4] =	stream.linear.gather @!p3 [hbm4b:s14+s9], $0x100, $0x38;
	[tilespmem:$0x1F6A0] =	vst v63  }
0x62: {  	_ =	swait.ge @!p4 [sflag:s10], $0x100  }
0x63: {  	s16 =	simm.s32 @!p4 $0x200;
	s9 =	simm.s32 @!p4 $0x2600;
	[sflag:s10] =	ssyncset.done @!p4 $0x0  }
0x64: {  	s15 =	simm.s32 @!p4 $0x80;
	[sflag:s10] =	ssyncadd.s32 @!p4 $0xFFFFFF00;
	s10 =	simm.s32 @!p1 $0x7  }
0x65: {  	[tilespmem:s9], [sflag:$0x9] =	stream.indirect.gather @!p4 [hbm4b:s4+s15], $0x20, s16, s15, $0xb8;
	[tilespmem:$0x1F6A0] =	vst v63  }
0x66: {  	p0 =	sle.u32 @!p2 s30, $0x2;
	_ =	swait.ge @!p1 [sflag:s10], $0x1000  }
0x67: {  	p3 =	por p0, p2;
	[sflag:s10] =	ssyncset.done @!p1 $0x0  }
0x68: {  	s9 =	simm.s32 @!p3 $0x11;
	p4 =	sle.u32 @!p3 s5, $0x4;
	[sflag:s10] =	ssyncadd.s32 @!p1 $0xFFFFF000  }
0x69: {  	[spmem:s1] =	stream.indirect.scatter.add.f32 @!p1 [tilespmem:s8], [sflag:$0xD], $0x20, s7, s7, $0xb8;
	[tilespmem:$0x1F6A0] =	vst v63  }
0x6a: {  	p0 =	por @!p2 p4, p0;
	_ =	swait.ge @!p3 [sflag:s9], $0x1000  }
0x6b: {  	p4 =	sle.u32 s5, $0x3;
	p0 =	por p0, p2;
	[sflag:s9] =	ssyncset.done @!p3 $0x0  }
0x6c: {  	s7 =	simm.s32 @!p0 $0x0;
	s8 =	simm.s32 @!p0 $0x400;
	[sflag:s9] =	ssyncadd.s32 @!p3 $0xFFFFF000  }
0x6d: {  	[tilespmem:s8], [sflag:$0x5] =	stream.linear.gather @!p0 [hbm4b:s21+s7], $0x100, $0x38;
	[tilespmem:$0x1F6A0] =	vst v63  }
0x6e: {  	s7 =	simm.s32 @!p4 $0x4  }
0x6f: {  	s10 =	simm.s32 @!p4 $0x300;
	_ =	swait.ge @!p4 [sflag:s7], $0x100  }
0x70: {  	p3 =	sle.u32 s29, $0x3;
	s9 =	simm.s32 @!p4 $0x80;
	[sflag:s7] =	ssyncset.done @!p4 $0x0  }
0x71: {  	p0 =	sle.u32 @!p2 s30, $0x3;
	s8 =	simm.s32 @!p4 $0x3600;
	[sflag:s7] =	ssyncadd.s32 @!p4 $0xFFFFFF00  }
0x72: {  	[tilespmem:s8], [sflag:$0xA] =	stream.indirect.gather @!p4 [hbm4b:s4+s9], $0x20, s10, s9, $0xb8;
	[tilespmem:$0x1F6A0] =	vst v63  }
0x73: {  	s7 =	simm.s32 @!p3 $0x8;
	s8 =	simm.s32 @!p3 $0x1600;
	p4 =	por p0, p2  }
0x74: {  	s9 =	simm.s32 @!p3 $0x180;
	_ =	swait.ge @!p3 [sflag:s7], $0x1000;
	p5 =	sle.u32 @!p4 s5, $0x5  }
0x75: {  	s10 =	simm.s32 @!p3 $0x80;
	[sflag:s7] =	ssyncset.done @!p3 $0x0;
	p0 =	por @!p2 p5, p0  }
0x76: {  	s15 =	simm.s32 @!p4 $0x12;
	[sflag:s7] =	ssyncadd.s32 @!p3 $0xFFFFF000;
	p0 =	por p0, p2  }
0x77: {  	[spmem:s1] =	stream.indirect.scatter.add.f32 @!p3 [tilespmem:s8], [sflag:$0xE], $0x20, s9, s10, $0xb8;
	[tilespmem:$0x1F6A0] =	vst v63  }
0x78: {  	s7 =	simm.s32 $0x7;
	p2 =	sle.u32 s5, $0x4;
	s8 =	simm.s32 @!p0 $0x0  }
0x79: {  	s9 =	simm.s32 @!p0 $0x500;
	s10 =	simm.s32 @!p2 $0x5;
	_ =	swait.ge @!p4 [sflag:s15], $0x1000  }
0x7a: {  	p3 =	sle.u32 s29, $0x4;
	s16 =	simm.s32 @!p2 $0x80;
	[sflag:s15] =	ssyncset.done @!p4 $0x0  }
0x7b: {  	s17 =	simm.s32 @!p2 $0x400;
	s18 =	simm.s32 @!p3 $0x9;
	[sflag:s15] =	ssyncadd.s32 @!p4 $0xFFFFF000  }
0x7c: {  	[tilespmem:s9], [sflag:$0x6] =	stream.linear.gather @!p0 [hbm4b:s20+s8], $0x100, $0x38;
	[tilespmem:$0x1F6A0] =	vst v63  }
0x7d: {  	s19 =	simm.s32 @!p3 $0x280;
	s15 =	simm.s32 @!p2 $0x4600;
	_ =	swait.ge @!p2 [sflag:s10], $0x100  }
0x7e: {  	p4 =	sle.u32 s30, $0x5;
	s8 =	simm.s32 $0xD;
	[sflag:s10] =	ssyncset.done @!p2 $0x0  }
0x7f: {  	p0 =	sle.u32 @!p1 s5, $0x6;
	s9 =	sadd.s32 $0xC0, s21;
	[sflag:s10] =	ssyncadd.s32 @!p2 $0xFFFFFF00  }
0x80: {  	[tilespmem:s15], [sflag:$0xB] =	stream.indirect.gather @!p2 [hbm4b:s4+s16], $0x20, s17, s16, $0xb8;
	[tilespmem:$0x1F6A0] =	vst v63  }
0x81: {  	p0 =	por p0, p1;
	s10 =	sadd.s32 $0xC0, s20;
	_ =	swait.ge @!p3 [sflag:s18], $0x1000  }
0x82: {  	s15 =	simm.s32 @!p3 $0x2600;
	s16 =	sadd.s32 $0xC0, s22;
	[sflag:s18] =	ssyncset.done @!p3 $0x0  }
0x83: {  	s17 =	simm.s32 @!p3 $0x80;
	[sflag:s18] =	ssyncadd.s32 @!p3 $0xFFFFF000;
	s18 =	simm.s32 @!p1 $0xD  }
0x84: {  	[spmem:s1] =	stream.indirect.scatter.add.f32 @!p3 [tilespmem:s15], [sflag:$0xF], $0x20, s19, s17, $0xb8;
	[tilespmem:$0x1F6A0] =	vst v63  }
0x85: {  	p2 =	sle.u32 s29, $0x5;
	p3 =	sle.u32 s5, $0x5;
	_ =	swait.ge @!p1 [sflag:s18], $0x1000  }
0x86: {  	s15 =	simm.s32 @!p0 $0x0;
	s19 =	simm.s32 @!p3 $0x6;
	[sflag:s18] =	ssyncset.done @!p1 $0x0  }
0x87: {  	[sflag:s18] =	ssyncadd.s32 @!p1 $0xFFFFF000;
	s18 =	sadd.s32 $0xC0, s6;
	s6 =	rddreg [dreg:$0x9]  }
0x88: {  	[tilespmem:s15], [sflag:$0x1] =	stream.linear.gather @!p0 [hbm4b:s6+s15], $0x100, $0x38;
	[tilespmem:$0x1F6A0] =	vst v63  }
0x89: {  	s23 =	simm.s32 @!p2 $0xA;
	s26 =	simm.s32 @!p2 $0x380;
	_ =	swait.ge @!p3 [sflag:s19], $0x100  }
0x8a: {  	s17 =	sadd.s32 $0xC0, s14;
	s24 =	simm.s32 @!p3 $0x80;
	[sflag:s19] =	ssyncset.done @!p3 $0x0  }
0x8b: {  	s25 =	simm.s32 @!p3 $0x500;
	s15 =	simm.s32 @!p3 $0x5600;
	[sflag:s19] =	ssyncadd.s32 @!p3 $0xFFFFFF00  }
0x8c: {  	[tilespmem:s15], [sflag:$0xC] =	stream.indirect.gather @!p3 [hbm4b:s4+s24], $0x20, s25, s24, $0xb8;
	[tilespmem:$0x1F6A0] =	vst v63  }
0x8d: {  	s19 =	sadd.s32 $0xC0, s6;
	s24 =	simm.s32 @!p2 $0x3600;
	_ =	swait.ge @!p2 [sflag:s23], $0x1000  }
0x8e: {  	s25 =	simm.s32 @!p2 $0x80;
	s15 =	smov.u32 s22;
	[sflag:s23] =	ssyncset.done @!p2 $0x0  }
.LBB2_6:
0x8f: {  	p0 =	sge.u32 @!p4 s7, s5;
	s7 =	smov.u32 s8;
	s8 =	sadd.s32 $0x6, s8  }
0x90: {  	[sflag:s23] =	ssyncadd.s32 @!p2 $0xFFFFF000;
	p1 =	sne.s32 s8, $0xD3  }
0x91: {  	[spmem:s1] =	stream.indirect.scatter.add.f32 @!p2 [tilespmem:s24], [sflag:$0x10], $0x20, s26, s25, $0xb8;
	[tilespmem:$0x1F6A0] =	vst v63  }
0x92: {  	s6 =	simm.s32 @!p4 $0xE;
	s12 =	simm.s32 @!p1 $0x0  }
0x93: {  	s11 =	sadd.s32 $0xFFFFFFF9, s7;
	p3 =	seq.s32 s7, $0x7;
	s12 =	simm.s32 @p1 $0x1  }
0x94: {  	s28 =	sadd.s32 $0xFFFFFFFA, s7;
	p0 =	por p0, p4;
	[smem:$0x7FC] =	sst s12  }
0x95: {  	p2 =	sge.u32 s11, s5;
	s23 =	simm.s32 @!p0 $0x0;
	_ =	swait.ge @!p4 [sflag:s6], $0x1000  }
0x96: {  	p5 =	sge.u32 @!p3 s28, s29;
	p1 =	sge.u32 @!p3 s11, s29;
	[sflag:s6] =	ssyncset.done @!p4 $0x0  }
0x97: {  	p6 =	por p1, p3;
	[sflag:s6] =	ssyncadd.s32 @!p4 $0xFFFFF000;
	s6 =	simm.s32 @!p0 $0x100  }
0x98: {  	[tilespmem:s6], [sflag:$0x2] =	stream.linear.gather @!p0 [hbm4b:s15+s23], $0x100, $0x38;
	[tilespmem:$0x1F6A0] =	vst v63  }
0x99: {  	s24 =	simm.s32 @!p2 $0x1;
	s12 =	simm.s32 @!p6 $0x480;
	s23 =	simm.s32 @!p2 $0x80  }
0x9a: {  	s6 =	simm.s32 @!p6 $0xB;
	p0 =	sge.u32 @!p3 s11, s30;
	_ =	swait.ge @!p2 [sflag:s24], $0x100  }
0x9b: {  	s15 =	simm.s32 @!p2 $0x0;
	p4 =	por p0, p3;
	[sflag:s24] =	ssyncset.done @!p2 $0x0  }
0x9c: {  	s13 =	sadd.s32 @!p4 $0xFFFFFFFB, s7;
	[sflag:s24] =	ssyncadd.s32 @!p2 $0xFFFFFF00;
	s24 =	simm.s32 @!p2 $0x600  }
0x9d: {  	[tilespmem:s24], [sflag:$0x7] =	stream.indirect.gather @!p2 [hbm4b:s4+s23], $0x20, s15, s23, $0xb8;
	[tilespmem:$0x1F6A0] =	vst v63  }
0x9e: {  	s11 =	simm.s32 @!p6 $0x80;
	p1 =	sge.u32 @!p4 s13, s5;
	_ =	swait.ge @!p6 [sflag:s6], $0x1000  }
0x9f: {  	s15 =	simm.s32 @!p4 $0xF;
	p1 =	por @!p3 p1, p0;
	[sflag:s6] =	ssyncset.done @!p6 $0x0  }
0xa0: {  	p0 =	sge.u32 s28, s5;
	[sflag:s6] =	ssyncadd.s32 @!p6 $0xFFFFF000;
	s6 =	simm.s32 @!p6 $0x4600  }
0xa1: {  	[spmem:s1] =	stream.indirect.scatter.add.f32 @!p6 [tilespmem:s6], [sflag:$0x11], $0x20, s12, s11, $0xb8;
	[tilespmem:$0x1F6A0] =	vst v63  }
0xa2: {  	p1 =	por p1, p3;
	s13 =	simm.s32 @!p0 $0x100;
	_ =	swait.ge @!p4 [sflag:s15], $0x1000  }
0xa3: {  	s6 =	simm.s32 @!p0 $0x2;
	s11 =	simm.s32 @!p1 $0x0;
	[sflag:s15] =	ssyncset.done @!p4 $0x0  }
0xa4: {  	s12 =	simm.s32 @!p1 $0x200;
	[sflag:s15] =	ssyncadd.s32 @!p4 $0xFFFFF000;
	p4 =	por p5, p3  }
0xa5: {  	[tilespmem:s12], [sflag:$0x3] =	stream.linear.gather @!p1 [hbm4b:s18+s11], $0x100, $0x38;
	[tilespmem:$0x1F6A0] =	vst v63  }
0xa6: {  	p5 =	sge.u32 @!p3 s28, s30;
	s11 =	simm.s32 @!p0 $0x1600;
	_ =	swait.ge @!p0 [sflag:s6], $0x100  }
0xa7: {  	s12 =	simm.s32 @!p4 $0xC;
	s15 =	simm.s32 @!p4 $0x5600;
	[sflag:s6] =	ssyncset.done @!p0 $0x0  }
0xa8: {  	p6 =	por p5, p3;
	[sflag:s6] =	ssyncadd.s32 @!p0 $0xFFFFFF00;
	s6 =	simm.s32 @!p0 $0x80  }
0xa9: {  	[tilespmem:s11], [sflag:$0x8] =	stream.indirect.gather @!p0 [hbm4b:s4+s6], $0x20, s13, s6, $0xb8;
	[tilespmem:$0x1F6A0] =	vst v63  }
0xaa: {  	s28 =	sadd.s32 @!p6 $0xFFFFFFFC, s7;
	s6 =	simm.s32 @!p6 $0x10;
	_ =	swait.ge @!p4 [sflag:s12], $0x1000  }
0xab: {  	p0 =	sge.u32 @!p6 s28, s5;
	s11 =	simm.s32 @!p4 $0x580;
	[sflag:s12] =	ssyncset.done @!p4 $0x0  }
0xac: {  	p0 =	por @!p3 p0, p5;
	[sflag:s12] =	ssyncadd.s32 @!p4 $0xFFFFF000;
	s12 =	simm.s32 @!p4 $0x80  }
0xad: {  	[spmem:s1] =	stream.indirect.scatter.add.f32 @!p4 [tilespmem:s15], [sflag:$0x12], $0x20, s11, s12, $0xb8;
	[tilespmem:$0x1F6A0] =	vst v63  }
0xae: {  	s26 =	sadd.s32 $0xFFFFFFFB, s7;
	p1 =	por p0, p3;
	_ =	swait.ge @!p6 [sflag:s6], $0x1000  }
0xaf: {  	p0 =	sge.u32 s26, s5;
	s11 =	simm.s32 @!p1 $0x0;
	[sflag:s6] =	ssyncset.done @!p6 $0x0  }
0xb0: {  	s12 =	simm.s32 @!p1 $0x300;
	[sflag:s6] =	ssyncadd.s32 @!p6 $0xFFFFF000;
	s6 =	simm.s32 @!p0 $0x3  }
0xb1: {  	[tilespmem:s12], [sflag:$0x4] =	stream.linear.gather @!p1 [hbm4b:s17+s11], $0x100, $0x38;
	[tilespmem:$0x1F6A0] =	vst v63  }
0xb2: {  	p5 =	sge.u32 @!p3 s26, s30;
	_ =	swait.ge @!p0 [sflag:s6], $0x100  }
0xb3: {  	s13 =	simm.s32 @!p0 $0x200;
	s11 =	simm.s32 @!p0 $0x2600;
	[sflag:s6] =	ssyncset.done @!p0 $0x0  }
0xb4: {  	s12 =	simm.s32 @!p0 $0x80;
	[sflag:s6] =	ssyncadd.s32 @!p0 $0xFFFFFF00;
	s6 =	simm.s32 @!p2 $0x7  }
0xb5: {  	[tilespmem:s11], [sflag:$0x9] =	stream.indirect.gather @!p0 [hbm4b:s4+s12], $0x20, s13, s12, $0xb8;
	[tilespmem:$0x1F6A0] =	vst v63  }
0xb6: {  	p0 =	por p5, p3;
	_ =	swait.ge @!p2 [sflag:s6], $0x1000  }
0xb7: {  	s25 =	sadd.s32 @!p2 $0xFFFFFFFF, s7;
	s11 =	sadd.s32 @!p0 $0xFFFFFFFD, s7;
	[sflag:s6] =	ssyncset.done @!p2 $0x0  }
0xb8: {  	p1 =	sge.u32 @!p0 s11, s5;
	[sflag:s6] =	ssyncadd.s32 @!p2 $0xFFFFF000;
	s6 =	simm.s32 @!p0 $0x11  }
0xb9: {  	[spmem:s1] =	stream.indirect.scatter.add.f32 @!p2 [tilespmem:s24], [sflag:$0xD], $0x20, s23, s23, $0xb8;
	[tilespmem:$0x1F6A0] =	vst v63  }
0xba: {  	s11 =	sadd.s32 $0xFFFFFFFC, s7;
	p1 =	por @!p3 p1, p5;
	_ =	swait.ge @!p0 [sflag:s6], $0x1000  }
0xbb: {  	p6 =	sge.u32 s11, s5;
	p1 =	por p1, p3;
	[sflag:s6] =	ssyncset.done @!p0 $0x0  }
0xbc: {  	s12 =	simm.s32 @!p1 $0x400;
	[sflag:s6] =	ssyncadd.s32 @!p0 $0xFFFFF000;
	s6 =	simm.s32 @!p1 $0x0  }
0xbd: {  	[tilespmem:s12], [sflag:$0x5] =	stream.linear.gather @!p1 [hbm4b:s9+s6], $0x100, $0x38;
	[tilespmem:$0x1F6A0] =	vst v63  }
0xbe: {  	p4 =	sge.u32 @!p2 s25, s5;
	p5 =	sge.u32 @!p3 s11, s30;
	s6 =	simm.s32 @!p6 $0x4  }
0xbf: {  	s13 =	simm.s32 @!p6 $0x300;
	p0 =	sge.u32 s11, s29;
	_ =	swait.ge @!p6 [sflag:s6], $0x100  }
0xc0: {  	s11 =	simm.s32 @!p6 $0x80;
	s12 =	simm.s32 @!p6 $0x3600;
	[sflag:s6] =	ssyncset.done @!p6 $0x0  }
0xc1: {  	s23 =	simm.s32 @!p0 $0x1600;
	[sflag:s6] =	ssyncadd.s32 @!p6 $0xFFFFFF00;
	s6 =	simm.s32 @!p0 $0x8  }
0xc2: {  	[tilespmem:s12], [sflag:$0xA] =	stream.indirect.gather @!p6 [hbm4b:s4+s11], $0x20, s13, s11, $0xb8;
	[tilespmem:$0x1F6A0] =	vst v63  }
0xc3: {  	s11 =	simm.s32 @!p0 $0x180;
	p6 =	por p5, p3;
	_ =	swait.ge @!p0 [sflag:s6], $0x1000  }
0xc4: {  	s12 =	simm.s32 @!p0 $0x80;
	s13 =	sadd.s32 @!p6 $0xFFFFFFFE, s7;
	[sflag:s6] =	ssyncset.done @!p0 $0x0  }
0xc5: {  	p1 =	sge.u32 @!p6 s13, s5;
	[sflag:s6] =	ssyncadd.s32 @!p0 $0xFFFFF000;
	s6 =	simm.s32 @!p6 $0x12  }
0xc6: {  	[spmem:s1] =	stream.indirect.scatter.add.f32 @!p0 [tilespmem:s23], [sflag:$0xE], $0x20, s11, s12, $0xb8;
	[tilespmem:$0x1F6A0] =	vst v63  }
0xc7: {  	s25 =	sadd.s32 $0xFFFFFFFD, s7;
	p0 =	por @!p3 p1, p5;
	_ =	swait.ge @!p6 [sflag:s6], $0x1000  }
0xc8: {  	p0 =	por p0, p3;
	p3 =	sge.u32 s25, s5;
	[sflag:s6] =	ssyncset.done @!p6 $0x0  }
0xc9: {  	s12 =	simm.s32 @!p0 $0x500;
	[sflag:s6] =	ssyncadd.s32 @!p6 $0xFFFFF000;
	s6 =	simm.s32 @!p0 $0x0  }
0xca: {  	[tilespmem:s12], [sflag:$0x6] =	stream.linear.gather @!p0 [hbm4b:s10+s6], $0x100, $0x38;
	[tilespmem:$0x1F6A0] =	vst v63  }
0xcb: {  	s6 =	simm.s32 @!p3 $0x5  }
0xcc: {  	s11 =	simm.s32 @!p3 $0x80;
	_ =	swait.ge @!p3 [sflag:s6], $0x100  }
0xcd: {  	s13 =	simm.s32 @!p3 $0x400;
	p0 =	sge.u32 s25, s29;
	[sflag:s6] =	ssyncset.done @!p3 $0x0  }
0xce: {  	s12 =	simm.s32 @!p3 $0x4600;
	[sflag:s6] =	ssyncadd.s32 @!p3 $0xFFFFFF00;
	s6 =	simm.s32 @!p0 $0x9  }
0xcf: {  	[tilespmem:s12], [sflag:$0xB] =	stream.indirect.gather @!p3 [hbm4b:s4+s11], $0x20, s13, s11, $0xb8;
	[tilespmem:$0x1F6A0] =	vst v63  }
0xd0: {  	_ =	swait.ge @!p0 [sflag:s6], $0x1000  }
0xd1: {  	s11 =	simm.s32 @!p0 $0x2600;
	s12 =	simm.s32 @!p0 $0x80;
	[sflag:s6] =	ssyncset.done @!p0 $0x0  }
0xd2: {  	s13 =	simm.s32 @!p0 $0x280;
	[sflag:s6] =	ssyncadd.s32 @!p0 $0xFFFFF000;
	s6 =	simm.s32 @!p2 $0xD  }
0xd3: {  	[spmem:s1] =	stream.indirect.scatter.add.f32 @!p0 [tilespmem:s11], [sflag:$0xF], $0x20, s13, s12, $0xb8;
	[tilespmem:$0x1F6A0] =	vst v63  }
0xd4: {  	s26 =	sadd.s32 $0xFFFFFFFE, s7;
	_ =	swait.ge @!p2 [sflag:s6], $0x1000  }
0xd5: {  	p1 =	por p4, p2;
	p0 =	sge.u32 s26, s5;
	[sflag:s6] =	ssyncset.done @!p2 $0x0  }
0xd6: {  	s12 =	simm.s32 @!p1 $0x0;
	[sflag:s6] =	ssyncadd.s32 @!p2 $0xFFFFF000;
	s6 =	simm.s32 @!p0 $0x6  }
0xd7: {  	[tilespmem:s12], [sflag:$0x1] =	stream.linear.gather @!p1 [hbm4b:s19+s12], $0x100, $0x38;
	[tilespmem:$0x1F6A0] =	vst v63  }
0xd8: {  	s13 =	simm.s32 @!p0 $0x80;
	_ =	swait.ge @!p0 [sflag:s6], $0x100  }
0xd9: {  	s24 =	simm.s32 @!p0 $0x500;
	p2 =	sge.u32 s26, s29;
	[sflag:s6] =	ssyncset.done @!p0 $0x0  }
0xda: {  	s12 =	simm.s32 @!p0 $0x5600;
	s23 =	simm.s32 @!p2 $0xA;
	[sflag:s6] =	ssyncadd.s32 @!p0 $0xFFFFFF00  }
0xdb: {  	[tilespmem:s12], [sflag:$0xC] =	stream.indirect.gather @!p0 [hbm4b:s4+s13], $0x20, s24, s13, $0xb8;
	[tilespmem:$0x1F6A0] =	vst v63  }
0xdc: {  	_ =	swait.ge @!p2 [sflag:s23], $0x1000  }
0xdd: {  	s28 =	sld [smem:$0x7FC];
	_ =	sdelay $0x2  }
0xde: {  	p0 =	seq.s32 s28, $0x1  }
.Ltmp2:
0xdf: {  	_ = 	snop;
	(pc) =	sbr.rel @p0 .LBB2_6-.Ltmp2, $4  }
0xe0: {  	s18 =	sadd.s32 $0xC0, s18;
	s15 =	smov.u32 s16;
	s16 =	sadd.s32 $0xC0, s16  }
0xe1: {  	s17 =	sadd.s32 $0xC0, s17;
	s9 =	sadd.s32 $0xC0, s9;
	p4 =	sge.u32 s26, s30  }
0xe2: {  	s10 =	sadd.s32 $0xC0, s10;
	s19 =	sadd.s32 $0xC0, s19;
	s25 =	simm.s32 @!p2 $0x80  }
0xe3: {  	s26 =	simm.s32 @!p2 $0x380;
	s24 =	simm.s32 @!p2 $0x3600;
	[sflag:s23] =	ssyncset.done @!p2 $0x0  }
0xe4: {  	s6 =	simm.s32 @!p4 $0xE;
	[sflag:s23] =	ssyncadd.s32 @!p2 $0xFFFFF000  }
0xe5: {  	[spmem:s1] =	stream.indirect.scatter.add.f32 @!p2 [tilespmem:s24], [sflag:$0x10], $0x20, s26, s25, $0xb8;
	[tilespmem:$0x1F6A0] =	vst v63  }
0xe6: {  	p0 =	sge.u32 @!p4 s7, s5;
	_ =	swait.ge @!p4 [sflag:s6], $0x1000  }
0xe7: {  	p0 =	por p0, p4;
	[sflag:s6] =	ssyncset.done @!p4 $0x0  }
0xe8: {  	s7 =	simm.s32 @!p0 $0x0;
	[sflag:s6] =	ssyncadd.s32 @!p4 $0xFFFFF000;
	s6 =	simm.s32 @!p0 $0x100  }
0xe9: {  	[tilespmem:s6], [sflag:$0x2] =	stream.linear.gather @!p0 [hbm4b:s15+s7], $0x100, $0x38;
	[tilespmem:$0x1F6A0] =	vst v63  }
0xea: {  	[bflag:$0x0] =	sbarrier.arrive $0xFFFF  }
0xeb: {  	s17 =	sshll.u32 s2, $0x6;
	s18 =	rddreg [dreg:$0xb]  }
0xec: {  	s6 =	sor.u32 $0x1C13, s17;
	s8 =	rddreg [dreg:$0xf]  }
0xed: {  	[hbm:s18], [sflag:s6] =	dma.local [spmem:s8], $0xFA0  }
0xee: {  	_ =	swait.ge [sflag:s0], $0xFA0  }
0xef: {  	[sflag:s0] =	ssyncset.done $0x0;
	s19 =	rddreg [dreg:$0xc]  }
0xf0: {  	s23 =	rddreg [dreg:$0x10];
	[sflag:s0] =	ssyncadd.s32 $0xFFFFF060  }
0xf1: {  	[hbm:s19], [sflag:s6] =	dma.local [spmem:s23], $0xFA0  }
0xf2: {  	_ =	swait.ge [sflag:s0], $0xFA0  }
0xf3: {  	[sflag:s0] =	ssyncset.done $0x0;
	s24 =	rddreg [dreg:$0xd]  }
0xf4: {  	s25 =	rddreg [dreg:$0x11];
	[sflag:s0] =	ssyncadd.s32 $0xFFFFF060  }
0xf5: {  	[hbm:s24], [sflag:s6] =	dma.local [spmem:s25], $0xFA0  }
0xf6: {  	_ =	swait.ge [sflag:s0], $0xFA0  }
0xf7: {  	s26 =	sld [smem:$0x7FD];
	_ =	sdelay $0x1  }
0xf8: {  	[sflag:s0] =	ssyncset.done $0x0;
	s7 =	rddreg [dreg:$0xe]  }
0xf9: {  	s8 =	rddreg [dreg:$0x12];
	[sflag:s0] =	ssyncadd.s32 $0xFFFFF060;
	p1 =	seq.s32 s26, $0x1  }
0xfa: {  	[hbm:s7], [sflag:s6] =	dma.local @!p1 [spmem:s8], $0xFA0  }
0xfb: {  	s6 =	simm.s32 @!p1 $0x13  }
0xfc: {  	_ =	swait.ge @!p1 [sflag:s6], $0xFA0  }
0xfd: {  	s31 =	sadd.s32 $0x1, s31;
	s28 =	rddreg [dreg:$0x7]  }
0xfe: {  	p0 =	sne.s32 s31, s28  }
.Ltmp3:
0xff: {  	_ = 	snop;
	(pc) =	sbr.rel @p0 .LBB2_1-.Ltmp3, $3  }
0x100: {  	_ =	sdelay $0x1  }
0x101: {  	[sflag:s6] =	ssyncset.done @!p1 $0x0  }
0x102: {  	[sflag:s6] =	ssyncadd.s32 @!p1 $0xFFFFF060  }
0x103: {  	_ =	sfence.sel $0x180000  }
0x104: {  	[bflag:$0x0] =	sbarrier.arrive $0xFFFF  }
0x105: {  	_ =	strace $0x90000047  }
0x106: {  	[bflag:$0x2] =	sbarrier.arrive $0xFFFF  }
0x107: {  	p0 =	sne.s32 s2, $0x0;
	s0 =	rddreg [dreg:$0x2]  }
0x108: {  	s0 =	sadd.s32 @!p0 $0x100000, s0  }
0x109: {  	[sflag:s0] =	ssyncadd.tile.s32 @!p0 $0x1;
	_ =	shalt  }
.Lfunc_end2:
_tile_overlayer_lowered:
.L_overlay_start_2:
0x10a: {  	(tag) =	ssettag $0x2  }
0x10b: {  	s0 =	rddreg [dreg:$0x0];
	s2 =	stileid.u32  }
0x10c: {  	s1 =	rddreg [dreg:$0x1];
	p0 =	sne.s32 s2, $0x0  }
0x10d: {  	s3 =	rddreg [dreg:$0x2];
	[bflag:$0x3] =	sbarrier.arrive $0xFFFF;
	s2 =	simm.s32 @!p0 $0x1C13  }
0x10e: {  	[timem:s3], [sflag:s2] =	dma.local @!p0 [hbm:s0], s1  }
0x10f: {  	s0 =	simm.s32 @!p0 $0x13  }
0x110: {  	_ =	swait.ge @!p0 [sflag:s0], s1  }
0x111: {  	s1 =	ssub.s32 @!p0 $0x0, s1;
	[sflag:s0] =	ssyncset.done @!p0 $0x0  }
0x112: {  	[sflag:s0] =	ssyncadd.s32 @!p0 s1  }
0x113: {  	[bflag:$0x3] =	sbarrier.arrive $0xFFFF  }
0x114: {  	_ =	shalt  }

</sc_bundles>
